<compile_context>
chip_gen: v7x
topology: tpu7x:2x2x1
jax: 0.10.2.dev20260603
libtpu: 0.0.44.dev20260713+nightly
codegen_flags: <defaults>
</compile_context>

<pallas_src>
import functools

import jax
import jax.numpy as jnp
from jax import lax
from jax.experimental import pallas as pl
from jax.experimental.pallas import tpu as pltpu
from jax.experimental.pallas import tpu_sc as plsc

N_NODES = 10000
N_PAD = 10240
N_EDGES = 320000
D_FEAT = 128
HIDDEN = 16

NC = 2
NS = 16
NW = NC * NS
E_PER_W = N_EDGES // NW
CB = 80
NCH = E_PER_W // CB
ROWS_PER_TILE = N_PAD // NS


NBUF = 5
ROUNDS = NCH // NBUF


@functools.lru_cache(maxsize=None)
def _make_seg_sum(with_deg: bool):
  mesh = plsc.VectorSubcoreMesh(core_axis_name="c", subcore_axis_name="s")
  out_type = [jax.ShapeDtypeStruct((NC, N_PAD, HIDDEN), jnp.float32)]
  scratch = ([pltpu.VMEM((NCH, CB), jnp.int32),
              pltpu.VMEM((NCH, CB), jnp.int32)]
             + [pltpu.VMEM((CB, HIDDEN), jnp.float32) for _ in range(NBUF)]
             + [pltpu.SemaphoreType.DMA for _ in range(2 * NBUF)]
             + [pltpu.VMEM_SHARED((N_PAD, HIDDEN), jnp.float32)])
  if with_deg:
    out_type.append(jax.ShapeDtypeStruct((NC, N_PAD, HIDDEN), jnp.float32))
    scratch.append(pltpu.VMEM((CB, HIDDEN), jnp.float32))
    scratch.append(pltpu.VMEM_SHARED((N_PAD, HIDDEN), jnp.float32))

  def body(xw_h, src_h, dst_h, zero_h, *rest):
    if with_deg:
      one_h, out_h, deg_out_h = rest[0], rest[1], rest[2]
      rest = rest[3:]
    else:
      out_h = rest[0]
      rest = rest[1:]
    src_v, dst_v = rest[0], rest[1]
    rows_v = rest[2:2 + NBUF]
    gsem = rest[2 + NBUF:2 + 2 * NBUF]
    ssem = rest[2 + 2 * NBUF:2 + 3 * NBUF]
    agg_sh = rest[2 + 3 * NBUF]
    if with_deg:
      ones_v, deg_sh = rest[3 + 3 * NBUF], rest[4 + 3 * NBUF]

    cid = lax.axis_index("c")
    sid = lax.axis_index("s")
    wid = cid * NS + sid
    r0 = sid * ROWS_PER_TILE
    pltpu.sync_copy(zero_h, agg_sh.at[pl.ds(r0, ROWS_PER_TILE)])
    if with_deg:
      pltpu.sync_copy(zero_h, deg_sh.at[pl.ds(r0, ROWS_PER_TILE)])
      pltpu.sync_copy(one_h, ones_v)
    pltpu.sync_copy(src_h.at[wid], src_v)
    pltpu.sync_copy(dst_h.at[wid], dst_v)
    plsc.subcore_barrier()

    for b in range(NBUF):
      pltpu.async_copy(xw_h.at[src_v.at[b]], rows_v[b], gsem[b])

    def round_(r, carry):
      j = r * NBUF
      for b in range(NBUF):
        c = j + b
        pltpu.make_async_copy(xw_h.at[src_v.at[c]], rows_v[b], gsem[b]).wait()
        pltpu.async_copy(rows_v[b], agg_sh.at[dst_v.at[c]], ssem[b], add=True)
        if with_deg:
          pltpu.async_copy(ones_v, deg_sh.at[dst_v.at[c]], ssem[b], add=True)
        nxt = c + NBUF

        @pl.when(nxt < NCH)
        def _():
          pltpu.make_async_copy(rows_v[b], agg_sh.at[dst_v.at[c]],
                                ssem[b]).wait()
          if with_deg:
            pltpu.make_async_copy(ones_v, deg_sh.at[dst_v.at[c]],
                                  ssem[b]).wait()
          pltpu.async_copy(xw_h.at[src_v.at[nxt]], rows_v[b], gsem[b])

      return carry

    lax.fori_loop(0, ROUNDS, round_, 0)
    for b in range(NBUF):
      pltpu.make_async_copy(rows_v[b], agg_sh.at[dst_v.at[0]], ssem[b]).wait()
      if with_deg:
        pltpu.make_async_copy(ones_v, deg_sh.at[dst_v.at[0]], ssem[b]).wait()
    plsc.subcore_barrier()
    pltpu.sync_copy(agg_sh.at[pl.ds(r0, ROWS_PER_TILE)],
                    out_h.at[cid, pl.ds(r0, ROWS_PER_TILE)])
    if with_deg:
      pltpu.sync_copy(deg_sh.at[pl.ds(r0, ROWS_PER_TILE)],
                      deg_out_h.at[cid, pl.ds(r0, ROWS_PER_TILE)])

  return pl.kernel(body, mesh=mesh, out_type=tuple(out_type),
                   scratch_types=tuple(scratch),
                   compiler_params=pltpu.CompilerParams(
                       use_tc_tiling_on_sc=False))


def _seg_sum_deg(*args):
  return _make_seg_sum(True)(*args)


def _seg_sum(*args):
  return _make_seg_sum(False)(*args)


PACK = 8
N8 = N_PAD // PACK
_RB = 256
_NRB = N8 // _RB


def _mm0_body(x_ref, wr_ref, wo_ref, b_ref, xw_ref, root_ref):
  x = x_ref[...]
  xw_ref[...] = jnp.dot(x, wr_ref[...], preferred_element_type=jnp.float32)
  root_ref[...] = (jnp.dot(x, wo_ref[...], preferred_element_type=jnp.float32)
                   + b_ref[...])


def _mm0(x8, wr8, wo8, b8):
  return pl.pallas_call(
      _mm0_body,
      grid=(_NRB,),
      in_specs=[
          pl.BlockSpec((_RB, PACK * D_FEAT), lambda i: (i, 0)),
          pl.BlockSpec((PACK * D_FEAT, 128), lambda i: (0, 0)),
          pl.BlockSpec((PACK * D_FEAT, 128), lambda i: (0, 0)),
          pl.BlockSpec((1, 128), lambda i: (0, 0)),
      ],
      out_specs=[
          pl.BlockSpec((_RB, 128), lambda i: (i, 0)),
          pl.BlockSpec((_RB, 128), lambda i: (i, 0)),
      ],
      out_shape=[
          jax.ShapeDtypeStruct((N8, 128), jnp.float32),
          jax.ShapeDtypeStruct((N8, 128), jnp.float32),
      ],
  )(x8, wr8, wo8, b8)


def _combine_body(p_ref, d_ref, root_ref, wr_ref, wo_ref, b_ref,
                  xw_ref, root_o_ref):
  p = p_ref[...]
  d = d_ref[...]
  h = (p[0] + p[1]) / jnp.maximum(d[0] + d[1], 1.0) + root_ref[...]
  xw_ref[...] = jnp.dot(h, wr_ref[...], preferred_element_type=jnp.float32)
  root_o_ref[...] = (jnp.dot(h, wo_ref[...], preferred_element_type=jnp.float32)
                     + b_ref[...])


def _combine(p, d, root, wr8, wo8, b8):
  return pl.pallas_call(
      _combine_body,
      grid=(_NRB,),
      in_specs=[
          pl.BlockSpec((NC, _RB, 128), lambda i: (0, i, 0)),
          pl.BlockSpec((NC, _RB, 128), lambda i: (0, i, 0)),
          pl.BlockSpec((_RB, 128), lambda i: (i, 0)),
          pl.BlockSpec((128, 128), lambda i: (0, 0)),
          pl.BlockSpec((128, 128), lambda i: (0, 0)),
          pl.BlockSpec((1, 128), lambda i: (0, 0)),
      ],
      out_specs=[
          pl.BlockSpec((_RB, 128), lambda i: (i, 0)),
          pl.BlockSpec((_RB, 128), lambda i: (i, 0)),
      ],
      out_shape=[
          jax.ShapeDtypeStruct((N8, 128), jnp.float32),
          jax.ShapeDtypeStruct((N8, 128), jnp.float32),
      ],
  )(p, d, root, wr8, wo8, b8)


def _final_body(p_ref, d_ref, root_ref, lw_ref, lb_ref, out_ref):
  p = p_ref[...]
  d = d_ref[...]
  h = (p[0] + p[1]) / jnp.maximum(d[0] + d[1], 1.0) + root_ref[...]
  rows = lax.broadcasted_iota(jnp.int32, h.shape, 0)
  h = jnp.where(rows < N_NODES // PACK, h, 0.0)
  s = h[0:256] + h[256:512] + h[512:768] + h[768:1024] + h[1024:1280]
  k = 256
  while k > 8:
    k //= 2
    s = s[:k] + s[k:]
  g = jnp.sum(s, axis=0, keepdims=True) / N_NODES
  out_ref[...] = (jnp.sum(g * lw_ref[...], axis=1, keepdims=True)
                  + lb_ref[...])


def _final(p, d, root, lw, lb):
  return pl.pallas_call(
      _final_body,
      out_shape=jax.ShapeDtypeStruct((1, 1), jnp.float32),
  )(p, d, root, lw, lb)


def _kron8(w):
  k = w.shape[0]
  return (jnp.eye(PACK, dtype=w.dtype)[:, None, :, None]
          * w[None, :, None, :]).reshape(PACK * k, PACK * w.shape[1])


def kernel(x, edge_index, edge_attr, W_rel0, W_root0, b0, W_rel1, W_root1, b1,
           W_rel2, W_root2, b2, lin_W, lin_b):
  src = edge_index[0].astype(jnp.int32).reshape(NW, NCH, CB)
  dst = edge_index[1].astype(jnp.int32).reshape(NW, NCH, CB)
  zero = jnp.zeros((ROWS_PER_TILE, HIDDEN), jnp.float32)
  one = jnp.ones((CB, HIDDEN), jnp.float32)

  x8 = jnp.pad(x, ((0, N_PAD - N_NODES), (0, 0))).reshape(N8, PACK * D_FEAT)
  p2l = lambda a: a.reshape(a.shape[:-2] + (a.shape[-2] * PACK, HIDDEN))
  l2p = lambda a: a.reshape(a.shape[:-2] + (a.shape[-2] // PACK, 128))

  xw, root = _mm0(x8, _kron8(W_rel0), _kron8(W_root0),
                  jnp.tile(b0, PACK).reshape(1, 128))
  p, deg = _seg_sum_deg(p2l(xw), src, dst, zero, one)
  p, deg = l2p(p), l2p(deg)
  xw, root = _combine(p, deg, root, _kron8(W_rel1), _kron8(W_root1),
                      jnp.tile(b1, PACK).reshape(1, 128))
  (p1,) = _seg_sum(p2l(xw), src, dst, zero)
  xw, root = _combine(l2p(p1), deg, root, _kron8(W_rel2), _kron8(W_root2),
                      jnp.tile(b2, PACK).reshape(1, 128))
  (p2,) = _seg_sum(p2l(xw), src, dst, zero)
  return _final(l2p(p2), deg, root,
                jnp.tile(lin_W[:, 0], PACK).reshape(1, 128),
                lin_b.reshape(1, 1))

# --- scband reference (transcript-rebuilt; emitter-appended) ---
"""Pipeline reference for scband-rgcn-5454608466095 (READ-ONLY COPY).

The authoritative reference and input builder live on the scoring server;
editing this copy changes nothing except your own understanding.
"""

import jax, jax.numpy as jnp
import numpy as np

N_NODES = 10000
N_EDGES = 320000
D_FEAT = 128
HIDDEN = 16
D_EDGE = 4


def setup_inputs(seed: int = 0) -> dict:
    key = jax.random.key(seed)
    ks = jax.random.split(key, 16)
    inp = {}
    inp['x'] = jax.random.normal(ks[0], (N_NODES, D_FEAT), dtype=jnp.float32)
    inp['edge_index'] = jax.random.randint(ks[1], (2, N_EDGES), 0, N_NODES, dtype=jnp.int64)
    inp['edge_attr'] = jax.random.normal(ks[2], (N_EDGES, D_EDGE), dtype=jnp.float32)
    # Layer 0: RGCNConv(in=128, out=16). Forward is called without edge_type, so all
    # edges use relation 0's weight; only that slice of the [num_relations, in, out]
    # weight participates. Root weight + bias per PyG defaults.
    s = 1.0 / np.sqrt(D_FEAT)
    inp['W_rel0'] = jax.random.uniform(ks[3], (D_FEAT, HIDDEN), jnp.float32, -s, s)
    inp['W_root0'] = jax.random.uniform(ks[4], (D_FEAT, HIDDEN), jnp.float32, -s, s)
    inp['b0'] = jnp.zeros((HIDDEN,), jnp.float32)
    s2 = 1.0 / np.sqrt(HIDDEN)
    inp['W_rel1'] = jax.random.uniform(ks[5], (HIDDEN, HIDDEN), jnp.float32, -s2, s2)
    inp['W_root1'] = jax.random.uniform(ks[6], (HIDDEN, HIDDEN), jnp.float32, -s2, s2)
    inp['b1'] = jnp.zeros((HIDDEN,), jnp.float32)
    inp['W_rel2'] = jax.random.uniform(ks[7], (HIDDEN, HIDDEN), jnp.float32, -s2, s2)
    inp['W_root2'] = jax.random.uniform(ks[8], (HIDDEN, HIDDEN), jnp.float32, -s2, s2)
    inp['b2'] = jnp.zeros((HIDDEN,), jnp.float32)
    inp['lin_W'] = jax.random.uniform(ks[9], (HIDDEN, 1), jnp.float32, -s2, s2)
    inp['lin_b'] = jnp.zeros((1,), jnp.float32)
    return inp


def _rgcn_conv(x, edge_index, W_rel, W_root, b):
    # PyG RGCNConv with aggr='mean', single active relation (relation 0):
    # out[d] = mean_{(s->d)} (x[s] @ W_rel) + x[d] @ W_root + b
    src = edge_index[0]
    dst = edge_index[1]
    num_nodes = x.shape[0]
    msg = jnp.take(x, src, axis=0) @ W_rel
    agg = jax.ops.segment_sum(msg, dst, num_segments=num_nodes)
    deg = jax.ops.segment_sum(jnp.ones((edge_index.shape[1],), x.dtype), dst, num_segments=num_nodes)
    agg = agg / jnp.maximum(deg, 1.0)[:, None]
    return agg + x @ W_root + b


def reference(x, edge_index, edge_attr, W_rel0, W_root0, b0, W_rel1, W_root1, b1,
              W_rel2, W_root2, b2, lin_W, lin_b):
    # edge_attr is accepted but unused, matching the original forward.
    h = _rgcn_conv(x, edge_index, W_rel0, W_root0, b0)
    h = _rgcn_conv(h, edge_index, W_rel1, W_root1, b1)
    h = _rgcn_conv(h, edge_index, W_rel2, W_root2, b2)
    # global_mean_pool(x, None): mean over all nodes -> [1, hidden]
    g = jnp.mean(h, axis=0, keepdims=True)
    out = g @ lin_W + lin_b
    return out

if __name__ == "__main__":
    import jax
    _d = setup_inputs()
    print(jax.jit(kernel)(*tuple(_d.values())))

</pallas_src>

<mosaic_0001>
#map = affine_map<(d0, d1) -> (0, 0)>
#map1 = affine_map<(d0, d1) -> (0, 0, 0)>
module attributes {stable_mosaic.version = 14 : i64} {
  func.func @body(%arg0: i32, %arg1: i32, %arg2: memref<10240x16xf32, #tpu.memory_space<hbm>>, %arg3: memref<32x125x80xi32, #tpu.memory_space<hbm>>, %arg4: memref<32x125x80xi32, #tpu.memory_space<hbm>>, %arg5: memref<640x16xf32, #tpu.memory_space<hbm>>, %arg6: memref<80x16xf32, #tpu.memory_space<hbm>>, %arg7: memref<2x10240x16xf32, #tpu.memory_space<hbm>>, %arg8: memref<2x10240x16xf32, #tpu.memory_space<hbm>>, %arg9: memref<125x80xi32, #tpu.memory_space<vmem>>, %arg10: memref<125x80xi32, #tpu.memory_space<vmem>>, %arg11: memref<80x16xf32, #tpu.memory_space<vmem>>, %arg12: memref<80x16xf32, #tpu.memory_space<vmem>>, %arg13: memref<80x16xf32, #tpu.memory_space<vmem>>, %arg14: memref<80x16xf32, #tpu.memory_space<vmem>>, %arg15: memref<80x16xf32, #tpu.memory_space<vmem>>, %arg16: memref<!tpu.dma_semaphore, #tpu.memory_space<semaphore_mem>>, %arg17: memref<!tpu.dma_semaphore, #tpu.memory_space<semaphore_mem>>, %arg18: memref<!tpu.dma_semaphore, #tpu.memory_space<semaphore_mem>>, %arg19: memref<!tpu.dma_semaphore, #tpu.memory_space<semaphore_mem>>, %arg20: memref<!tpu.dma_semaphore, #tpu.memory_space<semaphore_mem>>, %arg21: memref<!tpu.dma_semaphore, #tpu.memory_space<semaphore_mem>>, %arg22: memref<!tpu.dma_semaphore, #tpu.memory_space<semaphore_mem>>, %arg23: memref<!tpu.dma_semaphore, #tpu.memory_space<semaphore_mem>>, %arg24: memref<!tpu.dma_semaphore, #tpu.memory_space<semaphore_mem>>, %arg25: memref<!tpu.dma_semaphore, #tpu.memory_space<semaphore_mem>>, %arg26: memref<10240x16xf32, #tpu.memory_space<vmem_shared>>, %arg27: memref<80x16xf32, #tpu.memory_space<vmem>>, %arg28: memref<10240x16xf32, #tpu.memory_space<vmem_shared>>) attributes {dimension_semantics = [#tpu.dimension_semantics<core_parallel>, #tpu.dimension_semantics<subcore_parallel>], iteration_bounds = array<i64: 2, 16>, scalar_prefetch = 0 : i64, scratch_operands = 20 : i64, tpu.core_type = #tpu.core_type<sc_vector_subcore>, window_params = [{transform_indices = #map}, {transform_indices = #map1}, {transform_indices = #map1}, {transform_indices = #map}, {transform_indices = #map}, {transform_indices = #map1}, {transform_indices = #map1}]} {
    %mul3A = arith.constant 16 : i32
    %mul3A_0 = arith.muli %arg0, %mul3A : i32
    %add3A = arith.addi %mul3A_0, %arg1 : i32
    %mul3A_1 = arith.constant 640 : i32
    %mul3A_2 = arith.muli %arg1, %mul3A_1 : i32
    "tpu.region"() ({
      %run_scoped3A = tpu.sem_alloc : memref<!tpu.dma_semaphore, #tpu.memory_space<semaphore_mem>>
      %dma_start3A_112 = arith.constant 0 : i32
      %dma_start3A_113 = tpu.memref_slice %arg26[%mul3A_2, %dma_start3A_112] : memref<10240x16xf32, #tpu.memory_space<vmem_shared>> -> memref<640x16xf32, #tpu.memory_space<vmem_shared>>
      tpu.enqueue_dma source(%arg5 : memref<640x16xf32, #tpu.memory_space<hbm>>) target(%dma_start3A_113 : memref<640x16xf32, #tpu.memory_space<vmem_shared>>) target_semaphore(%run_scoped3A : memref<!tpu.dma_semaphore, #tpu.memory_space<semaphore_mem>>)
      %dma_wait3A_114 = arith.constant 0 : i32
      %dma_wait3A_115 = tpu.memref_slice %arg26[%mul3A_2, %dma_wait3A_114] : memref<10240x16xf32, #tpu.memory_space<vmem_shared>> -> memref<640x16xf32, #tpu.memory_space<vmem_shared>>
      tpu.wait_dma2 semaphore(%run_scoped3A : memref<!tpu.dma_semaphore, #tpu.memory_space<semaphore_mem>>) src(%arg5 : memref<640x16xf32, #tpu.memory_space<hbm>>) dst(%dma_wait3A_115 : memref<640x16xf32, #tpu.memory_space<vmem_shared>>)
      tpu.yield
    }) : () -> ()
    "tpu.region"() ({
      %run_scoped3A = tpu.sem_alloc : memref<!tpu.dma_semaphore, #tpu.memory_space<semaphore_mem>>
      %dma_start3A_112 = arith.constant 0 : i32
      %dma_start3A_113 = tpu.memref_slice %arg28[%mul3A_2, %dma_start3A_112] : memref<10240x16xf32, #tpu.memory_space<vmem_shared>> -> memref<640x16xf32, #tpu.memory_space<vmem_shared>>
      tpu.enqueue_dma source(%arg5 : memref<640x16xf32, #tpu.memory_space<hbm>>) target(%dma_start3A_113 : memref<640x16xf32, #tpu.memory_space<vmem_shared>>) target_semaphore(%run_scoped3A : memref<!tpu.dma_semaphore, #tpu.memory_space<semaphore_mem>>)
      %dma_wait3A_114 = arith.constant 0 : i32
      %dma_wait3A_115 = tpu.memref_slice %arg28[%mul3A_2, %dma_wait3A_114] : memref<10240x16xf32, #tpu.memory_space<vmem_shared>> -> memref<640x16xf32, #tpu.memory_space<vmem_shared>>
      tpu.wait_dma2 semaphore(%run_scoped3A : memref<!tpu.dma_semaphore, #tpu.memory_space<semaphore_mem>>) src(%arg5 : memref<640x16xf32, #tpu.memory_space<hbm>>) dst(%dma_wait3A_115 : memref<640x16xf32, #tpu.memory_space<vmem_shared>>)
      tpu.yield
    }) : () -> ()
    "tpu.region"() ({
      %run_scoped3A = tpu.sem_alloc : memref<!tpu.dma_semaphore, #tpu.memory_space<semaphore_mem>>
      tpu.enqueue_dma source(%arg6 : memref<80x16xf32, #tpu.memory_space<hbm>>) target(%arg27 : memref<80x16xf32, #tpu.memory_space<vmem>>) target_semaphore(%run_scoped3A : memref<!tpu.dma_semaphore, #tpu.memory_space<semaphore_mem>>)
      tpu.wait_dma2 semaphore(%run_scoped3A : memref<!tpu.dma_semaphore, #tpu.memory_space<semaphore_mem>>) src(%arg6 : memref<80x16xf32, #tpu.memory_space<hbm>>) dst(%arg27 : memref<80x16xf32, #tpu.memory_space<vmem>>)
      tpu.yield
    }) : () -> ()
    "tpu.region"() ({
      %run_scoped3A = tpu.sem_alloc : memref<!tpu.dma_semaphore, #tpu.memory_space<semaphore_mem>>
      %dma_start3A_112 = arith.constant 0 : i32
      %dma_start3A_113 = arith.constant 0 : i32
      %dma_start3A_114 = tpu.memref_slice %arg3[%add3A, %dma_start3A_112, %dma_start3A_113] : memref<32x125x80xi32, #tpu.memory_space<hbm>> -> memref<1x125x80xi32, #tpu.memory_space<hbm>>
      %dma_start3A_115 = tpu.memref_squeeze %dma_start3A_114 : memref<1x125x80xi32, #tpu.memory_space<hbm>> -> memref<125x80xi32, #tpu.memory_space<hbm>>
      %dma_start3A_116 = arith.constant 0 : i32
      %dma_start3A_117 = arith.constant 0 : i32
      %dma_start3A_118 = tpu.memref_slice %arg3[%add3A, %dma_start3A_116, %dma_start3A_117] : memref<32x125x80xi32, #tpu.memory_space<hbm>> -> memref<1x125x80xi32, #tpu.memory_space<hbm>>
      %dma_start3A_119 = tpu.memref_squeeze %dma_start3A_118 : memref<1x125x80xi32, #tpu.memory_space<hbm>> -> memref<125x80xi32, #tpu.memory_space<hbm>>
      tpu.enqueue_dma source(%dma_start3A_119 : memref<125x80xi32, #tpu.memory_space<hbm>>) target(%arg9 : memref<125x80xi32, #tpu.memory_space<vmem>>) target_semaphore(%run_scoped3A : memref<!tpu.dma_semaphore, #tpu.memory_space<semaphore_mem>>)
      %dma_wait3A_120 = arith.constant 0 : i32
      %dma_wait3A_121 = arith.constant 0 : i32
      %dma_wait3A_122 = tpu.memref_slice %arg3[%add3A, %dma_wait3A_120, %dma_wait3A_121] : memref<32x125x80xi32, #tpu.memory_space<hbm>> -> memref<1x125x80xi32, #tpu.memory_space<hbm>>
      %dma_wait3A_123 = tpu.memref_squeeze %dma_wait3A_122 : memref<1x125x80xi32, #tpu.memory_space<hbm>> -> memref<125x80xi32, #tpu.memory_space<hbm>>
      %dma_wait3A_124 = arith.constant 0 : i32
      %dma_wait3A_125 = arith.constant 0 : i32
      %dma_wait3A_126 = tpu.memref_slice %arg3[%add3A, %dma_wait3A_124, %dma_wait3A_125] : memref<32x125x80xi32, #tpu.memory_space<hbm>> -> memref<1x125x80xi32, #tpu.memory_space<hbm>>
      %dma_wait3A_127 = tpu.memref_squeeze %dma_wait3A_126 : memref<1x125x80xi32, #tpu.memory_space<hbm>> -> memref<125x80xi32, #tpu.memory_space<hbm>>
      tpu.wait_dma2 semaphore(%run_scoped3A : memref<!tpu.dma_semaphore, #tpu.memory_space<semaphore_mem>>) src(%dma_wait3A_127 : memref<125x80xi32, #tpu.memory_space<hbm>>) dst(%arg9 : memref<125x80xi32, #tpu.memory_space<vmem>>)
      tpu.yield
    }) : () -> ()
    "tpu.region"() ({
      %run_scoped3A = tpu.sem_alloc : memref<!tpu.dma_semaphore, #tpu.memory_space<semaphore_mem>>
      %dma_start3A_112 = arith.constant 0 : i32
      %dma_start3A_113 = arith.constant 0 : i32
      %dma_start3A_114 = tpu.memref_slice %arg4[%add3A, %dma_start3A_112, %dma_start3A_113] : memref<32x125x80xi32, #tpu.memory_space<hbm>> -> memref<1x125x80xi32, #tpu.memory_space<hbm>>
      %dma_start3A_115 = tpu.memref_squeeze %dma_start3A_114 : memref<1x125x80xi32, #tpu.memory_space<hbm>> -> memref<125x80xi32, #tpu.memory_space<hbm>>
      %dma_start3A_116 = arith.constant 0 : i32
      %dma_start3A_117 = arith.constant 0 : i32
      %dma_start3A_118 = tpu.memref_slice %arg4[%add3A, %dma_start3A_116, %dma_start3A_117] : memref<32x125x80xi32, #tpu.memory_space<hbm>> -> memref<1x125x80xi32, #tpu.memory_space<hbm>>
      %dma_start3A_119 = tpu.memref_squeeze %dma_start3A_118 : memref<1x125x80xi32, #tpu.memory_space<hbm>> -> memref<125x80xi32, #tpu.memory_space<hbm>>
      tpu.enqueue_dma source(%dma_start3A_119 : memref<125x80xi32, #tpu.memory_space<hbm>>) target(%arg10 : memref<125x80xi32, #tpu.memory_space<vmem>>) target_semaphore(%run_scoped3A : memref<!tpu.dma_semaphore, #tpu.memory_space<semaphore_mem>>)
      %dma_wait3A_120 = arith.constant 0 : i32
      %dma_wait3A_121 = arith.constant 0 : i32
      %dma_wait3A_122 = tpu.memref_slice %arg4[%add3A, %dma_wait3A_120, %dma_wait3A_121] : memref<32x125x80xi32, #tpu.memory_space<hbm>> -> memref<1x125x80xi32, #tpu.memory_space<hbm>>
      %dma_wait3A_123 = tpu.memref_squeeze %dma_wait3A_122 : memref<1x125x80xi32, #tpu.memory_space<hbm>> -> memref<125x80xi32, #tpu.memory_space<hbm>>
      %dma_wait3A_124 = arith.constant 0 : i32
      %dma_wait3A_125 = arith.constant 0 : i32
      %dma_wait3A_126 = tpu.memref_slice %arg4[%add3A, %dma_wait3A_124, %dma_wait3A_125] : memref<32x125x80xi32, #tpu.memory_space<hbm>> -> memref<1x125x80xi32, #tpu.memory_space<hbm>>
      %dma_wait3A_127 = tpu.memref_squeeze %dma_wait3A_126 : memref<1x125x80xi32, #tpu.memory_space<hbm>> -> memref<125x80xi32, #tpu.memory_space<hbm>>
      tpu.wait_dma2 semaphore(%run_scoped3A : memref<!tpu.dma_semaphore, #tpu.memory_space<semaphore_mem>>) src(%dma_wait3A_127 : memref<125x80xi32, #tpu.memory_space<hbm>>) dst(%arg10 : memref<125x80xi32, #tpu.memory_space<vmem>>)
      tpu.yield
    }) : () -> ()
    %barrier3A = arith.constant 0 : index
    tpu.barrier barrier_id(%barrier3A)
    %dma_start3A = arith.constant 0 : i32
    %dma_start3A_3 = arith.constant 0 : i32
    %dma_start3A_4 = tpu.memref_slice %arg9[%dma_start3A, %dma_start3A_3] : memref<125x80xi32, #tpu.memory_space<vmem>> -> memref<1x80xi32, #tpu.memory_space<vmem>>
    %dma_start3A_5 = tpu.memref_squeeze %dma_start3A_4 : memref<1x80xi32, #tpu.memory_space<vmem>> -> memref<80xi32, #tpu.memory_space<vmem>>
    %dma_start3A_6 = arith.constant 0 : i32
    %dma_start3A_7 = arith.constant 0 : i32
    %dma_start3A_8 = tpu.memref_slice %arg2[%dma_start3A_6, %dma_start3A_7] : memref<10240x16xf32, #tpu.memory_space<hbm>> -> memref<10240x16xf32, #tpu.memory_space<hbm>>
    tpu.enqueue_indirect_dma source(%dma_start3A_8 : memref<10240x16xf32, #tpu.memory_space<hbm>>) target(%arg11 : memref<80x16xf32, #tpu.memory_space<vmem>>) offsets(%dma_start3A_5 : memref<80xi32, #tpu.memory_space<vmem>>) semaphore(%arg16 : memref<!tpu.dma_semaphore, #tpu.memory_space<semaphore_mem>>)
    %dma_start3A_9 = arith.constant 1 : i32
    %dma_start3A_10 = arith.constant 0 : i32
    %dma_start3A_11 = tpu.memref_slice %arg9[%dma_start3A_9, %dma_start3A_10] : memref<125x80xi32, #tpu.memory_space<vmem>> -> memref<1x80xi32, #tpu.memory_space<vmem>>
    %dma_start3A_12 = tpu.memref_squeeze %dma_start3A_11 : memref<1x80xi32, #tpu.memory_space<vmem>> -> memref<80xi32, #tpu.memory_space<vmem>>
    %dma_start3A_13 = arith.constant 0 : i32
    %dma_start3A_14 = arith.constant 0 : i32
    %dma_start3A_15 = tpu.memref_slice %arg2[%dma_start3A_13, %dma_start3A_14] : memref<10240x16xf32, #tpu.memory_space<hbm>> -> memref<10240x16xf32, #tpu.memory_space<hbm>>
    tpu.enqueue_indirect_dma source(%dma_start3A_15 : memref<10240x16xf32, #tpu.memory_space<hbm>>) target(%arg12 : memref<80x16xf32, #tpu.memory_space<vmem>>) offsets(%dma_start3A_12 : memref<80xi32, #tpu.memory_space<vmem>>) semaphore(%arg17 : memref<!tpu.dma_semaphore, #tpu.memory_space<semaphore_mem>>)
    %dma_start3A_16 = arith.constant 2 : i32
    %dma_start3A_17 = arith.constant 0 : i32
    %dma_start3A_18 = tpu.memref_slice %arg9[%dma_start3A_16, %dma_start3A_17] : memref<125x80xi32, #tpu.memory_space<vmem>> -> memref<1x80xi32, #tpu.memory_space<vmem>>
    %dma_start3A_19 = tpu.memref_squeeze %dma_start3A_18 : memref<1x80xi32, #tpu.memory_space<vmem>> -> memref<80xi32, #tpu.memory_space<vmem>>
    %dma_start3A_20 = arith.constant 0 : i32
    %dma_start3A_21 = arith.constant 0 : i32
    %dma_start3A_22 = tpu.memref_slice %arg2[%dma_start3A_20, %dma_start3A_21] : memref<10240x16xf32, #tpu.memory_space<hbm>> -> memref<10240x16xf32, #tpu.memory_space<hbm>>
    tpu.enqueue_indirect_dma source(%dma_start3A_22 : memref<10240x16xf32, #tpu.memory_space<hbm>>) target(%arg13 : memref<80x16xf32, #tpu.memory_space<vmem>>) offsets(%dma_start3A_19 : memref<80xi32, #tpu.memory_space<vmem>>) semaphore(%arg18 : memref<!tpu.dma_semaphore, #tpu.memory_space<semaphore_mem>>)
    %dma_start3A_23 = arith.constant 3 : i32
    %dma_start3A_24 = arith.constant 0 : i32
    %dma_start3A_25 = tpu.memref_slice %arg9[%dma_start3A_23, %dma_start3A_24] : memref<125x80xi32, #tpu.memory_space<vmem>> -> memref<1x80xi32, #tpu.memory_space<vmem>>
    %dma_start3A_26 = tpu.memref_squeeze %dma_start3A_25 : memref<1x80xi32, #tpu.memory_space<vmem>> -> memref<80xi32, #tpu.memory_space<vmem>>
    %dma_start3A_27 = arith.constant 0 : i32
    %dma_start3A_28 = arith.constant 0 : i32
    %dma_start3A_29 = tpu.memref_slice %arg2[%dma_start3A_27, %dma_start3A_28] : memref<10240x16xf32, #tpu.memory_space<hbm>> -> memref<10240x16xf32, #tpu.memory_space<hbm>>
    tpu.enqueue_indirect_dma source(%dma_start3A_29 : memref<10240x16xf32, #tpu.memory_space<hbm>>) target(%arg14 : memref<80x16xf32, #tpu.memory_space<vmem>>) offsets(%dma_start3A_26 : memref<80xi32, #tpu.memory_space<vmem>>) semaphore(%arg19 : memref<!tpu.dma_semaphore, #tpu.memory_space<semaphore_mem>>)
    %dma_start3A_30 = arith.constant 4 : i32
    %dma_start3A_31 = arith.constant 0 : i32
    %dma_start3A_32 = tpu.memref_slice %arg9[%dma_start3A_30, %dma_start3A_31] : memref<125x80xi32, #tpu.memory_space<vmem>> -> memref<1x80xi32, #tpu.memory_space<vmem>>
    %dma_start3A_33 = tpu.memref_squeeze %dma_start3A_32 : memref<1x80xi32, #tpu.memory_space<vmem>> -> memref<80xi32, #tpu.memory_space<vmem>>
    %dma_start3A_34 = arith.constant 0 : i32
    %dma_start3A_35 = arith.constant 0 : i32
    %dma_start3A_36 = tpu.memref_slice %arg2[%dma_start3A_34, %dma_start3A_35] : memref<10240x16xf32, #tpu.memory_space<hbm>> -> memref<10240x16xf32, #tpu.memory_space<hbm>>
    tpu.enqueue_indirect_dma source(%dma_start3A_36 : memref<10240x16xf32, #tpu.memory_space<hbm>>) target(%arg15 : memref<80x16xf32, #tpu.memory_space<vmem>>) offsets(%dma_start3A_33 : memref<80xi32, #tpu.memory_space<vmem>>) semaphore(%arg20 : memref<!tpu.dma_semaphore, #tpu.memory_space<semaphore_mem>>)
    %scan3A = arith.constant 0 : i32
    %scan3A_37 = arith.constant 0 : i32
    %scan3A_38 = arith.constant 25 : i32
    %scan3A_39 = arith.addi %scan3A_37, %scan3A_38 : i32
    %scan3A_40 = arith.constant 1 : i32
    scf.for %scan3A_112 = %scan3A_37 to %scan3A_39 step %scan3A_40  : i32 {
      %mul3A_113 = arith.constant 5 : i32
      %mul3A_114 = arith.muli %scan3A_112, %mul3A_113 : i32
      %add3A_115 = arith.constant 0 : i32
      %add3A_116 = arith.addi %mul3A_114, %add3A_115 : i32
      %dma_wait3A_117 = arith.constant 0 : i32
      %dma_wait3A_118 = tpu.memref_slice %arg9[%add3A_116, %dma_wait3A_117] : memref<125x80xi32, #tpu.memory_space<vmem>> -> memref<1x80xi32, #tpu.memory_space<vmem>>
      %dma_wait3A_119 = tpu.memref_squeeze %dma_wait3A_118 : memref<1x80xi32, #tpu.memory_space<vmem>> -> memref<80xi32, #tpu.memory_space<vmem>>
      %dma_wait3A_120 = arith.constant 0 : i32
      %dma_wait3A_121 = arith.constant 0 : i32
      %dma_wait3A_122 = tpu.memref_slice %arg2[%dma_wait3A_120, %dma_wait3A_121] : memref<10240x16xf32, #tpu.memory_space<hbm>> -> memref<10240x16xf32, #tpu.memory_space<hbm>>
      tpu.wait_indirect_dma semaphore(%arg16 : memref<!tpu.dma_semaphore, #tpu.memory_space<semaphore_mem>>) src(%dma_wait3A_122 : memref<10240x16xf32, #tpu.memory_space<hbm>>) dst(%arg11 : memref<80x16xf32, #tpu.memory_space<vmem>>)
      %dma_start3A_123 = arith.constant 0 : i32
      %dma_start3A_124 = tpu.memref_slice %arg10[%add3A_116, %dma_start3A_123] : memref<125x80xi32, #tpu.memory_space<vmem>> -> memref<1x80xi32, #tpu.memory_space<vmem>>
      %dma_start3A_125 = tpu.memref_squeeze %dma_start3A_124 : memref<1x80xi32, #tpu.memory_space<vmem>> -> memref<80xi32, #tpu.memory_space<vmem>>
      %dma_start3A_126 = arith.constant 0 : i32
      %dma_start3A_127 = arith.constant 0 : i32
      %dma_start3A_128 = tpu.memref_slice %arg26[%dma_start3A_126, %dma_start3A_127] : memref<10240x16xf32, #tpu.memory_space<vmem_shared>> -> memref<10240x16xf32, #tpu.memory_space<vmem_shared>>
      tpu.enqueue_indirect_dma source(%arg11 : memref<80x16xf32, #tpu.memory_space<vmem>>) target(%dma_start3A_128 : memref<10240x16xf32, #tpu.memory_space<vmem_shared>>) offsets(%dma_start3A_125 : memref<80xi32, #tpu.memory_space<vmem>>) semaphore(%arg21 : memref<!tpu.dma_semaphore, #tpu.memory_space<semaphore_mem>>) {add = true}
      %dma_start3A_129 = arith.constant 0 : i32
      %dma_start3A_130 = tpu.memref_slice %arg10[%add3A_116, %dma_start3A_129] : memref<125x80xi32, #tpu.memory_space<vmem>> -> memref<1x80xi32, #tpu.memory_space<vmem>>
      %dma_start3A_131 = tpu.memref_squeeze %dma_start3A_130 : memref<1x80xi32, #tpu.memory_space<vmem>> -> memref<80xi32, #tpu.memory_space<vmem>>
      %dma_start3A_132 = arith.constant 0 : i32
      %dma_start3A_133 = arith.constant 0 : i32
      %dma_start3A_134 = tpu.memref_slice %arg28[%dma_start3A_132, %dma_start3A_133] : memref<10240x16xf32, #tpu.memory_space<vmem_shared>> -> memref<10240x16xf32, #tpu.memory_space<vmem_shared>>
      tpu.enqueue_indirect_dma source(%arg27 : memref<80x16xf32, #tpu.memory_space<vmem>>) target(%dma_start3A_134 : memref<10240x16xf32, #tpu.memory_space<vmem_shared>>) offsets(%dma_start3A_131 : memref<80xi32, #tpu.memory_space<vmem>>) semaphore(%arg21 : memref<!tpu.dma_semaphore, #tpu.memory_space<semaphore_mem>>) {add = true}
      %add3A_135 = arith.constant 5 : i32
      %add3A_136 = arith.addi %add3A_116, %add3A_135 : i32
      %lt3A = arith.constant 125 : i32
      %lt3A_137 = arith.cmpi slt, %add3A_136, %lt3A : i32
      %convert_element_type3A = arith.extui %lt3A_137 : i1 to i32
      %cond3A = arith.constant 0 : i32
      %cond3A_138 = arith.cmpi ne, %convert_element_type3A, %cond3A : i32
      scf.if %cond3A_138 {
        %dma_wait3A_247 = arith.constant 0 : i32
        %dma_wait3A_248 = tpu.memref_slice %arg10[%add3A_116, %dma_wait3A_247] : memref<125x80xi32, #tpu.memory_space<vmem>> -> memref<1x80xi32, #tpu.memory_space<vmem>>
        %dma_wait3A_249 = tpu.memref_squeeze %dma_wait3A_248 : memref<1x80xi32, #tpu.memory_space<vmem>> -> memref<80xi32, #tpu.memory_space<vmem>>
        %dma_wait3A_250 = arith.constant 0 : i32
        %dma_wait3A_251 = arith.constant 0 : i32
        %dma_wait3A_252 = tpu.memref_slice %arg26[%dma_wait3A_250, %dma_wait3A_251] : memref<10240x16xf32, #tpu.memory_space<vmem_shared>> -> memref<10240x16xf32, #tpu.memory_space<vmem_shared>>
        tpu.wait_indirect_dma semaphore(%arg21 : memref<!tpu.dma_semaphore, #tpu.memory_space<semaphore_mem>>) src(%arg11 : memref<80x16xf32, #tpu.memory_space<vmem>>) dst(%dma_wait3A_252 : memref<10240x16xf32, #tpu.memory_space<vmem_shared>>)
        %dma_wait3A_253 = arith.constant 0 : i32
        %dma_wait3A_254 = tpu.memref_slice %arg10[%add3A_116, %dma_wait3A_253] : memref<125x80xi32, #tpu.memory_space<vmem>> -> memref<1x80xi32, #tpu.memory_space<vmem>>
        %dma_wait3A_255 = tpu.memref_squeeze %dma_wait3A_254 : memref<1x80xi32, #tpu.memory_space<vmem>> -> memref<80xi32, #tpu.memory_space<vmem>>
        %dma_wait3A_256 = arith.constant 0 : i32
        %dma_wait3A_257 = arith.constant 0 : i32
        %dma_wait3A_258 = tpu.memref_slice %arg28[%dma_wait3A_256, %dma_wait3A_257] : memref<10240x16xf32, #tpu.memory_space<vmem_shared>> -> memref<10240x16xf32, #tpu.memory_space<vmem_shared>>
        tpu.wait_indirect_dma semaphore(%arg21 : memref<!tpu.dma_semaphore, #tpu.memory_space<semaphore_mem>>) src(%arg27 : memref<80x16xf32, #tpu.memory_space<vmem>>) dst(%dma_wait3A_258 : memref<10240x16xf32, #tpu.memory_space<vmem_shared>>)
        %dma_start3A_259 = arith.constant 0 : i32
        %dma_start3A_260 = tpu.memref_slice %arg9[%add3A_136, %dma_start3A_259] : memref<125x80xi32, #tpu.memory_space<vmem>> -> memref<1x80xi32, #tpu.memory_space<vmem>>
        %dma_start3A_261 = tpu.memref_squeeze %dma_start3A_260 : memref<1x80xi32, #tpu.memory_space<vmem>> -> memref<80xi32, #tpu.memory_space<vmem>>
        %dma_start3A_262 = arith.constant 0 : i32
        %dma_start3A_263 = arith.constant 0 : i32
        %dma_start3A_264 = tpu.memref_slice %arg2[%dma_start3A_262, %dma_start3A_263] : memref<10240x16xf32, #tpu.memory_space<hbm>> -> memref<10240x16xf32, #tpu.memory_space<hbm>>
        tpu.enqueue_indirect_dma source(%dma_start3A_264 : memref<10240x16xf32, #tpu.memory_space<hbm>>) target(%arg11 : memref<80x16xf32, #tpu.memory_space<vmem>>) offsets(%dma_start3A_261 : memref<80xi32, #tpu.memory_space<vmem>>) semaphore(%arg16 : memref<!tpu.dma_semaphore, #tpu.memory_space<semaphore_mem>>)
      } else {
      }
      %add3A_139 = arith.constant 1 : i32
      %add3A_140 = arith.addi %mul3A_114, %add3A_139 : i32
      %dma_wait3A_141 = arith.constant 0 : i32
      %dma_wait3A_142 = tpu.memref_slice %arg9[%add3A_140, %dma_wait3A_141] : memref<125x80xi32, #tpu.memory_space<vmem>> -> memref<1x80xi32, #tpu.memory_space<vmem>>
      %dma_wait3A_143 = tpu.memref_squeeze %dma_wait3A_142 : memref<1x80xi32, #tpu.memory_space<vmem>> -> memref<80xi32, #tpu.memory_space<vmem>>
      %dma_wait3A_144 = arith.constant 0 : i32
      %dma_wait3A_145 = arith.constant 0 : i32
      %dma_wait3A_146 = tpu.memref_slice %arg2[%dma_wait3A_144, %dma_wait3A_145] : memref<10240x16xf32, #tpu.memory_space<hbm>> -> memref<10240x16xf32, #tpu.memory_space<hbm>>
      tpu.wait_indirect_dma semaphore(%arg17 : memref<!tpu.dma_semaphore, #tpu.memory_space<semaphore_mem>>) src(%dma_wait3A_146 : memref<10240x16xf32, #tpu.memory_space<hbm>>) dst(%arg12 : memref<80x16xf32, #tpu.memory_space<vmem>>)
      %dma_start3A_147 = arith.constant 0 : i32
      %dma_start3A_148 = tpu.memref_slice %arg10[%add3A_140, %dma_start3A_147] : memref<125x80xi32, #tpu.memory_space<vmem>> -> memref<1x80xi32, #tpu.memory_space<vmem>>
      %dma_start3A_149 = tpu.memref_squeeze %dma_start3A_148 : memref<1x80xi32, #tpu.memory_space<vmem>> -> memref<80xi32, #tpu.memory_space<vmem>>
      %dma_start3A_150 = arith.constant 0 : i32
      %dma_start3A_151 = arith.constant 0 : i32
      %dma_start3A_152 = tpu.memref_slice %arg26[%dma_start3A_150, %dma_start3A_151] : memref<10240x16xf32, #tpu.memory_space<vmem_shared>> -> memref<10240x16xf32, #tpu.memory_space<vmem_shared>>
      tpu.enqueue_indirect_dma source(%arg12 : memref<80x16xf32, #tpu.memory_space<vmem>>) target(%dma_start3A_152 : memref<10240x16xf32, #tpu.memory_space<vmem_shared>>) offsets(%dma_start3A_149 : memref<80xi32, #tpu.memory_space<vmem>>) semaphore(%arg22 : memref<!tpu.dma_semaphore, #tpu.memory_space<semaphore_mem>>) {add = true}
      %dma_start3A_153 = arith.constant 0 : i32
      %dma_start3A_154 = tpu.memref_slice %arg10[%add3A_140, %dma_start3A_153] : memref<125x80xi32, #tpu.memory_space<vmem>> -> memref<1x80xi32, #tpu.memory_space<vmem>>
      %dma_start3A_155 = tpu.memref_squeeze %dma_start3A_154 : memref<1x80xi32, #tpu.memory_space<vmem>> -> memref<80xi32, #tpu.memory_space<vmem>>
      %dma_start3A_156 = arith.constant 0 : i32
      %dma_start3A_157 = arith.constant 0 : i32
      %dma_start3A_158 = tpu.memref_slice %arg28[%dma_start3A_156, %dma_start3A_157] : memref<10240x16xf32, #tpu.memory_space<vmem_shared>> -> memref<10240x16xf32, #tpu.memory_space<vmem_shared>>
      tpu.enqueue_indirect_dma source(%arg27 : memref<80x16xf32, #tpu.memory_space<vmem>>) target(%dma_start3A_158 : memref<10240x16xf32, #tpu.memory_space<vmem_shared>>) offsets(%dma_start3A_155 : memref<80xi32, #tpu.memory_space<vmem>>) semaphore(%arg22 : memref<!tpu.dma_semaphore, #tpu.memory_space<semaphore_mem>>) {add = true}
      %add3A_159 = arith.constant 5 : i32
      %add3A_160 = arith.addi %add3A_140, %add3A_159 : i32
      %lt3A_161 = arith.constant 125 : i32
      %lt3A_162 = arith.cmpi slt, %add3A_160, %lt3A_161 : i32
      %convert_element_type3A_163 = arith.extui %lt3A_162 : i1 to i32
      %cond3A_164 = arith.constant 0 : i32
      %cond3A_165 = arith.cmpi ne, %convert_element_type3A_163, %cond3A_164 : i32
      scf.if %cond3A_165 {
        %dma_wait3A_247 = arith.constant 0 : i32
        %dma_wait3A_248 = tpu.memref_slice %arg10[%add3A_140, %dma_wait3A_247] : memref<125x80xi32, #tpu.memory_space<vmem>> -> memref<1x80xi32, #tpu.memory_space<vmem>>
        %dma_wait3A_249 = tpu.memref_squeeze %dma_wait3A_248 : memref<1x80xi32, #tpu.memory_space<vmem>> -> memref<80xi32, #tpu.memory_space<vmem>>
        %dma_wait3A_250 = arith.constant 0 : i32
        %dma_wait3A_251 = arith.constant 0 : i32
        %dma_wait3A_252 = tpu.memref_slice %arg26[%dma_wait3A_250, %dma_wait3A_251] : memref<10240x16xf32, #tpu.memory_space<vmem_shared>> -> memref<10240x16xf32, #tpu.memory_space<vmem_shared>>
        tpu.wait_indirect_dma semaphore(%arg22 : memref<!tpu.dma_semaphore, #tpu.memory_space<semaphore_mem>>) src(%arg12 : memref<80x16xf32, #tpu.memory_space<vmem>>) dst(%dma_wait3A_252 : memref<10240x16xf32, #tpu.memory_space<vmem_shared>>)
        %dma_wait3A_253 = arith.constant 0 : i32
        %dma_wait3A_254 = tpu.memref_slice %arg10[%add3A_140, %dma_wait3A_253] : memref<125x80xi32, #tpu.memory_space<vmem>> -> memref<1x80xi32, #tpu.memory_space<vmem>>
        %dma_wait3A_255 = tpu.memref_squeeze %dma_wait3A_254 : memref<1x80xi32, #tpu.memory_space<vmem>> -> memref<80xi32, #tpu.memory_space<vmem>>
        %dma_wait3A_256 = arith.constant 0 : i32
        %dma_wait3A_257 = arith.constant 0 : i32
        %dma_wait3A_258 = tpu.memref_slice %arg28[%dma_wait3A_256, %dma_wait3A_257] : memref<10240x16xf32, #tpu.memory_space<vmem_shared>> -> memref<10240x16xf32, #tpu.memory_space<vmem_shared>>
        tpu.wait_indirect_dma semaphore(%arg22 : memref<!tpu.dma_semaphore, #tpu.memory_space<semaphore_mem>>) src(%arg27 : memref<80x16xf32, #tpu.memory_space<vmem>>) dst(%dma_wait3A_258 : memref<10240x16xf32, #tpu.memory_space<vmem_shared>>)
        %dma_start3A_259 = arith.constant 0 : i32
        %dma_start3A_260 = tpu.memref_slice %arg9[%add3A_160, %dma_start3A_259] : memref<125x80xi32, #tpu.memory_space<vmem>> -> memref<1x80xi32, #tpu.memory_space<vmem>>
        %dma_start3A_261 = tpu.memref_squeeze %dma_start3A_260 : memref<1x80xi32, #tpu.memory_space<vmem>> -> memref<80xi32, #tpu.memory_space<vmem>>
        %dma_start3A_262 = arith.constant 0 : i32
        %dma_start3A_263 = arith.constant 0 : i32
        %dma_start3A_264 = tpu.memref_slice %arg2[%dma_start3A_262, %dma_start3A_263] : memref<10240x16xf32, #tpu.memory_space<hbm>> -> memref<10240x16xf32, #tpu.memory_space<hbm>>
        tpu.enqueue_indirect_dma source(%dma_start3A_264 : memref<10240x16xf32, #tpu.memory_space<hbm>>) target(%arg12 : memref<80x16xf32, #tpu.memory_space<vmem>>) offsets(%dma_start3A_261 : memref<80xi32, #tpu.memory_space<vmem>>) semaphore(%arg17 : memref<!tpu.dma_semaphore, #tpu.memory_space<semaphore_mem>>)
      } else {
      }
      %add3A_166 = arith.constant 2 : i32
      %add3A_167 = arith.addi %mul3A_114, %add3A_166 : i32
      %dma_wait3A_168 = arith.constant 0 : i32
      %dma_wait3A_169 = tpu.memref_slice %arg9[%add3A_167, %dma_wait3A_168] : memref<125x80xi32, #tpu.memory_space<vmem>> -> memref<1x80xi32, #tpu.memory_space<vmem>>
      %dma_wait3A_170 = tpu.memref_squeeze %dma_wait3A_169 : memref<1x80xi32, #tpu.memory_space<vmem>> -> memref<80xi32, #tpu.memory_space<vmem>>
      %dma_wait3A_171 = arith.constant 0 : i32
      %dma_wait3A_172 = arith.constant 0 : i32
      %dma_wait3A_173 = tpu.memref_slice %arg2[%dma_wait3A_171, %dma_wait3A_172] : memref<10240x16xf32, #tpu.memory_space<hbm>> -> memref<10240x16xf32, #tpu.memory_space<hbm>>
      tpu.wait_indirect_dma semaphore(%arg18 : memref<!tpu.dma_semaphore, #tpu.memory_space<semaphore_mem>>) src(%dma_wait3A_173 : memref<10240x16xf32, #tpu.memory_space<hbm>>) dst(%arg13 : memref<80x16xf32, #tpu.memory_space<vmem>>)
      %dma_start3A_174 = arith.constant 0 : i32
      %dma_start3A_175 = tpu.memref_slice %arg10[%add3A_167, %dma_start3A_174] : memref<125x80xi32, #tpu.memory_space<vmem>> -> memref<1x80xi32, #tpu.memory_space<vmem>>
      %dma_start3A_176 = tpu.memref_squeeze %dma_start3A_175 : memref<1x80xi32, #tpu.memory_space<vmem>> -> memref<80xi32, #tpu.memory_space<vmem>>
      %dma_start3A_177 = arith.constant 0 : i32
      %dma_start3A_178 = arith.constant 0 : i32
      %dma_start3A_179 = tpu.memref_slice %arg26[%dma_start3A_177, %dma_start3A_178] : memref<10240x16xf32, #tpu.memory_space<vmem_shared>> -> memref<10240x16xf32, #tpu.memory_space<vmem_shared>>
      tpu.enqueue_indirect_dma source(%arg13 : memref<80x16xf32, #tpu.memory_space<vmem>>) target(%dma_start3A_179 : memref<10240x16xf32, #tpu.memory_space<vmem_shared>>) offsets(%dma_start3A_176 : memref<80xi32, #tpu.memory_space<vmem>>) semaphore(%arg23 : memref<!tpu.dma_semaphore, #tpu.memory_space<semaphore_mem>>) {add = true}
      %dma_start3A_180 = arith.constant 0 : i32
      %dma_start3A_181 = tpu.memref_slice %arg10[%add3A_167, %dma_start3A_180] : memref<125x80xi32, #tpu.memory_space<vmem>> -> memref<1x80xi32, #tpu.memory_space<vmem>>
      %dma_start3A_182 = tpu.memref_squeeze %dma_start3A_181 : memref<1x80xi32, #tpu.memory_space<vmem>> -> memref<80xi32, #tpu.memory_space<vmem>>
      %dma_start3A_183 = arith.constant 0 : i32
      %dma_start3A_184 = arith.constant 0 : i32
      %dma_start3A_185 = tpu.memref_slice %arg28[%dma_start3A_183, %dma_start3A_184] : memref<10240x16xf32, #tpu.memory_space<vmem_shared>> -> memref<10240x16xf32, #tpu.memory_space<vmem_shared>>
      tpu.enqueue_indirect_dma source(%arg27 : memref<80x16xf32, #tpu.memory_space<vmem>>) target(%dma_start3A_185 : memref<10240x16xf32, #tpu.memory_space<vmem_shared>>) offsets(%dma_start3A_182 : memref<80xi32, #tpu.memory_space<vmem>>) semaphore(%arg23 : memref<!tpu.dma_semaphore, #tpu.memory_space<semaphore_mem>>) {add = true}
      %add3A_186 = arith.constant 5 : i32
      %add3A_187 = arith.addi %add3A_167, %add3A_186 : i32
      %lt3A_188 = arith.constant 125 : i32
      %lt3A_189 = arith.cmpi slt, %add3A_187, %lt3A_188 : i32
      %convert_element_type3A_190 = arith.extui %lt3A_189 : i1 to i32
      %cond3A_191 = arith.constant 0 : i32
      %cond3A_192 = arith.cmpi ne, %convert_element_type3A_190, %cond3A_191 : i32
      scf.if %cond3A_192 {
        %dma_wait3A_247 = arith.constant 0 : i32
        %dma_wait3A_248 = tpu.memref_slice %arg10[%add3A_167, %dma_wait3A_247] : memref<125x80xi32, #tpu.memory_space<vmem>> -> memref<1x80xi32, #tpu.memory_space<vmem>>
        %dma_wait3A_249 = tpu.memref_squeeze %dma_wait3A_248 : memref<1x80xi32, #tpu.memory_space<vmem>> -> memref<80xi32, #tpu.memory_space<vmem>>
        %dma_wait3A_250 = arith.constant 0 : i32
        %dma_wait3A_251 = arith.constant 0 : i32
        %dma_wait3A_252 = tpu.memref_slice %arg26[%dma_wait3A_250, %dma_wait3A_251] : memref<10240x16xf32, #tpu.memory_space<vmem_shared>> -> memref<10240x16xf32, #tpu.memory_space<vmem_shared>>
        tpu.wait_indirect_dma semaphore(%arg23 : memref<!tpu.dma_semaphore, #tpu.memory_space<semaphore_mem>>) src(%arg13 : memref<80x16xf32, #tpu.memory_space<vmem>>) dst(%dma_wait3A_252 : memref<10240x16xf32, #tpu.memory_space<vmem_shared>>)
        %dma_wait3A_253 = arith.constant 0 : i32
        %dma_wait3A_254 = tpu.memref_slice %arg10[%add3A_167, %dma_wait3A_253] : memref<125x80xi32, #tpu.memory_space<vmem>> -> memref<1x80xi32, #tpu.memory_space<vmem>>
        %dma_wait3A_255 = tpu.memref_squeeze %dma_wait3A_254 : memref<1x80xi32, #tpu.memory_space<vmem>> -> memref<80xi32, #tpu.memory_space<vmem>>
        %dma_wait3A_256 = arith.constant 0 : i32
        %dma_wait3A_257 = arith.constant 0 : i32
        %dma_wait3A_258 = tpu.memref_slice %arg28[%dma_wait3A_256, %dma_wait3A_257] : memref<10240x16xf32, #tpu.memory_space<vmem_shared>> -> memref<10240x16xf32, #tpu.memory_space<vmem_shared>>
        tpu.wait_indirect_dma semaphore(%arg23 : memref<!tpu.dma_semaphore, #tpu.memory_space<semaphore_mem>>) src(%arg27 : memref<80x16xf32, #tpu.memory_space<vmem>>) dst(%dma_wait3A_258 : memref<10240x16xf32, #tpu.memory_space<vmem_shared>>)
        %dma_start3A_259 = arith.constant 0 : i32
        %dma_start3A_260 = tpu.memref_slice %arg9[%add3A_187, %dma_start3A_259] : memref<125x80xi32, #tpu.memory_space<vmem>> -> memref<1x80xi32, #tpu.memory_space<vmem>>
        %dma_start3A_261 = tpu.memref_squeeze %dma_start3A_260 : memref<1x80xi32, #tpu.memory_space<vmem>> -> memref<80xi32, #tpu.memory_space<vmem>>
        %dma_start3A_262 = arith.constant 0 : i32
        %dma_start3A_263 = arith.constant 0 : i32
        %dma_start3A_264 = tpu.memref_slice %arg2[%dma_start3A_262, %dma_start3A_263] : memref<10240x16xf32, #tpu.memory_space<hbm>> -> memref<10240x16xf32, #tpu.memory_space<hbm>>
        tpu.enqueue_indirect_dma source(%dma_start3A_264 : memref<10240x16xf32, #tpu.memory_space<hbm>>) target(%arg13 : memref<80x16xf32, #tpu.memory_space<vmem>>) offsets(%dma_start3A_261 : memref<80xi32, #tpu.memory_space<vmem>>) semaphore(%arg18 : memref<!tpu.dma_semaphore, #tpu.memory_space<semaphore_mem>>)
      } else {
      }
      %add3A_193 = arith.constant 3 : i32
      %add3A_194 = arith.addi %mul3A_114, %add3A_193 : i32
      %dma_wait3A_195 = arith.constant 0 : i32
      %dma_wait3A_196 = tpu.memref_slice %arg9[%add3A_194, %dma_wait3A_195] : memref<125x80xi32, #tpu.memory_space<vmem>> -> memref<1x80xi32, #tpu.memory_space<vmem>>
      %dma_wait3A_197 = tpu.memref_squeeze %dma_wait3A_196 : memref<1x80xi32, #tpu.memory_space<vmem>> -> memref<80xi32, #tpu.memory_space<vmem>>
      %dma_wait3A_198 = arith.constant 0 : i32
      %dma_wait3A_199 = arith.constant 0 : i32
      %dma_wait3A_200 = tpu.memref_slice %arg2[%dma_wait3A_198, %dma_wait3A_199] : memref<10240x16xf32, #tpu.memory_space<hbm>> -> memref<10240x16xf32, #tpu.memory_space<hbm>>
      tpu.wait_indirect_dma semaphore(%arg19 : memref<!tpu.dma_semaphore, #tpu.memory_space<semaphore_mem>>) src(%dma_wait3A_200 : memref<10240x16xf32, #tpu.memory_space<hbm>>) dst(%arg14 : memref<80x16xf32, #tpu.memory_space<vmem>>)
      %dma_start3A_201 = arith.constant 0 : i32
      %dma_start3A_202 = tpu.memref_slice %arg10[%add3A_194, %dma_start3A_201] : memref<125x80xi32, #tpu.memory_space<vmem>> -> memref<1x80xi32, #tpu.memory_space<vmem>>
      %dma_start3A_203 = tpu.memref_squeeze %dma_start3A_202 : memref<1x80xi32, #tpu.memory_space<vmem>> -> memref<80xi32, #tpu.memory_space<vmem>>
      %dma_start3A_204 = arith.constant 0 : i32
      %dma_start3A_205 = arith.constant 0 : i32
      %dma_start3A_206 = tpu.memref_slice %arg26[%dma_start3A_204, %dma_start3A_205] : memref<10240x16xf32, #tpu.memory_space<vmem_shared>> -> memref<10240x16xf32, #tpu.memory_space<vmem_shared>>
      tpu.enqueue_indirect_dma source(%arg14 : memref<80x16xf32, #tpu.memory_space<vmem>>) target(%dma_start3A_206 : memref<10240x16xf32, #tpu.memory_space<vmem_shared>>) offsets(%dma_start3A_203 : memref<80xi32, #tpu.memory_space<vmem>>) semaphore(%arg24 : memref<!tpu.dma_semaphore, #tpu.memory_space<semaphore_mem>>) {add = true}
      %dma_start3A_207 = arith.constant 0 : i32
      %dma_start3A_208 = tpu.memref_slice %arg10[%add3A_194, %dma_start3A_207] : memref<125x80xi32, #tpu.memory_space<vmem>> -> memref<1x80xi32, #tpu.memory_space<vmem>>
      %dma_start3A_209 = tpu.memref_squeeze %dma_start3A_208 : memref<1x80xi32, #tpu.memory_space<vmem>> -> memref<80xi32, #tpu.memory_space<vmem>>
      %dma_start3A_210 = arith.constant 0 : i32
      %dma_start3A_211 = arith.constant 0 : i32
      %dma_start3A_212 = tpu.memref_slice %arg28[%dma_start3A_210, %dma_start3A_211] : memref<10240x16xf32, #tpu.memory_space<vmem_shared>> -> memref<10240x16xf32, #tpu.memory_space<vmem_shared>>
      tpu.enqueue_indirect_dma source(%arg27 : memref<80x16xf32, #tpu.memory_space<vmem>>) target(%dma_start3A_212 : memref<10240x16xf32, #tpu.memory_space<vmem_shared>>) offsets(%dma_start3A_209 : memref<80xi32, #tpu.memory_space<vmem>>) semaphore(%arg24 : memref<!tpu.dma_semaphore, #tpu.memory_space<semaphore_mem>>) {add = true}
      %add3A_213 = arith.constant 5 : i32
      %add3A_214 = arith.addi %add3A_194, %add3A_213 : i32
      %lt3A_215 = arith.constant 125 : i32
      %lt3A_216 = arith.cmpi slt, %add3A_214, %lt3A_215 : i32
      %convert_element_type3A_217 = arith.extui %lt3A_216 : i1 to i32
      %cond3A_218 = arith.constant 0 : i32
      %cond3A_219 = arith.cmpi ne, %convert_element_type3A_217, %cond3A_218 : i32
      scf.if %cond3A_219 {
        %dma_wait3A_247 = arith.constant 0 : i32
        %dma_wait3A_248 = tpu.memref_slice %arg10[%add3A_194, %dma_wait3A_247] : memref<125x80xi32, #tpu.memory_space<vmem>> -> memref<1x80xi32, #tpu.memory_space<vmem>>
        %dma_wait3A_249 = tpu.memref_squeeze %dma_wait3A_248 : memref<1x80xi32, #tpu.memory_space<vmem>> -> memref<80xi32, #tpu.memory_space<vmem>>
        %dma_wait3A_250 = arith.constant 0 : i32
        %dma_wait3A_251 = arith.constant 0 : i32
        %dma_wait3A_252 = tpu.memref_slice %arg26[%dma_wait3A_250, %dma_wait3A_251] : memref<10240x16xf32, #tpu.memory_space<vmem_shared>> -> memref<10240x16xf32, #tpu.memory_space<vmem_shared>>
        tpu.wait_indirect_dma semaphore(%arg24 : memref<!tpu.dma_semaphore, #tpu.memory_space<semaphore_mem>>) src(%arg14 : memref<80x16xf32, #tpu.memory_space<vmem>>) dst(%dma_wait3A_252 : memref<10240x16xf32, #tpu.memory_space<vmem_shared>>)
        %dma_wait3A_253 = arith.constant 0 : i32
        %dma_wait3A_254 = tpu.memref_slice %arg10[%add3A_194, %dma_wait3A_253] : memref<125x80xi32, #tpu.memory_space<vmem>> -> memref<1x80xi32, #tpu.memory_space<vmem>>
        %dma_wait3A_255 = tpu.memref_squeeze %dma_wait3A_254 : memref<1x80xi32, #tpu.memory_space<vmem>> -> memref<80xi32, #tpu.memory_space<vmem>>
        %dma_wait3A_256 = arith.constant 0 : i32
        %dma_wait3A_257 = arith.constant 0 : i32
        %dma_wait3A_258 = tpu.memref_slice %arg28[%dma_wait3A_256, %dma_wait3A_257] : memref<10240x16xf32, #tpu.memory_space<vmem_shared>> -> memref<10240x16xf32, #tpu.memory_space<vmem_shared>>
        tpu.wait_indirect_dma semaphore(%arg24 : memref<!tpu.dma_semaphore, #tpu.memory_space<semaphore_mem>>) src(%arg27 : memref<80x16xf32, #tpu.memory_space<vmem>>) dst(%dma_wait3A_258 : memref<10240x16xf32, #tpu.memory_space<vmem_shared>>)
        %dma_start3A_259 = arith.constant 0 : i32
        %dma_start3A_260 = tpu.memref_slice %arg9[%add3A_214, %dma_start3A_259] : memref<125x80xi32, #tpu.memory_space<vmem>> -> memref<1x80xi32, #tpu.memory_space<vmem>>
        %dma_start3A_261 = tpu.memref_squeeze %dma_start3A_260 : memref<1x80xi32, #tpu.memory_space<vmem>> -> memref<80xi32, #tpu.memory_space<vmem>>
        %dma_start3A_262 = arith.constant 0 : i32
        %dma_start3A_263 = arith.constant 0 : i32
        %dma_start3A_264 = tpu.memref_slice %arg2[%dma_start3A_262, %dma_start3A_263] : memref<10240x16xf32, #tpu.memory_space<hbm>> -> memref<10240x16xf32, #tpu.memory_space<hbm>>
        tpu.enqueue_indirect_dma source(%dma_start3A_264 : memref<10240x16xf32, #tpu.memory_space<hbm>>) target(%arg14 : memref<80x16xf32, #tpu.memory_space<vmem>>) offsets(%dma_start3A_261 : memref<80xi32, #tpu.memory_space<vmem>>) semaphore(%arg19 : memref<!tpu.dma_semaphore, #tpu.memory_space<semaphore_mem>>)
      } else {
      }
      %add3A_220 = arith.constant 4 : i32
      %add3A_221 = arith.addi %mul3A_114, %add3A_220 : i32
      %dma_wait3A_222 = arith.constant 0 : i32
      %dma_wait3A_223 = tpu.memref_slice %arg9[%add3A_221, %dma_wait3A_222] : memref<125x80xi32, #tpu.memory_space<vmem>> -> memref<1x80xi32, #tpu.memory_space<vmem>>
      %dma_wait3A_224 = tpu.memref_squeeze %dma_wait3A_223 : memref<1x80xi32, #tpu.memory_space<vmem>> -> memref<80xi32, #tpu.memory_space<vmem>>
      %dma_wait3A_225 = arith.constant 0 : i32
      %dma_wait3A_226 = arith.constant 0 : i32
      %dma_wait3A_227 = tpu.memref_slice %arg2[%dma_wait3A_225, %dma_wait3A_226] : memref<10240x16xf32, #tpu.memory_space<hbm>> -> memref<10240x16xf32, #tpu.memory_space<hbm>>
      tpu.wait_indirect_dma semaphore(%arg20 : memref<!tpu.dma_semaphore, #tpu.memory_space<semaphore_mem>>) src(%dma_wait3A_227 : memref<10240x16xf32, #tpu.memory_space<hbm>>) dst(%arg15 : memref<80x16xf32, #tpu.memory_space<vmem>>)
      %dma_start3A_228 = arith.constant 0 : i32
      %dma_start3A_229 = tpu.memref_slice %arg10[%add3A_221, %dma_start3A_228] : memref<125x80xi32, #tpu.memory_space<vmem>> -> memref<1x80xi32, #tpu.memory_space<vmem>>
      %dma_start3A_230 = tpu.memref_squeeze %dma_start3A_229 : memref<1x80xi32, #tpu.memory_space<vmem>> -> memref<80xi32, #tpu.memory_space<vmem>>
      %dma_start3A_231 = arith.constant 0 : i32
      %dma_start3A_232 = arith.constant 0 : i32
      %dma_start3A_233 = tpu.memref_slice %arg26[%dma_start3A_231, %dma_start3A_232] : memref<10240x16xf32, #tpu.memory_space<vmem_shared>> -> memref<10240x16xf32, #tpu.memory_space<vmem_shared>>
      tpu.enqueue_indirect_dma source(%arg15 : memref<80x16xf32, #tpu.memory_space<vmem>>) target(%dma_start3A_233 : memref<10240x16xf32, #tpu.memory_space<vmem_shared>>) offsets(%dma_start3A_230 : memref<80xi32, #tpu.memory_space<vmem>>) semaphore(%arg25 : memref<!tpu.dma_semaphore, #tpu.memory_space<semaphore_mem>>) {add = true}
      %dma_start3A_234 = arith.constant 0 : i32
      %dma_start3A_235 = tpu.memref_slice %arg10[%add3A_221, %dma_start3A_234] : memref<125x80xi32, #tpu.memory_space<vmem>> -> memref<1x80xi32, #tpu.memory_space<vmem>>
      %dma_start3A_236 = tpu.memref_squeeze %dma_start3A_235 : memref<1x80xi32, #tpu.memory_space<vmem>> -> memref<80xi32, #tpu.memory_space<vmem>>
      %dma_start3A_237 = arith.constant 0 : i32
      %dma_start3A_238 = arith.constant 0 : i32
      %dma_start3A_239 = tpu.memref_slice %arg28[%dma_start3A_237, %dma_start3A_238] : memref<10240x16xf32, #tpu.memory_space<vmem_shared>> -> memref<10240x16xf32, #tpu.memory_space<vmem_shared>>
      tpu.enqueue_indirect_dma source(%arg27 : memref<80x16xf32, #tpu.memory_space<vmem>>) target(%dma_start3A_239 : memref<10240x16xf32, #tpu.memory_space<vmem_shared>>) offsets(%dma_start3A_236 : memref<80xi32, #tpu.memory_space<vmem>>) semaphore(%arg25 : memref<!tpu.dma_semaphore, #tpu.memory_space<semaphore_mem>>) {add = true}
      %add3A_240 = arith.constant 5 : i32
      %add3A_241 = arith.addi %add3A_221, %add3A_240 : i32
      %lt3A_242 = arith.constant 125 : i32
      %lt3A_243 = arith.cmpi slt, %add3A_241, %lt3A_242 : i32
      %convert_element_type3A_244 = arith.extui %lt3A_243 : i1 to i32
      %cond3A_245 = arith.constant 0 : i32
      %cond3A_246 = arith.cmpi ne, %convert_element_type3A_244, %cond3A_245 : i32
      scf.if %cond3A_246 {
        %dma_wait3A_247 = arith.constant 0 : i32
        %dma_wait3A_248 = tpu.memref_slice %arg10[%add3A_221, %dma_wait3A_247] : memref<125x80xi32, #tpu.memory_space<vmem>> -> memref<1x80xi32, #tpu.memory_space<vmem>>
        %dma_wait3A_249 = tpu.memref_squeeze %dma_wait3A_248 : memref<1x80xi32, #tpu.memory_space<vmem>> -> memref<80xi32, #tpu.memory_space<vmem>>
        %dma_wait3A_250 = arith.constant 0 : i32
        %dma_wait3A_251 = arith.constant 0 : i32
        %dma_wait3A_252 = tpu.memref_slice %arg26[%dma_wait3A_250, %dma_wait3A_251] : memref<10240x16xf32, #tpu.memory_space<vmem_shared>> -> memref<10240x16xf32, #tpu.memory_space<vmem_shared>>
        tpu.wait_indirect_dma semaphore(%arg25 : memref<!tpu.dma_semaphore, #tpu.memory_space<semaphore_mem>>) src(%arg15 : memref<80x16xf32, #tpu.memory_space<vmem>>) dst(%dma_wait3A_252 : memref<10240x16xf32, #tpu.memory_space<vmem_shared>>)
        %dma_wait3A_253 = arith.constant 0 : i32
        %dma_wait3A_254 = tpu.memref_slice %arg10[%add3A_221, %dma_wait3A_253] : memref<125x80xi32, #tpu.memory_space<vmem>> -> memref<1x80xi32, #tpu.memory_space<vmem>>
        %dma_wait3A_255 = tpu.memref_squeeze %dma_wait3A_254 : memref<1x80xi32, #tpu.memory_space<vmem>> -> memref<80xi32, #tpu.memory_space<vmem>>
        %dma_wait3A_256 = arith.constant 0 : i32
        %dma_wait3A_257 = arith.constant 0 : i32
        %dma_wait3A_258 = tpu.memref_slice %arg28[%dma_wait3A_256, %dma_wait3A_257] : memref<10240x16xf32, #tpu.memory_space<vmem_shared>> -> memref<10240x16xf32, #tpu.memory_space<vmem_shared>>
        tpu.wait_indirect_dma semaphore(%arg25 : memref<!tpu.dma_semaphore, #tpu.memory_space<semaphore_mem>>) src(%arg27 : memref<80x16xf32, #tpu.memory_space<vmem>>) dst(%dma_wait3A_258 : memref<10240x16xf32, #tpu.memory_space<vmem_shared>>)
        %dma_start3A_259 = arith.constant 0 : i32
        %dma_start3A_260 = tpu.memref_slice %arg9[%add3A_241, %dma_start3A_259] : memref<125x80xi32, #tpu.memory_space<vmem>> -> memref<1x80xi32, #tpu.memory_space<vmem>>
        %dma_start3A_261 = tpu.memref_squeeze %dma_start3A_260 : memref<1x80xi32, #tpu.memory_space<vmem>> -> memref<80xi32, #tpu.memory_space<vmem>>
        %dma_start3A_262 = arith.constant 0 : i32
        %dma_start3A_263 = arith.constant 0 : i32
        %dma_start3A_264 = tpu.memref_slice %arg2[%dma_start3A_262, %dma_start3A_263] : memref<10240x16xf32, #tpu.memory_space<hbm>> -> memref<10240x16xf32, #tpu.memory_space<hbm>>
        tpu.enqueue_indirect_dma source(%dma_start3A_264 : memref<10240x16xf32, #tpu.memory_space<hbm>>) target(%arg15 : memref<80x16xf32, #tpu.memory_space<vmem>>) offsets(%dma_start3A_261 : memref<80xi32, #tpu.memory_space<vmem>>) semaphore(%arg20 : memref<!tpu.dma_semaphore, #tpu.memory_space<semaphore_mem>>)
      } else {
      }
    }
    %scan3A_41 = arith.constant 25 : i32
    %dma_wait3A = arith.constant 0 : i32
    %dma_wait3A_42 = arith.constant 0 : i32
    %dma_wait3A_43 = tpu.memref_slice %arg10[%dma_wait3A, %dma_wait3A_42] : memref<125x80xi32, #tpu.memory_space<vmem>> -> memref<1x80xi32, #tpu.memory_space<vmem>>
    %dma_wait3A_44 = tpu.memref_squeeze %dma_wait3A_43 : memref<1x80xi32, #tpu.memory_space<vmem>> -> memref<80xi32, #tpu.memory_space<vmem>>
    %dma_wait3A_45 = arith.constant 0 : i32
    %dma_wait3A_46 = arith.constant 0 : i32
    %dma_wait3A_47 = tpu.memref_slice %arg26[%dma_wait3A_45, %dma_wait3A_46] : memref<10240x16xf32, #tpu.memory_space<vmem_shared>> -> memref<10240x16xf32, #tpu.memory_space<vmem_shared>>
    tpu.wait_indirect_dma semaphore(%arg21 : memref<!tpu.dma_semaphore, #tpu.memory_space<semaphore_mem>>) src(%arg11 : memref<80x16xf32, #tpu.memory_space<vmem>>) dst(%dma_wait3A_47 : memref<10240x16xf32, #tpu.memory_space<vmem_shared>>)
    %dma_wait3A_48 = arith.constant 0 : i32
    %dma_wait3A_49 = arith.constant 0 : i32
    %dma_wait3A_50 = tpu.memref_slice %arg10[%dma_wait3A_48, %dma_wait3A_49] : memref<125x80xi32, #tpu.memory_space<vmem>> -> memref<1x80xi32, #tpu.memory_space<vmem>>
    %dma_wait3A_51 = tpu.memref_squeeze %dma_wait3A_50 : memref<1x80xi32, #tpu.memory_space<vmem>> -> memref<80xi32, #tpu.memory_space<vmem>>
    %dma_wait3A_52 = arith.constant 0 : i32
    %dma_wait3A_53 = arith.constant 0 : i32
    %dma_wait3A_54 = tpu.memref_slice %arg28[%dma_wait3A_52, %dma_wait3A_53] : memref<10240x16xf32, #tpu.memory_space<vmem_shared>> -> memref<10240x16xf32, #tpu.memory_space<vmem_shared>>
    tpu.wait_indirect_dma semaphore(%arg21 : memref<!tpu.dma_semaphore, #tpu.memory_space<semaphore_mem>>) src(%arg27 : memref<80x16xf32, #tpu.memory_space<vmem>>) dst(%dma_wait3A_54 : memref<10240x16xf32, #tpu.memory_space<vmem_shared>>)
    %dma_wait3A_55 = arith.constant 0 : i32
    %dma_wait3A_56 = arith.constant 0 : i32
    %dma_wait3A_57 = tpu.memref_slice %arg10[%dma_wait3A_55, %dma_wait3A_56] : memref<125x80xi32, #tpu.memory_space<vmem>> -> memref<1x80xi32, #tpu.memory_space<vmem>>
    %dma_wait3A_58 = tpu.memref_squeeze %dma_wait3A_57 : memref<1x80xi32, #tpu.memory_space<vmem>> -> memref<80xi32, #tpu.memory_space<vmem>>
    %dma_wait3A_59 = arith.constant 0 : i32
    %dma_wait3A_60 = arith.constant 0 : i32
    %dma_wait3A_61 = tpu.memref_slice %arg26[%dma_wait3A_59, %dma_wait3A_60] : memref<10240x16xf32, #tpu.memory_space<vmem_shared>> -> memref<10240x16xf32, #tpu.memory_space<vmem_shared>>
    tpu.wait_indirect_dma semaphore(%arg22 : memref<!tpu.dma_semaphore, #tpu.memory_space<semaphore_mem>>) src(%arg12 : memref<80x16xf32, #tpu.memory_space<vmem>>) dst(%dma_wait3A_61 : memref<10240x16xf32, #tpu.memory_space<vmem_shared>>)
    %dma_wait3A_62 = arith.constant 0 : i32
    %dma_wait3A_63 = arith.constant 0 : i32
    %dma_wait3A_64 = tpu.memref_slice %arg10[%dma_wait3A_62, %dma_wait3A_63] : memref<125x80xi32, #tpu.memory_space<vmem>> -> memref<1x80xi32, #tpu.memory_space<vmem>>
    %dma_wait3A_65 = tpu.memref_squeeze %dma_wait3A_64 : memref<1x80xi32, #tpu.memory_space<vmem>> -> memref<80xi32, #tpu.memory_space<vmem>>
    %dma_wait3A_66 = arith.constant 0 : i32
    %dma_wait3A_67 = arith.constant 0 : i32
    %dma_wait3A_68 = tpu.memref_slice %arg28[%dma_wait3A_66, %dma_wait3A_67] : memref<10240x16xf32, #tpu.memory_space<vmem_shared>> -> memref<10240x16xf32, #tpu.memory_space<vmem_shared>>
    tpu.wait_indirect_dma semaphore(%arg22 : memref<!tpu.dma_semaphore, #tpu.memory_space<semaphore_mem>>) src(%arg27 : memref<80x16xf32, #tpu.memory_space<vmem>>) dst(%dma_wait3A_68 : memref<10240x16xf32, #tpu.memory_space<vmem_shared>>)
    %dma_wait3A_69 = arith.constant 0 : i32
    %dma_wait3A_70 = arith.constant 0 : i32
    %dma_wait3A_71 = tpu.memref_slice %arg10[%dma_wait3A_69, %dma_wait3A_70] : memref<125x80xi32, #tpu.memory_space<vmem>> -> memref<1x80xi32, #tpu.memory_space<vmem>>
    %dma_wait3A_72 = tpu.memref_squeeze %dma_wait3A_71 : memref<1x80xi32, #tpu.memory_space<vmem>> -> memref<80xi32, #tpu.memory_space<vmem>>
    %dma_wait3A_73 = arith.constant 0 : i32
    %dma_wait3A_74 = arith.constant 0 : i32
    %dma_wait3A_75 = tpu.memref_slice %arg26[%dma_wait3A_73, %dma_wait3A_74] : memref<10240x16xf32, #tpu.memory_space<vmem_shared>> -> memref<10240x16xf32, #tpu.memory_space<vmem_shared>>
    tpu.wait_indirect_dma semaphore(%arg23 : memref<!tpu.dma_semaphore, #tpu.memory_space<semaphore_mem>>) src(%arg13 : memref<80x16xf32, #tpu.memory_space<vmem>>) dst(%dma_wait3A_75 : memref<10240x16xf32, #tpu.memory_space<vmem_shared>>)
    %dma_wait3A_76 = arith.constant 0 : i32
    %dma_wait3A_77 = arith.constant 0 : i32
    %dma_wait3A_78 = tpu.memref_slice %arg10[%dma_wait3A_76, %dma_wait3A_77] : memref<125x80xi32, #tpu.memory_space<vmem>> -> memref<1x80xi32, #tpu.memory_space<vmem>>
    %dma_wait3A_79 = tpu.memref_squeeze %dma_wait3A_78 : memref<1x80xi32, #tpu.memory_space<vmem>> -> memref<80xi32, #tpu.memory_space<vmem>>
    %dma_wait3A_80 = arith.constant 0 : i32
    %dma_wait3A_81 = arith.constant 0 : i32
    %dma_wait3A_82 = tpu.memref_slice %arg28[%dma_wait3A_80, %dma_wait3A_81] : memref<10240x16xf32, #tpu.memory_space<vmem_shared>> -> memref<10240x16xf32, #tpu.memory_space<vmem_shared>>
    tpu.wait_indirect_dma semaphore(%arg23 : memref<!tpu.dma_semaphore, #tpu.memory_space<semaphore_mem>>) src(%arg27 : memref<80x16xf32, #tpu.memory_space<vmem>>) dst(%dma_wait3A_82 : memref<10240x16xf32, #tpu.memory_space<vmem_shared>>)
    %dma_wait3A_83 = arith.constant 0 : i32
    %dma_wait3A_84 = arith.constant 0 : i32
    %dma_wait3A_85 = tpu.memref_slice %arg10[%dma_wait3A_83, %dma_wait3A_84] : memref<125x80xi32, #tpu.memory_space<vmem>> -> memref<1x80xi32, #tpu.memory_space<vmem>>
    %dma_wait3A_86 = tpu.memref_squeeze %dma_wait3A_85 : memref<1x80xi32, #tpu.memory_space<vmem>> -> memref<80xi32, #tpu.memory_space<vmem>>
    %dma_wait3A_87 = arith.constant 0 : i32
    %dma_wait3A_88 = arith.constant 0 : i32
    %dma_wait3A_89 = tpu.memref_slice %arg26[%dma_wait3A_87, %dma_wait3A_88] : memref<10240x16xf32, #tpu.memory_space<vmem_shared>> -> memref<10240x16xf32, #tpu.memory_space<vmem_shared>>
    tpu.wait_indirect_dma semaphore(%arg24 : memref<!tpu.dma_semaphore, #tpu.memory_space<semaphore_mem>>) src(%arg14 : memref<80x16xf32, #tpu.memory_space<vmem>>) dst(%dma_wait3A_89 : memref<10240x16xf32, #tpu.memory_space<vmem_shared>>)
    %dma_wait3A_90 = arith.constant 0 : i32
    %dma_wait3A_91 = arith.constant 0 : i32
    %dma_wait3A_92 = tpu.memref_slice %arg10[%dma_wait3A_90, %dma_wait3A_91] : memref<125x80xi32, #tpu.memory_space<vmem>> -> memref<1x80xi32, #tpu.memory_space<vmem>>
    %dma_wait3A_93 = tpu.memref_squeeze %dma_wait3A_92 : memref<1x80xi32, #tpu.memory_space<vmem>> -> memref<80xi32, #tpu.memory_space<vmem>>
    %dma_wait3A_94 = arith.constant 0 : i32
    %dma_wait3A_95 = arith.constant 0 : i32
    %dma_wait3A_96 = tpu.memref_slice %arg28[%dma_wait3A_94, %dma_wait3A_95] : memref<10240x16xf32, #tpu.memory_space<vmem_shared>> -> memref<10240x16xf32, #tpu.memory_space<vmem_shared>>
    tpu.wait_indirect_dma semaphore(%arg24 : memref<!tpu.dma_semaphore, #tpu.memory_space<semaphore_mem>>) src(%arg27 : memref<80x16xf32, #tpu.memory_space<vmem>>) dst(%dma_wait3A_96 : memref<10240x16xf32, #tpu.memory_space<vmem_shared>>)
    %dma_wait3A_97 = arith.constant 0 : i32
    %dma_wait3A_98 = arith.constant 0 : i32
    %dma_wait3A_99 = tpu.memref_slice %arg10[%dma_wait3A_97, %dma_wait3A_98] : memref<125x80xi32, #tpu.memory_space<vmem>> -> memref<1x80xi32, #tpu.memory_space<vmem>>
    %dma_wait3A_100 = tpu.memref_squeeze %dma_wait3A_99 : memref<1x80xi32, #tpu.memory_space<vmem>> -> memref<80xi32, #tpu.memory_space<vmem>>
    %dma_wait3A_101 = arith.constant 0 : i32
    %dma_wait3A_102 = arith.constant 0 : i32
    %dma_wait3A_103 = tpu.memref_slice %arg26[%dma_wait3A_101, %dma_wait3A_102] : memref<10240x16xf32, #tpu.memory_space<vmem_shared>> -> memref<10240x16xf32, #tpu.memory_space<vmem_shared>>
    tpu.wait_indirect_dma semaphore(%arg25 : memref<!tpu.dma_semaphore, #tpu.memory_space<semaphore_mem>>) src(%arg15 : memref<80x16xf32, #tpu.memory_space<vmem>>) dst(%dma_wait3A_103 : memref<10240x16xf32, #tpu.memory_space<vmem_shared>>)
    %dma_wait3A_104 = arith.constant 0 : i32
    %dma_wait3A_105 = arith.constant 0 : i32
    %dma_wait3A_106 = tpu.memref_slice %arg10[%dma_wait3A_104, %dma_wait3A_105] : memref<125x80xi32, #tpu.memory_space<vmem>> -> memref<1x80xi32, #tpu.memory_space<vmem>>
    %dma_wait3A_107 = tpu.memref_squeeze %dma_wait3A_106 : memref<1x80xi32, #tpu.memory_space<vmem>> -> memref<80xi32, #tpu.memory_space<vmem>>
    %dma_wait3A_108 = arith.constant 0 : i32
    %dma_wait3A_109 = arith.constant 0 : i32
    %dma_wait3A_110 = tpu.memref_slice %arg28[%dma_wait3A_108, %dma_wait3A_109] : memref<10240x16xf32, #tpu.memory_space<vmem_shared>> -> memref<10240x16xf32, #tpu.memory_space<vmem_shared>>
    tpu.wait_indirect_dma semaphore(%arg25 : memref<!tpu.dma_semaphore, #tpu.memory_space<semaphore_mem>>) src(%arg27 : memref<80x16xf32, #tpu.memory_space<vmem>>) dst(%dma_wait3A_110 : memref<10240x16xf32, #tpu.memory_space<vmem_shared>>)
    %barrier3A_111 = arith.constant 0 : index
    tpu.barrier barrier_id(%barrier3A_111)
    "tpu.region"() ({
      %run_scoped3A = tpu.sem_alloc : memref<!tpu.dma_semaphore, #tpu.memory_space<semaphore_mem>>
      %dma_start3A_112 = arith.constant 0 : i32
      %dma_start3A_113 = tpu.memref_slice %arg7[%arg0, %mul3A_2, %dma_start3A_112] : memref<2x10240x16xf32, #tpu.memory_space<hbm>> -> memref<1x640x16xf32, #tpu.memory_space<hbm>>
      %dma_start3A_114 = tpu.memref_squeeze %dma_start3A_113 : memref<1x640x16xf32, #tpu.memory_space<hbm>> -> memref<640x16xf32, #tpu.memory_space<hbm>>
      %dma_start3A_115 = arith.constant 0 : i32
      %dma_start3A_116 = tpu.memref_slice %arg26[%mul3A_2, %dma_start3A_115] : memref<10240x16xf32, #tpu.memory_space<vmem_shared>> -> memref<640x16xf32, #tpu.memory_space<vmem_shared>>
      tpu.enqueue_dma source(%dma_start3A_116 : memref<640x16xf32, #tpu.memory_space<vmem_shared>>) target(%dma_start3A_114 : memref<640x16xf32, #tpu.memory_space<hbm>>) target_semaphore(%run_scoped3A : memref<!tpu.dma_semaphore, #tpu.memory_space<semaphore_mem>>)
      %dma_wait3A_117 = arith.constant 0 : i32
      %dma_wait3A_118 = tpu.memref_slice %arg7[%arg0, %mul3A_2, %dma_wait3A_117] : memref<2x10240x16xf32, #tpu.memory_space<hbm>> -> memref<1x640x16xf32, #tpu.memory_space<hbm>>
      %dma_wait3A_119 = tpu.memref_squeeze %dma_wait3A_118 : memref<1x640x16xf32, #tpu.memory_space<hbm>> -> memref<640x16xf32, #tpu.memory_space<hbm>>
      %dma_wait3A_120 = arith.constant 0 : i32
      %dma_wait3A_121 = tpu.memref_slice %arg26[%mul3A_2, %dma_wait3A_120] : memref<10240x16xf32, #tpu.memory_space<vmem_shared>> -> memref<640x16xf32, #tpu.memory_space<vmem_shared>>
      tpu.wait_dma2 semaphore(%run_scoped3A : memref<!tpu.dma_semaphore, #tpu.memory_space<semaphore_mem>>) src(%dma_wait3A_121 : memref<640x16xf32, #tpu.memory_space<vmem_shared>>) dst(%dma_wait3A_119 : memref<640x16xf32, #tpu.memory_space<hbm>>)
      tpu.yield
    }) : () -> ()
    "tpu.region"() ({
      %run_scoped3A = tpu.sem_alloc : memref<!tpu.dma_semaphore, #tpu.memory_space<semaphore_mem>>
      %dma_start3A_112 = arith.constant 0 : i32
      %dma_start3A_113 = tpu.memref_slice %arg8[%arg0, %mul3A_2, %dma_start3A_112] : memref<2x10240x16xf32, #tpu.memory_space<hbm>> -> memref<1x640x16xf32, #tpu.memory_space<hbm>>
      %dma_start3A_114 = tpu.memref_squeeze %dma_start3A_113 : memref<1x640x16xf32, #tpu.memory_space<hbm>> -> memref<640x16xf32, #tpu.memory_space<hbm>>
      %dma_start3A_115 = arith.constant 0 : i32
      %dma_start3A_116 = tpu.memref_slice %arg28[%mul3A_2, %dma_start3A_115] : memref<10240x16xf32, #tpu.memory_space<vmem_shared>> -> memref<640x16xf32, #tpu.memory_space<vmem_shared>>
      tpu.enqueue_dma source(%dma_start3A_116 : memref<640x16xf32, #tpu.memory_space<vmem_shared>>) target(%dma_start3A_114 : memref<640x16xf32, #tpu.memory_space<hbm>>) target_semaphore(%run_scoped3A : memref<!tpu.dma_semaphore, #tpu.memory_space<semaphore_mem>>)
      %dma_wait3A_117 = arith.constant 0 : i32
      %dma_wait3A_118 = tpu.memref_slice %arg8[%arg0, %mul3A_2, %dma_wait3A_117] : memref<2x10240x16xf32, #tpu.memory_space<hbm>> -> memref<1x640x16xf32, #tpu.memory_space<hbm>>
      %dma_wait3A_119 = tpu.memref_squeeze %dma_wait3A_118 : memref<1x640x16xf32, #tpu.memory_space<hbm>> -> memref<640x16xf32, #tpu.memory_space<hbm>>
      %dma_wait3A_120 = arith.constant 0 : i32
      %dma_wait3A_121 = tpu.memref_slice %arg28[%mul3A_2, %dma_wait3A_120] : memref<10240x16xf32, #tpu.memory_space<vmem_shared>> -> memref<640x16xf32, #tpu.memory_space<vmem_shared>>
      tpu.wait_dma2 semaphore(%run_scoped3A : memref<!tpu.dma_semaphore, #tpu.memory_space<semaphore_mem>>) src(%dma_wait3A_121 : memref<640x16xf32, #tpu.memory_space<vmem_shared>>) dst(%dma_wait3A_119 : memref<640x16xf32, #tpu.memory_space<hbm>>)
      tpu.yield
    }) : () -> ()
    return
  }
}

#map = affine_map<(d0, d1) -> (0, 0)>
#map1 = affine_map<(d0, d1) -> (0, 0, 0)>
module attributes {stable_mosaic.version = 14 : i64} {
  func.func @body(%arg0: i32, %arg1: i32, %arg2: memref<10240x16xf32, #tpu.memory_space<hbm>>, %arg3: memref<32x125x80xi32, #tpu.memory_space<hbm>>, %arg4: memref<32x125x80xi32, #tpu.memory_space<hbm>>, %arg5: memref<640x16xf32, #tpu.memory_space<hbm>>, %arg6: memref<2x10240x16xf32, #tpu.memory_space<hbm>>, %arg7: memref<125x80xi32, #tpu.memory_space<vmem>>, %arg8: memref<125x80xi32, #tpu.memory_space<vmem>>, %arg9: memref<80x16xf32, #tpu.memory_space<vmem>>, %arg10: memref<80x16xf32, #tpu.memory_space<vmem>>, %arg11: memref<80x16xf32, #tpu.memory_space<vmem>>, %arg12: memref<80x16xf32, #tpu.memory_space<vmem>>, %arg13: memref<80x16xf32, #tpu.memory_space<vmem>>, %arg14: memref<!tpu.dma_semaphore, #tpu.memory_space<semaphore_mem>>, %arg15: memref<!tpu.dma_semaphore, #tpu.memory_space<semaphore_mem>>, %arg16: memref<!tpu.dma_semaphore, #tpu.memory_space<semaphore_mem>>, %arg17: memref<!tpu.dma_semaphore, #tpu.memory_space<semaphore_mem>>, %arg18: memref<!tpu.dma_semaphore, #tpu.memory_space<semaphore_mem>>, %arg19: memref<!tpu.dma_semaphore, #tpu.memory_space<semaphore_mem>>, %arg20: memref<!tpu.dma_semaphore, #tpu.memory_space<semaphore_mem>>, %arg21: memref<!tpu.dma_semaphore, #tpu.memory_space<semaphore_mem>>, %arg22: memref<!tpu.dma_semaphore, #tpu.memory_space<semaphore_mem>>, %arg23: memref<!tpu.dma_semaphore, #tpu.memory_space<semaphore_mem>>, %arg24: memref<10240x16xf32, #tpu.memory_space<vmem_shared>>) attributes {dimension_semantics = [#tpu.dimension_semantics<core_parallel>, #tpu.dimension_semantics<subcore_parallel>], iteration_bounds = array<i64: 2, 16>, scalar_prefetch = 0 : i64, scratch_operands = 18 : i64, tpu.core_type = #tpu.core_type<sc_vector_subcore>, window_params = [{transform_indices = #map}, {transform_indices = #map1}, {transform_indices = #map1}, {transform_indices = #map}, {transform_indices = #map1}]} {
    %mul3A = arith.constant 16 : i32
    %mul3A_0 = arith.muli %arg0, %mul3A : i32
    %add3A = arith.addi %mul3A_0, %arg1 : i32
    %mul3A_1 = arith.constant 640 : i32
    %mul3A_2 = arith.muli %arg1, %mul3A_1 : i32
    "tpu.region"() ({
      %run_scoped3A = tpu.sem_alloc : memref<!tpu.dma_semaphore, #tpu.memory_space<semaphore_mem>>
      %dma_start3A_77 = arith.constant 0 : i32
      %dma_start3A_78 = tpu.memref_slice %arg24[%mul3A_2, %dma_start3A_77] : memref<10240x16xf32, #tpu.memory_space<vmem_shared>> -> memref<640x16xf32, #tpu.memory_space<vmem_shared>>
      tpu.enqueue_dma source(%arg5 : memref<640x16xf32, #tpu.memory_space<hbm>>) target(%dma_start3A_78 : memref<640x16xf32, #tpu.memory_space<vmem_shared>>) target_semaphore(%run_scoped3A : memref<!tpu.dma_semaphore, #tpu.memory_space<semaphore_mem>>)
      %dma_wait3A_79 = arith.constant 0 : i32
      %dma_wait3A_80 = tpu.memref_slice %arg24[%mul3A_2, %dma_wait3A_79] : memref<10240x16xf32, #tpu.memory_space<vmem_shared>> -> memref<640x16xf32, #tpu.memory_space<vmem_shared>>
      tpu.wait_dma2 semaphore(%run_scoped3A : memref<!tpu.dma_semaphore, #tpu.memory_space<semaphore_mem>>) src(%arg5 : memref<640x16xf32, #tpu.memory_space<hbm>>) dst(%dma_wait3A_80 : memref<640x16xf32, #tpu.memory_space<vmem_shared>>)
      tpu.yield
    }) : () -> ()
    "tpu.region"() ({
      %run_scoped3A = tpu.sem_alloc : memref<!tpu.dma_semaphore, #tpu.memory_space<semaphore_mem>>
      %dma_start3A_77 = arith.constant 0 : i32
      %dma_start3A_78 = arith.constant 0 : i32
      %dma_start3A_79 = tpu.memref_slice %arg3[%add3A, %dma_start3A_77, %dma_start3A_78] : memref<32x125x80xi32, #tpu.memory_space<hbm>> -> memref<1x125x80xi32, #tpu.memory_space<hbm>>
      %dma_start3A_80 = tpu.memref_squeeze %dma_start3A_79 : memref<1x125x80xi32, #tpu.memory_space<hbm>> -> memref<125x80xi32, #tpu.memory_space<hbm>>
      %dma_start3A_81 = arith.constant 0 : i32
      %dma_start3A_82 = arith.constant 0 : i32
      %dma_start3A_83 = tpu.memref_slice %arg3[%add3A, %dma_start3A_81, %dma_start3A_82] : memref<32x125x80xi32, #tpu.memory_space<hbm>> -> memref<1x125x80xi32, #tpu.memory_space<hbm>>
      %dma_start3A_84 = tpu.memref_squeeze %dma_start3A_83 : memref<1x125x80xi32, #tpu.memory_space<hbm>> -> memref<125x80xi32, #tpu.memory_space<hbm>>
      tpu.enqueue_dma source(%dma_start3A_84 : memref<125x80xi32, #tpu.memory_space<hbm>>) target(%arg7 : memref<125x80xi32, #tpu.memory_space<vmem>>) target_semaphore(%run_scoped3A : memref<!tpu.dma_semaphore, #tpu.memory_space<semaphore_mem>>)
      %dma_wait3A_85 = arith.constant 0 : i32
      %dma_wait3A_86 = arith.constant 0 : i32
      %dma_wait3A_87 = tpu.memref_slice %arg3[%add3A, %dma_wait3A_85, %dma_wait3A_86] : memref<32x125x80xi32, #tpu.memory_space<hbm>> -> memref<1x125x80xi32, #tpu.memory_space<hbm>>
      %dma_wait3A_88 = tpu.memref_squeeze %dma_wait3A_87 : memref<1x125x80xi32, #tpu.memory_space<hbm>> -> memref<125x80xi32, #tpu.memory_space<hbm>>
      %dma_wait3A_89 = arith.constant 0 : i32
      %dma_wait3A_90 = arith.constant 0 : i32
      %dma_wait3A_91 = tpu.memref_slice %arg3[%add3A, %dma_wait3A_89, %dma_wait3A_90] : memref<32x125x80xi32, #tpu.memory_space<hbm>> -> memref<1x125x80xi32, #tpu.memory_space<hbm>>
      %dma_wait3A_92 = tpu.memref_squeeze %dma_wait3A_91 : memref<1x125x80xi32, #tpu.memory_space<hbm>> -> memref<125x80xi32, #tpu.memory_space<hbm>>
      tpu.wait_dma2 semaphore(%run_scoped3A : memref<!tpu.dma_semaphore, #tpu.memory_space<semaphore_mem>>) src(%dma_wait3A_92 : memref<125x80xi32, #tpu.memory_space<hbm>>) dst(%arg7 : memref<125x80xi32, #tpu.memory_space<vmem>>)
      tpu.yield
    }) : () -> ()
    "tpu.region"() ({
      %run_scoped3A = tpu.sem_alloc : memref<!tpu.dma_semaphore, #tpu.memory_space<semaphore_mem>>
      %dma_start3A_77 = arith.constant 0 : i32
      %dma_start3A_78 = arith.constant 0 : i32
      %dma_start3A_79 = tpu.memref_slice %arg4[%add3A, %dma_start3A_77, %dma_start3A_78] : memref<32x125x80xi32, #tpu.memory_space<hbm>> -> memref<1x125x80xi32, #tpu.memory_space<hbm>>
      %dma_start3A_80 = tpu.memref_squeeze %dma_start3A_79 : memref<1x125x80xi32, #tpu.memory_space<hbm>> -> memref<125x80xi32, #tpu.memory_space<hbm>>
      %dma_start3A_81 = arith.constant 0 : i32
      %dma_start3A_82 = arith.constant 0 : i32
      %dma_start3A_83 = tpu.memref_slice %arg4[%add3A, %dma_start3A_81, %dma_start3A_82] : memref<32x125x80xi32, #tpu.memory_space<hbm>> -> memref<1x125x80xi32, #tpu.memory_space<hbm>>
      %dma_start3A_84 = tpu.memref_squeeze %dma_start3A_83 : memref<1x125x80xi32, #tpu.memory_space<hbm>> -> memref<125x80xi32, #tpu.memory_space<hbm>>
      tpu.enqueue_dma source(%dma_start3A_84 : memref<125x80xi32, #tpu.memory_space<hbm>>) target(%arg8 : memref<125x80xi32, #tpu.memory_space<vmem>>) target_semaphore(%run_scoped3A : memref<!tpu.dma_semaphore, #tpu.memory_space<semaphore_mem>>)
      %dma_wait3A_85 = arith.constant 0 : i32
      %dma_wait3A_86 = arith.constant 0 : i32
      %dma_wait3A_87 = tpu.memref_slice %arg4[%add3A, %dma_wait3A_85, %dma_wait3A_86] : memref<32x125x80xi32, #tpu.memory_space<hbm>> -> memref<1x125x80xi32, #tpu.memory_space<hbm>>
      %dma_wait3A_88 = tpu.memref_squeeze %dma_wait3A_87 : memref<1x125x80xi32, #tpu.memory_space<hbm>> -> memref<125x80xi32, #tpu.memory_space<hbm>>
      %dma_wait3A_89 = arith.constant 0 : i32
      %dma_wait3A_90 = arith.constant 0 : i32
      %dma_wait3A_91 = tpu.memref_slice %arg4[%add3A, %dma_wait3A_89, %dma_wait3A_90] : memref<32x125x80xi32, #tpu.memory_space<hbm>> -> memref<1x125x80xi32, #tpu.memory_space<hbm>>
      %dma_wait3A_92 = tpu.memref_squeeze %dma_wait3A_91 : memref<1x125x80xi32, #tpu.memory_space<hbm>> -> memref<125x80xi32, #tpu.memory_space<hbm>>
      tpu.wait_dma2 semaphore(%run_scoped3A : memref<!tpu.dma_semaphore, #tpu.memory_space<semaphore_mem>>) src(%dma_wait3A_92 : memref<125x80xi32, #tpu.memory_space<hbm>>) dst(%arg8 : memref<125x80xi32, #tpu.memory_space<vmem>>)
      tpu.yield
    }) : () -> ()
    %barrier3A = arith.constant 0 : index
    tpu.barrier barrier_id(%barrier3A)
    %dma_start3A = arith.constant 0 : i32
    %dma_start3A_3 = arith.constant 0 : i32
    %dma_start3A_4 = tpu.memref_slice %arg7[%dma_start3A, %dma_start3A_3] : memref<125x80xi32, #tpu.memory_space<vmem>> -> memref<1x80xi32, #tpu.memory_space<vmem>>
    %dma_start3A_5 = tpu.memref_squeeze %dma_start3A_4 : memref<1x80xi32, #tpu.memory_space<vmem>> -> memref<80xi32, #tpu.memory_space<vmem>>
    %dma_start3A_6 = arith.constant 0 : i32
    %dma_start3A_7 = arith.constant 0 : i32
    %dma_start3A_8 = tpu.memref_slice %arg2[%dma_start3A_6, %dma_start3A_7] : memref<10240x16xf32, #tpu.memory_space<hbm>> -> memref<10240x16xf32, #tpu.memory_space<hbm>>
    tpu.enqueue_indirect_dma source(%dma_start3A_8 : memref<10240x16xf32, #tpu.memory_space<hbm>>) target(%arg9 : memref<80x16xf32, #tpu.memory_space<vmem>>) offsets(%dma_start3A_5 : memref<80xi32, #tpu.memory_space<vmem>>) semaphore(%arg14 : memref<!tpu.dma_semaphore, #tpu.memory_space<semaphore_mem>>)
    %dma_start3A_9 = arith.constant 1 : i32
    %dma_start3A_10 = arith.constant 0 : i32
    %dma_start3A_11 = tpu.memref_slice %arg7[%dma_start3A_9, %dma_start3A_10] : memref<125x80xi32, #tpu.memory_space<vmem>> -> memref<1x80xi32, #tpu.memory_space<vmem>>
    %dma_start3A_12 = tpu.memref_squeeze %dma_start3A_11 : memref<1x80xi32, #tpu.memory_space<vmem>> -> memref<80xi32, #tpu.memory_space<vmem>>
    %dma_start3A_13 = arith.constant 0 : i32
    %dma_start3A_14 = arith.constant 0 : i32
    %dma_start3A_15 = tpu.memref_slice %arg2[%dma_start3A_13, %dma_start3A_14] : memref<10240x16xf32, #tpu.memory_space<hbm>> -> memref<10240x16xf32, #tpu.memory_space<hbm>>
    tpu.enqueue_indirect_dma source(%dma_start3A_15 : memref<10240x16xf32, #tpu.memory_space<hbm>>) target(%arg10 : memref<80x16xf32, #tpu.memory_space<vmem>>) offsets(%dma_start3A_12 : memref<80xi32, #tpu.memory_space<vmem>>) semaphore(%arg15 : memref<!tpu.dma_semaphore, #tpu.memory_space<semaphore_mem>>)
    %dma_start3A_16 = arith.constant 2 : i32
    %dma_start3A_17 = arith.constant 0 : i32
    %dma_start3A_18 = tpu.memref_slice %arg7[%dma_start3A_16, %dma_start3A_17] : memref<125x80xi32, #tpu.memory_space<vmem>> -> memref<1x80xi32, #tpu.memory_space<vmem>>
    %dma_start3A_19 = tpu.memref_squeeze %dma_start3A_18 : memref<1x80xi32, #tpu.memory_space<vmem>> -> memref<80xi32, #tpu.memory_space<vmem>>
    %dma_start3A_20 = arith.constant 0 : i32
    %dma_start3A_21 = arith.constant 0 : i32
    %dma_start3A_22 = tpu.memref_slice %arg2[%dma_start3A_20, %dma_start3A_21] : memref<10240x16xf32, #tpu.memory_space<hbm>> -> memref<10240x16xf32, #tpu.memory_space<hbm>>
    tpu.enqueue_indirect_dma source(%dma_start3A_22 : memref<10240x16xf32, #tpu.memory_space<hbm>>) target(%arg11 : memref<80x16xf32, #tpu.memory_space<vmem>>) offsets(%dma_start3A_19 : memref<80xi32, #tpu.memory_space<vmem>>) semaphore(%arg16 : memref<!tpu.dma_semaphore, #tpu.memory_space<semaphore_mem>>)
    %dma_start3A_23 = arith.constant 3 : i32
    %dma_start3A_24 = arith.constant 0 : i32
    %dma_start3A_25 = tpu.memref_slice %arg7[%dma_start3A_23, %dma_start3A_24] : memref<125x80xi32, #tpu.memory_space<vmem>> -> memref<1x80xi32, #tpu.memory_space<vmem>>
    %dma_start3A_26 = tpu.memref_squeeze %dma_start3A_25 : memref<1x80xi32, #tpu.memory_space<vmem>> -> memref<80xi32, #tpu.memory_space<vmem>>
    %dma_start3A_27 = arith.constant 0 : i32
    %dma_start3A_28 = arith.constant 0 : i32
    %dma_start3A_29 = tpu.memref_slice %arg2[%dma_start3A_27, %dma_start3A_28] : memref<10240x16xf32, #tpu.memory_space<hbm>> -> memref<10240x16xf32, #tpu.memory_space<hbm>>
    tpu.enqueue_indirect_dma source(%dma_start3A_29 : memref<10240x16xf32, #tpu.memory_space<hbm>>) target(%arg12 : memref<80x16xf32, #tpu.memory_space<vmem>>) offsets(%dma_start3A_26 : memref<80xi32, #tpu.memory_space<vmem>>) semaphore(%arg17 : memref<!tpu.dma_semaphore, #tpu.memory_space<semaphore_mem>>)
    %dma_start3A_30 = arith.constant 4 : i32
    %dma_start3A_31 = arith.constant 0 : i32
    %dma_start3A_32 = tpu.memref_slice %arg7[%dma_start3A_30, %dma_start3A_31] : memref<125x80xi32, #tpu.memory_space<vmem>> -> memref<1x80xi32, #tpu.memory_space<vmem>>
    %dma_start3A_33 = tpu.memref_squeeze %dma_start3A_32 : memref<1x80xi32, #tpu.memory_space<vmem>> -> memref<80xi32, #tpu.memory_space<vmem>>
    %dma_start3A_34 = arith.constant 0 : i32
    %dma_start3A_35 = arith.constant 0 : i32
    %dma_start3A_36 = tpu.memref_slice %arg2[%dma_start3A_34, %dma_start3A_35] : memref<10240x16xf32, #tpu.memory_space<hbm>> -> memref<10240x16xf32, #tpu.memory_space<hbm>>
    tpu.enqueue_indirect_dma source(%dma_start3A_36 : memref<10240x16xf32, #tpu.memory_space<hbm>>) target(%arg13 : memref<80x16xf32, #tpu.memory_space<vmem>>) offsets(%dma_start3A_33 : memref<80xi32, #tpu.memory_space<vmem>>) semaphore(%arg18 : memref<!tpu.dma_semaphore, #tpu.memory_space<semaphore_mem>>)
    %scan3A = arith.constant 0 : i32
    %scan3A_37 = arith.constant 0 : i32
    %scan3A_38 = arith.constant 25 : i32
    %scan3A_39 = arith.addi %scan3A_37, %scan3A_38 : i32
    %scan3A_40 = arith.constant 1 : i32
    scf.for %scan3A_77 = %scan3A_37 to %scan3A_39 step %scan3A_40  : i32 {
      %mul3A_78 = arith.constant 5 : i32
      %mul3A_79 = arith.muli %scan3A_77, %mul3A_78 : i32
      %add3A_80 = arith.constant 0 : i32
      %add3A_81 = arith.addi %mul3A_79, %add3A_80 : i32
      %dma_wait3A_82 = arith.constant 0 : i32
      %dma_wait3A_83 = tpu.memref_slice %arg7[%add3A_81, %dma_wait3A_82] : memref<125x80xi32, #tpu.memory_space<vmem>> -> memref<1x80xi32, #tpu.memory_space<vmem>>
      %dma_wait3A_84 = tpu.memref_squeeze %dma_wait3A_83 : memref<1x80xi32, #tpu.memory_space<vmem>> -> memref<80xi32, #tpu.memory_space<vmem>>
      %dma_wait3A_85 = arith.constant 0 : i32
      %dma_wait3A_86 = arith.constant 0 : i32
      %dma_wait3A_87 = tpu.memref_slice %arg2[%dma_wait3A_85, %dma_wait3A_86] : memref<10240x16xf32, #tpu.memory_space<hbm>> -> memref<10240x16xf32, #tpu.memory_space<hbm>>
      tpu.wait_indirect_dma semaphore(%arg14 : memref<!tpu.dma_semaphore, #tpu.memory_space<semaphore_mem>>) src(%dma_wait3A_87 : memref<10240x16xf32, #tpu.memory_space<hbm>>) dst(%arg9 : memref<80x16xf32, #tpu.memory_space<vmem>>)
      %dma_start3A_88 = arith.constant 0 : i32
      %dma_start3A_89 = tpu.memref_slice %arg8[%add3A_81, %dma_start3A_88] : memref<125x80xi32, #tpu.memory_space<vmem>> -> memref<1x80xi32, #tpu.memory_space<vmem>>
      %dma_start3A_90 = tpu.memref_squeeze %dma_start3A_89 : memref<1x80xi32, #tpu.memory_space<vmem>> -> memref<80xi32, #tpu.memory_space<vmem>>
      %dma_start3A_91 = arith.constant 0 : i32
      %dma_start3A_92 = arith.constant 0 : i32
      %dma_start3A_93 = tpu.memref_slice %arg24[%dma_start3A_91, %dma_start3A_92] : memref<10240x16xf32, #tpu.memory_space<vmem_shared>> -> memref<10240x16xf32, #tpu.memory_space<vmem_shared>>
      tpu.enqueue_indirect_dma source(%arg9 : memref<80x16xf32, #tpu.memory_space<vmem>>) target(%dma_start3A_93 : memref<10240x16xf32, #tpu.memory_space<vmem_shared>>) offsets(%dma_start3A_90 : memref<80xi32, #tpu.memory_space<vmem>>) semaphore(%arg19 : memref<!tpu.dma_semaphore, #tpu.memory_space<semaphore_mem>>) {add = true}
      %add3A_94 = arith.constant 5 : i32
      %add3A_95 = arith.addi %add3A_81, %add3A_94 : i32
      %lt3A = arith.constant 125 : i32
      %lt3A_96 = arith.cmpi slt, %add3A_95, %lt3A : i32
      %convert_element_type3A = arith.extui %lt3A_96 : i1 to i32
      %cond3A = arith.constant 0 : i32
      %cond3A_97 = arith.cmpi ne, %convert_element_type3A, %cond3A : i32
      scf.if %cond3A_97 {
        %dma_wait3A_182 = arith.constant 0 : i32
        %dma_wait3A_183 = tpu.memref_slice %arg8[%add3A_81, %dma_wait3A_182] : memref<125x80xi32, #tpu.memory_space<vmem>> -> memref<1x80xi32, #tpu.memory_space<vmem>>
        %dma_wait3A_184 = tpu.memref_squeeze %dma_wait3A_183 : memref<1x80xi32, #tpu.memory_space<vmem>> -> memref<80xi32, #tpu.memory_space<vmem>>
        %dma_wait3A_185 = arith.constant 0 : i32
        %dma_wait3A_186 = arith.constant 0 : i32
        %dma_wait3A_187 = tpu.memref_slice %arg24[%dma_wait3A_185, %dma_wait3A_186] : memref<10240x16xf32, #tpu.memory_space<vmem_shared>> -> memref<10240x16xf32, #tpu.memory_space<vmem_shared>>
        tpu.wait_indirect_dma semaphore(%arg19 : memref<!tpu.dma_semaphore, #tpu.memory_space<semaphore_mem>>) src(%arg9 : memref<80x16xf32, #tpu.memory_space<vmem>>) dst(%dma_wait3A_187 : memref<10240x16xf32, #tpu.memory_space<vmem_shared>>)
        %dma_start3A_188 = arith.constant 0 : i32
        %dma_start3A_189 = tpu.memref_slice %arg7[%add3A_95, %dma_start3A_188] : memref<125x80xi32, #tpu.memory_space<vmem>> -> memref<1x80xi32, #tpu.memory_space<vmem>>
        %dma_start3A_190 = tpu.memref_squeeze %dma_start3A_189 : memref<1x80xi32, #tpu.memory_space<vmem>> -> memref<80xi32, #tpu.memory_space<vmem>>
        %dma_start3A_191 = arith.constant 0 : i32
        %dma_start3A_192 = arith.constant 0 : i32
        %dma_start3A_193 = tpu.memref_slice %arg2[%dma_start3A_191, %dma_start3A_192] : memref<10240x16xf32, #tpu.memory_space<hbm>> -> memref<10240x16xf32, #tpu.memory_space<hbm>>
        tpu.enqueue_indirect_dma source(%dma_start3A_193 : memref<10240x16xf32, #tpu.memory_space<hbm>>) target(%arg9 : memref<80x16xf32, #tpu.memory_space<vmem>>) offsets(%dma_start3A_190 : memref<80xi32, #tpu.memory_space<vmem>>) semaphore(%arg14 : memref<!tpu.dma_semaphore, #tpu.memory_space<semaphore_mem>>)
      } else {
      }
      %add3A_98 = arith.constant 1 : i32
      %add3A_99 = arith.addi %mul3A_79, %add3A_98 : i32
      %dma_wait3A_100 = arith.constant 0 : i32
      %dma_wait3A_101 = tpu.memref_slice %arg7[%add3A_99, %dma_wait3A_100] : memref<125x80xi32, #tpu.memory_space<vmem>> -> memref<1x80xi32, #tpu.memory_space<vmem>>
      %dma_wait3A_102 = tpu.memref_squeeze %dma_wait3A_101 : memref<1x80xi32, #tpu.memory_space<vmem>> -> memref<80xi32, #tpu.memory_space<vmem>>
      %dma_wait3A_103 = arith.constant 0 : i32
      %dma_wait3A_104 = arith.constant 0 : i32
      %dma_wait3A_105 = tpu.memref_slice %arg2[%dma_wait3A_103, %dma_wait3A_104] : memref<10240x16xf32, #tpu.memory_space<hbm>> -> memref<10240x16xf32, #tpu.memory_space<hbm>>
      tpu.wait_indirect_dma semaphore(%arg15 : memref<!tpu.dma_semaphore, #tpu.memory_space<semaphore_mem>>) src(%dma_wait3A_105 : memref<10240x16xf32, #tpu.memory_space<hbm>>) dst(%arg10 : memref<80x16xf32, #tpu.memory_space<vmem>>)
      %dma_start3A_106 = arith.constant 0 : i32
      %dma_start3A_107 = tpu.memref_slice %arg8[%add3A_99, %dma_start3A_106] : memref<125x80xi32, #tpu.memory_space<vmem>> -> memref<1x80xi32, #tpu.memory_space<vmem>>
      %dma_start3A_108 = tpu.memref_squeeze %dma_start3A_107 : memref<1x80xi32, #tpu.memory_space<vmem>> -> memref<80xi32, #tpu.memory_space<vmem>>
      %dma_start3A_109 = arith.constant 0 : i32
      %dma_start3A_110 = arith.constant 0 : i32
      %dma_start3A_111 = tpu.memref_slice %arg24[%dma_start3A_109, %dma_start3A_110] : memref<10240x16xf32, #tpu.memory_space<vmem_shared>> -> memref<10240x16xf32, #tpu.memory_space<vmem_shared>>
      tpu.enqueue_indirect_dma source(%arg10 : memref<80x16xf32, #tpu.memory_space<vmem>>) target(%dma_start3A_111 : memref<10240x16xf32, #tpu.memory_space<vmem_shared>>) offsets(%dma_start3A_108 : memref<80xi32, #tpu.memory_space<vmem>>) semaphore(%arg20 : memref<!tpu.dma_semaphore, #tpu.memory_space<semaphore_mem>>) {add = true}
      %add3A_112 = arith.constant 5 : i32
      %add3A_113 = arith.addi %add3A_99, %add3A_112 : i32
      %lt3A_114 = arith.constant 125 : i32
      %lt3A_115 = arith.cmpi slt, %add3A_113, %lt3A_114 : i32
      %convert_element_type3A_116 = arith.extui %lt3A_115 : i1 to i32
      %cond3A_117 = arith.constant 0 : i32
      %cond3A_118 = arith.cmpi ne, %convert_element_type3A_116, %cond3A_117 : i32
      scf.if %cond3A_118 {
        %dma_wait3A_182 = arith.constant 0 : i32
        %dma_wait3A_183 = tpu.memref_slice %arg8[%add3A_99, %dma_wait3A_182] : memref<125x80xi32, #tpu.memory_space<vmem>> -> memref<1x80xi32, #tpu.memory_space<vmem>>
        %dma_wait3A_184 = tpu.memref_squeeze %dma_wait3A_183 : memref<1x80xi32, #tpu.memory_space<vmem>> -> memref<80xi32, #tpu.memory_space<vmem>>
        %dma_wait3A_185 = arith.constant 0 : i32
        %dma_wait3A_186 = arith.constant 0 : i32
        %dma_wait3A_187 = tpu.memref_slice %arg24[%dma_wait3A_185, %dma_wait3A_186] : memref<10240x16xf32, #tpu.memory_space<vmem_shared>> -> memref<10240x16xf32, #tpu.memory_space<vmem_shared>>
        tpu.wait_indirect_dma semaphore(%arg20 : memref<!tpu.dma_semaphore, #tpu.memory_space<semaphore_mem>>) src(%arg10 : memref<80x16xf32, #tpu.memory_space<vmem>>) dst(%dma_wait3A_187 : memref<10240x16xf32, #tpu.memory_space<vmem_shared>>)
        %dma_start3A_188 = arith.constant 0 : i32
        %dma_start3A_189 = tpu.memref_slice %arg7[%add3A_113, %dma_start3A_188] : memref<125x80xi32, #tpu.memory_space<vmem>> -> memref<1x80xi32, #tpu.memory_space<vmem>>
        %dma_start3A_190 = tpu.memref_squeeze %dma_start3A_189 : memref<1x80xi32, #tpu.memory_space<vmem>> -> memref<80xi32, #tpu.memory_space<vmem>>
        %dma_start3A_191 = arith.constant 0 : i32
        %dma_start3A_192 = arith.constant 0 : i32
        %dma_start3A_193 = tpu.memref_slice %arg2[%dma_start3A_191, %dma_start3A_192] : memref<10240x16xf32, #tpu.memory_space<hbm>> -> memref<10240x16xf32, #tpu.memory_space<hbm>>
        tpu.enqueue_indirect_dma source(%dma_start3A_193 : memref<10240x16xf32, #tpu.memory_space<hbm>>) target(%arg10 : memref<80x16xf32, #tpu.memory_space<vmem>>) offsets(%dma_start3A_190 : memref<80xi32, #tpu.memory_space<vmem>>) semaphore(%arg15 : memref<!tpu.dma_semaphore, #tpu.memory_space<semaphore_mem>>)
      } else {
      }
      %add3A_119 = arith.constant 2 : i32
      %add3A_120 = arith.addi %mul3A_79, %add3A_119 : i32
      %dma_wait3A_121 = arith.constant 0 : i32
      %dma_wait3A_122 = tpu.memref_slice %arg7[%add3A_120, %dma_wait3A_121] : memref<125x80xi32, #tpu.memory_space<vmem>> -> memref<1x80xi32, #tpu.memory_space<vmem>>
      %dma_wait3A_123 = tpu.memref_squeeze %dma_wait3A_122 : memref<1x80xi32, #tpu.memory_space<vmem>> -> memref<80xi32, #tpu.memory_space<vmem>>
      %dma_wait3A_124 = arith.constant 0 : i32
      %dma_wait3A_125 = arith.constant 0 : i32
      %dma_wait3A_126 = tpu.memref_slice %arg2[%dma_wait3A_124, %dma_wait3A_125] : memref<10240x16xf32, #tpu.memory_space<hbm>> -> memref<10240x16xf32, #tpu.memory_space<hbm>>
      tpu.wait_indirect_dma semaphore(%arg16 : memref<!tpu.dma_semaphore, #tpu.memory_space<semaphore_mem>>) src(%dma_wait3A_126 : memref<10240x16xf32, #tpu.memory_space<hbm>>) dst(%arg11 : memref<80x16xf32, #tpu.memory_space<vmem>>)
      %dma_start3A_127 = arith.constant 0 : i32
      %dma_start3A_128 = tpu.memref_slice %arg8[%add3A_120, %dma_start3A_127] : memref<125x80xi32, #tpu.memory_space<vmem>> -> memref<1x80xi32, #tpu.memory_space<vmem>>
      %dma_start3A_129 = tpu.memref_squeeze %dma_start3A_128 : memref<1x80xi32, #tpu.memory_space<vmem>> -> memref<80xi32, #tpu.memory_space<vmem>>
      %dma_start3A_130 = arith.constant 0 : i32
      %dma_start3A_131 = arith.constant 0 : i32
      %dma_start3A_132 = tpu.memref_slice %arg24[%dma_start3A_130, %dma_start3A_131] : memref<10240x16xf32, #tpu.memory_space<vmem_shared>> -> memref<10240x16xf32, #tpu.memory_space<vmem_shared>>
      tpu.enqueue_indirect_dma source(%arg11 : memref<80x16xf32, #tpu.memory_space<vmem>>) target(%dma_start3A_132 : memref<10240x16xf32, #tpu.memory_space<vmem_shared>>) offsets(%dma_start3A_129 : memref<80xi32, #tpu.memory_space<vmem>>) semaphore(%arg21 : memref<!tpu.dma_semaphore, #tpu.memory_space<semaphore_mem>>) {add = true}
      %add3A_133 = arith.constant 5 : i32
      %add3A_134 = arith.addi %add3A_120, %add3A_133 : i32
      %lt3A_135 = arith.constant 125 : i32
      %lt3A_136 = arith.cmpi slt, %add3A_134, %lt3A_135 : i32
      %convert_element_type3A_137 = arith.extui %lt3A_136 : i1 to i32
      %cond3A_138 = arith.constant 0 : i32
      %cond3A_139 = arith.cmpi ne, %convert_element_type3A_137, %cond3A_138 : i32
      scf.if %cond3A_139 {
        %dma_wait3A_182 = arith.constant 0 : i32
        %dma_wait3A_183 = tpu.memref_slice %arg8[%add3A_120, %dma_wait3A_182] : memref<125x80xi32, #tpu.memory_space<vmem>> -> memref<1x80xi32, #tpu.memory_space<vmem>>
        %dma_wait3A_184 = tpu.memref_squeeze %dma_wait3A_183 : memref<1x80xi32, #tpu.memory_space<vmem>> -> memref<80xi32, #tpu.memory_space<vmem>>
        %dma_wait3A_185 = arith.constant 0 : i32
        %dma_wait3A_186 = arith.constant 0 : i32
        %dma_wait3A_187 = tpu.memref_slice %arg24[%dma_wait3A_185, %dma_wait3A_186] : memref<10240x16xf32, #tpu.memory_space<vmem_shared>> -> memref<10240x16xf32, #tpu.memory_space<vmem_shared>>
        tpu.wait_indirect_dma semaphore(%arg21 : memref<!tpu.dma_semaphore, #tpu.memory_space<semaphore_mem>>) src(%arg11 : memref<80x16xf32, #tpu.memory_space<vmem>>) dst(%dma_wait3A_187 : memref<10240x16xf32, #tpu.memory_space<vmem_shared>>)
        %dma_start3A_188 = arith.constant 0 : i32
        %dma_start3A_189 = tpu.memref_slice %arg7[%add3A_134, %dma_start3A_188] : memref<125x80xi32, #tpu.memory_space<vmem>> -> memref<1x80xi32, #tpu.memory_space<vmem>>
        %dma_start3A_190 = tpu.memref_squeeze %dma_start3A_189 : memref<1x80xi32, #tpu.memory_space<vmem>> -> memref<80xi32, #tpu.memory_space<vmem>>
        %dma_start3A_191 = arith.constant 0 : i32
        %dma_start3A_192 = arith.constant 0 : i32
        %dma_start3A_193 = tpu.memref_slice %arg2[%dma_start3A_191, %dma_start3A_192] : memref<10240x16xf32, #tpu.memory_space<hbm>> -> memref<10240x16xf32, #tpu.memory_space<hbm>>
        tpu.enqueue_indirect_dma source(%dma_start3A_193 : memref<10240x16xf32, #tpu.memory_space<hbm>>) target(%arg11 : memref<80x16xf32, #tpu.memory_space<vmem>>) offsets(%dma_start3A_190 : memref<80xi32, #tpu.memory_space<vmem>>) semaphore(%arg16 : memref<!tpu.dma_semaphore, #tpu.memory_space<semaphore_mem>>)
      } else {
      }
      %add3A_140 = arith.constant 3 : i32
      %add3A_141 = arith.addi %mul3A_79, %add3A_140 : i32
      %dma_wait3A_142 = arith.constant 0 : i32
      %dma_wait3A_143 = tpu.memref_slice %arg7[%add3A_141, %dma_wait3A_142] : memref<125x80xi32, #tpu.memory_space<vmem>> -> memref<1x80xi32, #tpu.memory_space<vmem>>
      %dma_wait3A_144 = tpu.memref_squeeze %dma_wait3A_143 : memref<1x80xi32, #tpu.memory_space<vmem>> -> memref<80xi32, #tpu.memory_space<vmem>>
      %dma_wait3A_145 = arith.constant 0 : i32
      %dma_wait3A_146 = arith.constant 0 : i32
      %dma_wait3A_147 = tpu.memref_slice %arg2[%dma_wait3A_145, %dma_wait3A_146] : memref<10240x16xf32, #tpu.memory_space<hbm>> -> memref<10240x16xf32, #tpu.memory_space<hbm>>
      tpu.wait_indirect_dma semaphore(%arg17 : memref<!tpu.dma_semaphore, #tpu.memory_space<semaphore_mem>>) src(%dma_wait3A_147 : memref<10240x16xf32, #tpu.memory_space<hbm>>) dst(%arg12 : memref<80x16xf32, #tpu.memory_space<vmem>>)
      %dma_start3A_148 = arith.constant 0 : i32
      %dma_start3A_149 = tpu.memref_slice %arg8[%add3A_141, %dma_start3A_148] : memref<125x80xi32, #tpu.memory_space<vmem>> -> memref<1x80xi32, #tpu.memory_space<vmem>>
      %dma_start3A_150 = tpu.memref_squeeze %dma_start3A_149 : memref<1x80xi32, #tpu.memory_space<vmem>> -> memref<80xi32, #tpu.memory_space<vmem>>
      %dma_start3A_151 = arith.constant 0 : i32
      %dma_start3A_152 = arith.constant 0 : i32
      %dma_start3A_153 = tpu.memref_slice %arg24[%dma_start3A_151, %dma_start3A_152] : memref<10240x16xf32, #tpu.memory_space<vmem_shared>> -> memref<10240x16xf32, #tpu.memory_space<vmem_shared>>
      tpu.enqueue_indirect_dma source(%arg12 : memref<80x16xf32, #tpu.memory_space<vmem>>) target(%dma_start3A_153 : memref<10240x16xf32, #tpu.memory_space<vmem_shared>>) offsets(%dma_start3A_150 : memref<80xi32, #tpu.memory_space<vmem>>) semaphore(%arg22 : memref<!tpu.dma_semaphore, #tpu.memory_space<semaphore_mem>>) {add = true}
      %add3A_154 = arith.constant 5 : i32
      %add3A_155 = arith.addi %add3A_141, %add3A_154 : i32
      %lt3A_156 = arith.constant 125 : i32
      %lt3A_157 = arith.cmpi slt, %add3A_155, %lt3A_156 : i32
      %convert_element_type3A_158 = arith.extui %lt3A_157 : i1 to i32
      %cond3A_159 = arith.constant 0 : i32
      %cond3A_160 = arith.cmpi ne, %convert_element_type3A_158, %cond3A_159 : i32
      scf.if %cond3A_160 {
        %dma_wait3A_182 = arith.constant 0 : i32
        %dma_wait3A_183 = tpu.memref_slice %arg8[%add3A_141, %dma_wait3A_182] : memref<125x80xi32, #tpu.memory_space<vmem>> -> memref<1x80xi32, #tpu.memory_space<vmem>>
        %dma_wait3A_184 = tpu.memref_squeeze %dma_wait3A_183 : memref<1x80xi32, #tpu.memory_space<vmem>> -> memref<80xi32, #tpu.memory_space<vmem>>
        %dma_wait3A_185 = arith.constant 0 : i32
        %dma_wait3A_186 = arith.constant 0 : i32
        %dma_wait3A_187 = tpu.memref_slice %arg24[%dma_wait3A_185, %dma_wait3A_186] : memref<10240x16xf32, #tpu.memory_space<vmem_shared>> -> memref<10240x16xf32, #tpu.memory_space<vmem_shared>>
        tpu.wait_indirect_dma semaphore(%arg22 : memref<!tpu.dma_semaphore, #tpu.memory_space<semaphore_mem>>) src(%arg12 : memref<80x16xf32, #tpu.memory_space<vmem>>) dst(%dma_wait3A_187 : memref<10240x16xf32, #tpu.memory_space<vmem_shared>>)
        %dma_start3A_188 = arith.constant 0 : i32
        %dma_start3A_189 = tpu.memref_slice %arg7[%add3A_155, %dma_start3A_188] : memref<125x80xi32, #tpu.memory_space<vmem>> -> memref<1x80xi32, #tpu.memory_space<vmem>>
        %dma_start3A_190 = tpu.memref_squeeze %dma_start3A_189 : memref<1x80xi32, #tpu.memory_space<vmem>> -> memref<80xi32, #tpu.memory_space<vmem>>
        %dma_start3A_191 = arith.constant 0 : i32
        %dma_start3A_192 = arith.constant 0 : i32
        %dma_start3A_193 = tpu.memref_slice %arg2[%dma_start3A_191, %dma_start3A_192] : memref<10240x16xf32, #tpu.memory_space<hbm>> -> memref<10240x16xf32, #tpu.memory_space<hbm>>
        tpu.enqueue_indirect_dma source(%dma_start3A_193 : memref<10240x16xf32, #tpu.memory_space<hbm>>) target(%arg12 : memref<80x16xf32, #tpu.memory_space<vmem>>) offsets(%dma_start3A_190 : memref<80xi32, #tpu.memory_space<vmem>>) semaphore(%arg17 : memref<!tpu.dma_semaphore, #tpu.memory_space<semaphore_mem>>)
      } else {
      }
      %add3A_161 = arith.constant 4 : i32
      %add3A_162 = arith.addi %mul3A_79, %add3A_161 : i32
      %dma_wait3A_163 = arith.constant 0 : i32
      %dma_wait3A_164 = tpu.memref_slice %arg7[%add3A_162, %dma_wait3A_163] : memref<125x80xi32, #tpu.memory_space<vmem>> -> memref<1x80xi32, #tpu.memory_space<vmem>>
      %dma_wait3A_165 = tpu.memref_squeeze %dma_wait3A_164 : memref<1x80xi32, #tpu.memory_space<vmem>> -> memref<80xi32, #tpu.memory_space<vmem>>
      %dma_wait3A_166 = arith.constant 0 : i32
      %dma_wait3A_167 = arith.constant 0 : i32
      %dma_wait3A_168 = tpu.memref_slice %arg2[%dma_wait3A_166, %dma_wait3A_167] : memref<10240x16xf32, #tpu.memory_space<hbm>> -> memref<10240x16xf32, #tpu.memory_space<hbm>>
      tpu.wait_indirect_dma semaphore(%arg18 : memref<!tpu.dma_semaphore, #tpu.memory_space<semaphore_mem>>) src(%dma_wait3A_168 : memref<10240x16xf32, #tpu.memory_space<hbm>>) dst(%arg13 : memref<80x16xf32, #tpu.memory_space<vmem>>)
      %dma_start3A_169 = arith.constant 0 : i32
      %dma_start3A_170 = tpu.memref_slice %arg8[%add3A_162, %dma_start3A_169] : memref<125x80xi32, #tpu.memory_space<vmem>> -> memref<1x80xi32, #tpu.memory_space<vmem>>
      %dma_start3A_171 = tpu.memref_squeeze %dma_start3A_170 : memref<1x80xi32, #tpu.memory_space<vmem>> -> memref<80xi32, #tpu.memory_space<vmem>>
      %dma_start3A_172 = arith.constant 0 : i32
      %dma_start3A_173 = arith.constant 0 : i32
      %dma_start3A_174 = tpu.memref_slice %arg24[%dma_start3A_172, %dma_start3A_173] : memref<10240x16xf32, #tpu.memory_space<vmem_shared>> -> memref<10240x16xf32, #tpu.memory_space<vmem_shared>>
      tpu.enqueue_indirect_dma source(%arg13 : memref<80x16xf32, #tpu.memory_space<vmem>>) target(%dma_start3A_174 : memref<10240x16xf32, #tpu.memory_space<vmem_shared>>) offsets(%dma_start3A_171 : memref<80xi32, #tpu.memory_space<vmem>>) semaphore(%arg23 : memref<!tpu.dma_semaphore, #tpu.memory_space<semaphore_mem>>) {add = true}
      %add3A_175 = arith.constant 5 : i32
      %add3A_176 = arith.addi %add3A_162, %add3A_175 : i32
      %lt3A_177 = arith.constant 125 : i32
      %lt3A_178 = arith.cmpi slt, %add3A_176, %lt3A_177 : i32
      %convert_element_type3A_179 = arith.extui %lt3A_178 : i1 to i32
      %cond3A_180 = arith.constant 0 : i32
      %cond3A_181 = arith.cmpi ne, %convert_element_type3A_179, %cond3A_180 : i32
      scf.if %cond3A_181 {
        %dma_wait3A_182 = arith.constant 0 : i32
        %dma_wait3A_183 = tpu.memref_slice %arg8[%add3A_162, %dma_wait3A_182] : memref<125x80xi32, #tpu.memory_space<vmem>> -> memref<1x80xi32, #tpu.memory_space<vmem>>
        %dma_wait3A_184 = tpu.memref_squeeze %dma_wait3A_183 : memref<1x80xi32, #tpu.memory_space<vmem>> -> memref<80xi32, #tpu.memory_space<vmem>>
        %dma_wait3A_185 = arith.constant 0 : i32
        %dma_wait3A_186 = arith.constant 0 : i32
        %dma_wait3A_187 = tpu.memref_slice %arg24[%dma_wait3A_185, %dma_wait3A_186] : memref<10240x16xf32, #tpu.memory_space<vmem_shared>> -> memref<10240x16xf32, #tpu.memory_space<vmem_shared>>
        tpu.wait_indirect_dma semaphore(%arg23 : memref<!tpu.dma_semaphore, #tpu.memory_space<semaphore_mem>>) src(%arg13 : memref<80x16xf32, #tpu.memory_space<vmem>>) dst(%dma_wait3A_187 : memref<10240x16xf32, #tpu.memory_space<vmem_shared>>)
        %dma_start3A_188 = arith.constant 0 : i32
        %dma_start3A_189 = tpu.memref_slice %arg7[%add3A_176, %dma_start3A_188] : memref<125x80xi32, #tpu.memory_space<vmem>> -> memref<1x80xi32, #tpu.memory_space<vmem>>
        %dma_start3A_190 = tpu.memref_squeeze %dma_start3A_189 : memref<1x80xi32, #tpu.memory_space<vmem>> -> memref<80xi32, #tpu.memory_space<vmem>>
        %dma_start3A_191 = arith.constant 0 : i32
        %dma_start3A_192 = arith.constant 0 : i32
        %dma_start3A_193 = tpu.memref_slice %arg2[%dma_start3A_191, %dma_start3A_192] : memref<10240x16xf32, #tpu.memory_space<hbm>> -> memref<10240x16xf32, #tpu.memory_space<hbm>>
        tpu.enqueue_indirect_dma source(%dma_start3A_193 : memref<10240x16xf32, #tpu.memory_space<hbm>>) target(%arg13 : memref<80x16xf32, #tpu.memory_space<vmem>>) offsets(%dma_start3A_190 : memref<80xi32, #tpu.memory_space<vmem>>) semaphore(%arg18 : memref<!tpu.dma_semaphore, #tpu.memory_space<semaphore_mem>>)
      } else {
      }
    }
    %scan3A_41 = arith.constant 25 : i32
    %dma_wait3A = arith.constant 0 : i32
    %dma_wait3A_42 = arith.constant 0 : i32
    %dma_wait3A_43 = tpu.memref_slice %arg8[%dma_wait3A, %dma_wait3A_42] : memref<125x80xi32, #tpu.memory_space<vmem>> -> memref<1x80xi32, #tpu.memory_space<vmem>>
    %dma_wait3A_44 = tpu.memref_squeeze %dma_wait3A_43 : memref<1x80xi32, #tpu.memory_space<vmem>> -> memref<80xi32, #tpu.memory_space<vmem>>
    %dma_wait3A_45 = arith.constant 0 : i32
    %dma_wait3A_46 = arith.constant 0 : i32
    %dma_wait3A_47 = tpu.memref_slice %arg24[%dma_wait3A_45, %dma_wait3A_46] : memref<10240x16xf32, #tpu.memory_space<vmem_shared>> -> memref<10240x16xf32, #tpu.memory_space<vmem_shared>>
    tpu.wait_indirect_dma semaphore(%arg19 : memref<!tpu.dma_semaphore, #tpu.memory_space<semaphore_mem>>) src(%arg9 : memref<80x16xf32, #tpu.memory_space<vmem>>) dst(%dma_wait3A_47 : memref<10240x16xf32, #tpu.memory_space<vmem_shared>>)
    %dma_wait3A_48 = arith.constant 0 : i32
    %dma_wait3A_49 = arith.constant 0 : i32
    %dma_wait3A_50 = tpu.memref_slice %arg8[%dma_wait3A_48, %dma_wait3A_49] : memref<125x80xi32, #tpu.memory_space<vmem>> -> memref<1x80xi32, #tpu.memory_space<vmem>>
    %dma_wait3A_51 = tpu.memref_squeeze %dma_wait3A_50 : memref<1x80xi32, #tpu.memory_space<vmem>> -> memref<80xi32, #tpu.memory_space<vmem>>
    %dma_wait3A_52 = arith.constant 0 : i32
    %dma_wait3A_53 = arith.constant 0 : i32
    %dma_wait3A_54 = tpu.memref_slice %arg24[%dma_wait3A_52, %dma_wait3A_53] : memref<10240x16xf32, #tpu.memory_space<vmem_shared>> -> memref<10240x16xf32, #tpu.memory_space<vmem_shared>>
    tpu.wait_indirect_dma semaphore(%arg20 : memref<!tpu.dma_semaphore, #tpu.memory_space<semaphore_mem>>) src(%arg10 : memref<80x16xf32, #tpu.memory_space<vmem>>) dst(%dma_wait3A_54 : memref<10240x16xf32, #tpu.memory_space<vmem_shared>>)
    %dma_wait3A_55 = arith.constant 0 : i32
    %dma_wait3A_56 = arith.constant 0 : i32
    %dma_wait3A_57 = tpu.memref_slice %arg8[%dma_wait3A_55, %dma_wait3A_56] : memref<125x80xi32, #tpu.memory_space<vmem>> -> memref<1x80xi32, #tpu.memory_space<vmem>>
    %dma_wait3A_58 = tpu.memref_squeeze %dma_wait3A_57 : memref<1x80xi32, #tpu.memory_space<vmem>> -> memref<80xi32, #tpu.memory_space<vmem>>
    %dma_wait3A_59 = arith.constant 0 : i32
    %dma_wait3A_60 = arith.constant 0 : i32
    %dma_wait3A_61 = tpu.memref_slice %arg24[%dma_wait3A_59, %dma_wait3A_60] : memref<10240x16xf32, #tpu.memory_space<vmem_shared>> -> memref<10240x16xf32, #tpu.memory_space<vmem_shared>>
    tpu.wait_indirect_dma semaphore(%arg21 : memref<!tpu.dma_semaphore, #tpu.memory_space<semaphore_mem>>) src(%arg11 : memref<80x16xf32, #tpu.memory_space<vmem>>) dst(%dma_wait3A_61 : memref<10240x16xf32, #tpu.memory_space<vmem_shared>>)
    %dma_wait3A_62 = arith.constant 0 : i32
    %dma_wait3A_63 = arith.constant 0 : i32
    %dma_wait3A_64 = tpu.memref_slice %arg8[%dma_wait3A_62, %dma_wait3A_63] : memref<125x80xi32, #tpu.memory_space<vmem>> -> memref<1x80xi32, #tpu.memory_space<vmem>>
    %dma_wait3A_65 = tpu.memref_squeeze %dma_wait3A_64 : memref<1x80xi32, #tpu.memory_space<vmem>> -> memref<80xi32, #tpu.memory_space<vmem>>
    %dma_wait3A_66 = arith.constant 0 : i32
    %dma_wait3A_67 = arith.constant 0 : i32
    %dma_wait3A_68 = tpu.memref_slice %arg24[%dma_wait3A_66, %dma_wait3A_67] : memref<10240x16xf32, #tpu.memory_space<vmem_shared>> -> memref<10240x16xf32, #tpu.memory_space<vmem_shared>>
    tpu.wait_indirect_dma semaphore(%arg22 : memref<!tpu.dma_semaphore, #tpu.memory_space<semaphore_mem>>) src(%arg12 : memref<80x16xf32, #tpu.memory_space<vmem>>) dst(%dma_wait3A_68 : memref<10240x16xf32, #tpu.memory_space<vmem_shared>>)
    %dma_wait3A_69 = arith.constant 0 : i32
    %dma_wait3A_70 = arith.constant 0 : i32
    %dma_wait3A_71 = tpu.memref_slice %arg8[%dma_wait3A_69, %dma_wait3A_70] : memref<125x80xi32, #tpu.memory_space<vmem>> -> memref<1x80xi32, #tpu.memory_space<vmem>>
    %dma_wait3A_72 = tpu.memref_squeeze %dma_wait3A_71 : memref<1x80xi32, #tpu.memory_space<vmem>> -> memref<80xi32, #tpu.memory_space<vmem>>
    %dma_wait3A_73 = arith.constant 0 : i32
    %dma_wait3A_74 = arith.constant 0 : i32
    %dma_wait3A_75 = tpu.memref_slice %arg24[%dma_wait3A_73, %dma_wait3A_74] : memref<10240x16xf32, #tpu.memory_space<vmem_shared>> -> memref<10240x16xf32, #tpu.memory_space<vmem_shared>>
    tpu.wait_indirect_dma semaphore(%arg23 : memref<!tpu.dma_semaphore, #tpu.memory_space<semaphore_mem>>) src(%arg13 : memref<80x16xf32, #tpu.memory_space<vmem>>) dst(%dma_wait3A_75 : memref<10240x16xf32, #tpu.memory_space<vmem_shared>>)
    %barrier3A_76 = arith.constant 0 : index
    tpu.barrier barrier_id(%barrier3A_76)
    "tpu.region"() ({
      %run_scoped3A = tpu.sem_alloc : memref<!tpu.dma_semaphore, #tpu.memory_space<semaphore_mem>>
      %dma_start3A_77 = arith.constant 0 : i32
      %dma_start3A_78 = tpu.memref_slice %arg6[%arg0, %mul3A_2, %dma_start3A_77] : memref<2x10240x16xf32, #tpu.memory_space<hbm>> -> memref<1x640x16xf32, #tpu.memory_space<hbm>>
      %dma_start3A_79 = tpu.memref_squeeze %dma_start3A_78 : memref<1x640x16xf32, #tpu.memory_space<hbm>> -> memref<640x16xf32, #tpu.memory_space<hbm>>
      %dma_start3A_80 = arith.constant 0 : i32
      %dma_start3A_81 = tpu.memref_slice %arg24[%mul3A_2, %dma_start3A_80] : memref<10240x16xf32, #tpu.memory_space<vmem_shared>> -> memref<640x16xf32, #tpu.memory_space<vmem_shared>>
      tpu.enqueue_dma source(%dma_start3A_81 : memref<640x16xf32, #tpu.memory_space<vmem_shared>>) target(%dma_start3A_79 : memref<640x16xf32, #tpu.memory_space<hbm>>) target_semaphore(%run_scoped3A : memref<!tpu.dma_semaphore, #tpu.memory_space<semaphore_mem>>)
      %dma_wait3A_82 = arith.constant 0 : i32
      %dma_wait3A_83 = tpu.memref_slice %arg6[%arg0, %mul3A_2, %dma_wait3A_82] : memref<2x10240x16xf32, #tpu.memory_space<hbm>> -> memref<1x640x16xf32, #tpu.memory_space<hbm>>
      %dma_wait3A_84 = tpu.memref_squeeze %dma_wait3A_83 : memref<1x640x16xf32, #tpu.memory_space<hbm>> -> memref<640x16xf32, #tpu.memory_space<hbm>>
      %dma_wait3A_85 = arith.constant 0 : i32
      %dma_wait3A_86 = tpu.memref_slice %arg24[%mul3A_2, %dma_wait3A_85] : memref<10240x16xf32, #tpu.memory_space<vmem_shared>> -> memref<640x16xf32, #tpu.memory_space<vmem_shared>>
      tpu.wait_dma2 semaphore(%run_scoped3A : memref<!tpu.dma_semaphore, #tpu.memory_space<semaphore_mem>>) src(%dma_wait3A_86 : memref<640x16xf32, #tpu.memory_space<vmem_shared>>) dst(%dma_wait3A_84 : memref<640x16xf32, #tpu.memory_space<hbm>>)
      tpu.yield
    }) : () -> ()
    return
  }
}

#map = affine_map<(d0, d1) -> (0, 0)>
#map1 = affine_map<(d0, d1) -> (0, 0, 0)>
module attributes {stable_mosaic.version = 14 : i64} {
  func.func @body(%arg0: i32, %arg1: i32, %arg2: memref<10240x16xf32, #tpu.memory_space<hbm>>, %arg3: memref<32x125x80xi32, #tpu.memory_space<hbm>>, %arg4: memref<32x125x80xi32, #tpu.memory_space<hbm>>, %arg5: memref<640x16xf32, #tpu.memory_space<hbm>>, %arg6: memref<2x10240x16xf32, #tpu.memory_space<hbm>>, %arg7: memref<125x80xi32, #tpu.memory_space<vmem>>, %arg8: memref<125x80xi32, #tpu.memory_space<vmem>>, %arg9: memref<80x16xf32, #tpu.memory_space<vmem>>, %arg10: memref<80x16xf32, #tpu.memory_space<vmem>>, %arg11: memref<80x16xf32, #tpu.memory_space<vmem>>, %arg12: memref<80x16xf32, #tpu.memory_space<vmem>>, %arg13: memref<80x16xf32, #tpu.memory_space<vmem>>, %arg14: memref<!tpu.dma_semaphore, #tpu.memory_space<semaphore_mem>>, %arg15: memref<!tpu.dma_semaphore, #tpu.memory_space<semaphore_mem>>, %arg16: memref<!tpu.dma_semaphore, #tpu.memory_space<semaphore_mem>>, %arg17: memref<!tpu.dma_semaphore, #tpu.memory_space<semaphore_mem>>, %arg18: memref<!tpu.dma_semaphore, #tpu.memory_space<semaphore_mem>>, %arg19: memref<!tpu.dma_semaphore, #tpu.memory_space<semaphore_mem>>, %arg20: memref<!tpu.dma_semaphore, #tpu.memory_space<semaphore_mem>>, %arg21: memref<!tpu.dma_semaphore, #tpu.memory_space<semaphore_mem>>, %arg22: memref<!tpu.dma_semaphore, #tpu.memory_space<semaphore_mem>>, %arg23: memref<!tpu.dma_semaphore, #tpu.memory_space<semaphore_mem>>, %arg24: memref<10240x16xf32, #tpu.memory_space<vmem_shared>>) attributes {dimension_semantics = [#tpu.dimension_semantics<core_parallel>, #tpu.dimension_semantics<subcore_parallel>], iteration_bounds = array<i64: 2, 16>, scalar_prefetch = 0 : i64, scratch_operands = 18 : i64, tpu.core_type = #tpu.core_type<sc_vector_subcore>, window_params = [{transform_indices = #map}, {transform_indices = #map1}, {transform_indices = #map1}, {transform_indices = #map}, {transform_indices = #map1}]} {
    %mul3A = arith.constant 16 : i32
    %mul3A_0 = arith.muli %arg0, %mul3A : i32
    %add3A = arith.addi %mul3A_0, %arg1 : i32
    %mul3A_1 = arith.constant 640 : i32
    %mul3A_2 = arith.muli %arg1, %mul3A_1 : i32
    "tpu.region"() ({
      %run_scoped3A = tpu.sem_alloc : memref<!tpu.dma_semaphore, #tpu.memory_space<semaphore_mem>>
      %dma_start3A_77 = arith.constant 0 : i32
      %dma_start3A_78 = tpu.memref_slice %arg24[%mul3A_2, %dma_start3A_77] : memref<10240x16xf32, #tpu.memory_space<vmem_shared>> -> memref<640x16xf32, #tpu.memory_space<vmem_shared>>
      tpu.enqueue_dma source(%arg5 : memref<640x16xf32, #tpu.memory_space<hbm>>) target(%dma_start3A_78 : memref<640x16xf32, #tpu.memory_space<vmem_shared>>) target_semaphore(%run_scoped3A : memref<!tpu.dma_semaphore, #tpu.memory_space<semaphore_mem>>)
      %dma_wait3A_79 = arith.constant 0 : i32
      %dma_wait3A_80 = tpu.memref_slice %arg24[%mul3A_2, %dma_wait3A_79] : memref<10240x16xf32, #tpu.memory_space<vmem_shared>> -> memref<640x16xf32, #tpu.memory_space<vmem_shared>>
      tpu.wait_dma2 semaphore(%run_scoped3A : memref<!tpu.dma_semaphore, #tpu.memory_space<semaphore_mem>>) src(%arg5 : memref<640x16xf32, #tpu.memory_space<hbm>>) dst(%dma_wait3A_80 : memref<640x16xf32, #tpu.memory_space<vmem_shared>>)
      tpu.yield
    }) : () -> ()
    "tpu.region"() ({
      %run_scoped3A = tpu.sem_alloc : memref<!tpu.dma_semaphore, #tpu.memory_space<semaphore_mem>>
      %dma_start3A_77 = arith.constant 0 : i32
      %dma_start3A_78 = arith.constant 0 : i32
      %dma_start3A_79 = tpu.memref_slice %arg3[%add3A, %dma_start3A_77, %dma_start3A_78] : memref<32x125x80xi32, #tpu.memory_space<hbm>> -> memref<1x125x80xi32, #tpu.memory_space<hbm>>
      %dma_start3A_80 = tpu.memref_squeeze %dma_start3A_79 : memref<1x125x80xi32, #tpu.memory_space<hbm>> -> memref<125x80xi32, #tpu.memory_space<hbm>>
      %dma_start3A_81 = arith.constant 0 : i32
      %dma_start3A_82 = arith.constant 0 : i32
      %dma_start3A_83 = tpu.memref_slice %arg3[%add3A, %dma_start3A_81, %dma_start3A_82] : memref<32x125x80xi32, #tpu.memory_space<hbm>> -> memref<1x125x80xi32, #tpu.memory_space<hbm>>
      %dma_start3A_84 = tpu.memref_squeeze %dma_start3A_83 : memref<1x125x80xi32, #tpu.memory_space<hbm>> -> memref<125x80xi32, #tpu.memory_space<hbm>>
      tpu.enqueue_dma source(%dma_start3A_84 : memref<125x80xi32, #tpu.memory_space<hbm>>) target(%arg7 : memref<125x80xi32, #tpu.memory_space<vmem>>) target_semaphore(%run_scoped3A : memref<!tpu.dma_semaphore, #tpu.memory_space<semaphore_mem>>)
      %dma_wait3A_85 = arith.constant 0 : i32
      %dma_wait3A_86 = arith.constant 0 : i32
      %dma_wait3A_87 = tpu.memref_slice %arg3[%add3A, %dma_wait3A_85, %dma_wait3A_86] : memref<32x125x80xi32, #tpu.memory_space<hbm>> -> memref<1x125x80xi32, #tpu.memory_space<hbm>>
      %dma_wait3A_88 = tpu.memref_squeeze %dma_wait3A_87 : memref<1x125x80xi32, #tpu.memory_space<hbm>> -> memref<125x80xi32, #tpu.memory_space<hbm>>
      %dma_wait3A_89 = arith.constant 0 : i32
      %dma_wait3A_90 = arith.constant 0 : i32
      %dma_wait3A_91 = tpu.memref_slice %arg3[%add3A, %dma_wait3A_89, %dma_wait3A_90] : memref<32x125x80xi32, #tpu.memory_space<hbm>> -> memref<1x125x80xi32, #tpu.memory_space<hbm>>
      %dma_wait3A_92 = tpu.memref_squeeze %dma_wait3A_91 : memref<1x125x80xi32, #tpu.memory_space<hbm>> -> memref<125x80xi32, #tpu.memory_space<hbm>>
      tpu.wait_dma2 semaphore(%run_scoped3A : memref<!tpu.dma_semaphore, #tpu.memory_space<semaphore_mem>>) src(%dma_wait3A_92 : memref<125x80xi32, #tpu.memory_space<hbm>>) dst(%arg7 : memref<125x80xi32, #tpu.memory_space<vmem>>)
      tpu.yield
    }) : () -> ()
    "tpu.region"() ({
      %run_scoped3A = tpu.sem_alloc : memref<!tpu.dma_semaphore, #tpu.memory_space<semaphore_mem>>
      %dma_start3A_77 = arith.constant 0 : i32
      %dma_start3A_78 = arith.constant 0 : i32
      %dma_start3A_79 = tpu.memref_slice %arg4[%add3A, %dma_start3A_77, %dma_start3A_78] : memref<32x125x80xi32, #tpu.memory_space<hbm>> -> memref<1x125x80xi32, #tpu.memory_space<hbm>>
      %dma_start3A_80 = tpu.memref_squeeze %dma_start3A_79 : memref<1x125x80xi32, #tpu.memory_space<hbm>> -> memref<125x80xi32, #tpu.memory_space<hbm>>
      %dma_start3A_81 = arith.constant 0 : i32
      %dma_start3A_82 = arith.constant 0 : i32
      %dma_start3A_83 = tpu.memref_slice %arg4[%add3A, %dma_start3A_81, %dma_start3A_82] : memref<32x125x80xi32, #tpu.memory_space<hbm>> -> memref<1x125x80xi32, #tpu.memory_space<hbm>>
      %dma_start3A_84 = tpu.memref_squeeze %dma_start3A_83 : memref<1x125x80xi32, #tpu.memory_space<hbm>> -> memref<125x80xi32, #tpu.memory_space<hbm>>
      tpu.enqueue_dma source(%dma_start3A_84 : memref<125x80xi32, #tpu.memory_space<hbm>>) target(%arg8 : memref<125x80xi32, #tpu.memory_space<vmem>>) target_semaphore(%run_scoped3A : memref<!tpu.dma_semaphore, #tpu.memory_space<semaphore_mem>>)
      %dma_wait3A_85 = arith.constant 0 : i32
      %dma_wait3A_86 = arith.constant 0 : i32
      %dma_wait3A_87 = tpu.memref_slice %arg4[%add3A, %dma_wait3A_85, %dma_wait3A_86] : memref<32x125x80xi32, #tpu.memory_space<hbm>> -> memref<1x125x80xi32, #tpu.memory_space<hbm>>
      %dma_wait3A_88 = tpu.memref_squeeze %dma_wait3A_87 : memref<1x125x80xi32, #tpu.memory_space<hbm>> -> memref<125x80xi32, #tpu.memory_space<hbm>>
      %dma_wait3A_89 = arith.constant 0 : i32
      %dma_wait3A_90 = arith.constant 0 : i32
      %dma_wait3A_91 = tpu.memref_slice %arg4[%add3A, %dma_wait3A_89, %dma_wait3A_90] : memref<32x125x80xi32, #tpu.memory_space<hbm>> -> memref<1x125x80xi32, #tpu.memory_space<hbm>>
      %dma_wait3A_92 = tpu.memref_squeeze %dma_wait3A_91 : memref<1x125x80xi32, #tpu.memory_space<hbm>> -> memref<125x80xi32, #tpu.memory_space<hbm>>
      tpu.wait_dma2 semaphore(%run_scoped3A : memref<!tpu.dma_semaphore, #tpu.memory_space<semaphore_mem>>) src(%dma_wait3A_92 : memref<125x80xi32, #tpu.memory_space<hbm>>) dst(%arg8 : memref<125x80xi32, #tpu.memory_space<vmem>>)
      tpu.yield
    }) : () -> ()
    %barrier3A = arith.constant 0 : index
    tpu.barrier barrier_id(%barrier3A)
    %dma_start3A = arith.constant 0 : i32
    %dma_start3A_3 = arith.constant 0 : i32
    %dma_start3A_4 = tpu.memref_slice %arg7[%dma_start3A, %dma_start3A_3] : memref<125x80xi32, #tpu.memory_space<vmem>> -> memref<1x80xi32, #tpu.memory_space<vmem>>
    %dma_start3A_5 = tpu.memref_squeeze %dma_start3A_4 : memref<1x80xi32, #tpu.memory_space<vmem>> -> memref<80xi32, #tpu.memory_space<vmem>>
    %dma_start3A_6 = arith.constant 0 : i32
    %dma_start3A_7 = arith.constant 0 : i32
    %dma_start3A_8 = tpu.memref_slice %arg2[%dma_start3A_6, %dma_start3A_7] : memref<10240x16xf32, #tpu.memory_space<hbm>> -> memref<10240x16xf32, #tpu.memory_space<hbm>>
    tpu.enqueue_indirect_dma source(%dma_start3A_8 : memref<10240x16xf32, #tpu.memory_space<hbm>>) target(%arg9 : memref<80x16xf32, #tpu.memory_space<vmem>>) offsets(%dma_start3A_5 : memref<80xi32, #tpu.memory_space<vmem>>) semaphore(%arg14 : memref<!tpu.dma_semaphore, #tpu.memory_space<semaphore_mem>>)
    %dma_start3A_9 = arith.constant 1 : i32
    %dma_start3A_10 = arith.constant 0 : i32
    %dma_start3A_11 = tpu.memref_slice %arg7[%dma_start3A_9, %dma_start3A_10] : memref<125x80xi32, #tpu.memory_space<vmem>> -> memref<1x80xi32, #tpu.memory_space<vmem>>
    %dma_start3A_12 = tpu.memref_squeeze %dma_start3A_11 : memref<1x80xi32, #tpu.memory_space<vmem>> -> memref<80xi32, #tpu.memory_space<vmem>>
    %dma_start3A_13 = arith.constant 0 : i32
    %dma_start3A_14 = arith.constant 0 : i32
    %dma_start3A_15 = tpu.memref_slice %arg2[%dma_start3A_13, %dma_start3A_14] : memref<10240x16xf32, #tpu.memory_space<hbm>> -> memref<10240x16xf32, #tpu.memory_space<hbm>>
    tpu.enqueue_indirect_dma source(%dma_start3A_15 : memref<10240x16xf32, #tpu.memory_space<hbm>>) target(%arg10 : memref<80x16xf32, #tpu.memory_space<vmem>>) offsets(%dma_start3A_12 : memref<80xi32, #tpu.memory_space<vmem>>) semaphore(%arg15 : memref<!tpu.dma_semaphore, #tpu.memory_space<semaphore_mem>>)
    %dma_start3A_16 = arith.constant 2 : i32
    %dma_start3A_17 = arith.constant 0 : i32
    %dma_start3A_18 = tpu.memref_slice %arg7[%dma_start3A_16, %dma_start3A_17] : memref<125x80xi32, #tpu.memory_space<vmem>> -> memref<1x80xi32, #tpu.memory_space<vmem>>
    %dma_start3A_19 = tpu.memref_squeeze %dma_start3A_18 : memref<1x80xi32, #tpu.memory_space<vmem>> -> memref<80xi32, #tpu.memory_space<vmem>>
    %dma_start3A_20 = arith.constant 0 : i32
    %dma_start3A_21 = arith.constant 0 : i32
    %dma_start3A_22 = tpu.memref_slice %arg2[%dma_start3A_20, %dma_start3A_21] : memref<10240x16xf32, #tpu.memory_space<hbm>> -> memref<10240x16xf32, #tpu.memory_space<hbm>>
    tpu.enqueue_indirect_dma source(%dma_start3A_22 : memref<10240x16xf32, #tpu.memory_space<hbm>>) target(%arg11 : memref<80x16xf32, #tpu.memory_space<vmem>>) offsets(%dma_start3A_19 : memref<80xi32, #tpu.memory_space<vmem>>) semaphore(%arg16 : memref<!tpu.dma_semaphore, #tpu.memory_space<semaphore_mem>>)
    %dma_start3A_23 = arith.constant 3 : i32
    %dma_start3A_24 = arith.constant 0 : i32
    %dma_start3A_25 = tpu.memref_slice %arg7[%dma_start3A_23, %dma_start3A_24] : memref<125x80xi32, #tpu.memory_space<vmem>> -> memref<1x80xi32, #tpu.memory_space<vmem>>
    %dma_start3A_26 = tpu.memref_squeeze %dma_start3A_25 : memref<1x80xi32, #tpu.memory_space<vmem>> -> memref<80xi32, #tpu.memory_space<vmem>>
    %dma_start3A_27 = arith.constant 0 : i32
    %dma_start3A_28 = arith.constant 0 : i32
    %dma_start3A_29 = tpu.memref_slice %arg2[%dma_start3A_27, %dma_start3A_28] : memref<10240x16xf32, #tpu.memory_space<hbm>> -> memref<10240x16xf32, #tpu.memory_space<hbm>>
    tpu.enqueue_indirect_dma source(%dma_start3A_29 : memref<10240x16xf32, #tpu.memory_space<hbm>>) target(%arg12 : memref<80x16xf32, #tpu.memory_space<vmem>>) offsets(%dma_start3A_26 : memref<80xi32, #tpu.memory_space<vmem>>) semaphore(%arg17 : memref<!tpu.dma_semaphore, #tpu.memory_space<semaphore_mem>>)
    %dma_start3A_30 = arith.constant 4 : i32
    %dma_start3A_31 = arith.constant 0 : i32
    %dma_start3A_32 = tpu.memref_slice %arg7[%dma_start3A_30, %dma_start3A_31] : memref<125x80xi32, #tpu.memory_space<vmem>> -> memref<1x80xi32, #tpu.memory_space<vmem>>
    %dma_start3A_33 = tpu.memref_squeeze %dma_start3A_32 : memref<1x80xi32, #tpu.memory_space<vmem>> -> memref<80xi32, #tpu.memory_space<vmem>>
    %dma_start3A_34 = arith.constant 0 : i32
    %dma_start3A_35 = arith.constant 0 : i32
    %dma_start3A_36 = tpu.memref_slice %arg2[%dma_start3A_34, %dma_start3A_35] : memref<10240x16xf32, #tpu.memory_space<hbm>> -> memref<10240x16xf32, #tpu.memory_space<hbm>>
    tpu.enqueue_indirect_dma source(%dma_start3A_36 : memref<10240x16xf32, #tpu.memory_space<hbm>>) target(%arg13 : memref<80x16xf32, #tpu.memory_space<vmem>>) offsets(%dma_start3A_33 : memref<80xi32, #tpu.memory_space<vmem>>) semaphore(%arg18 : memref<!tpu.dma_semaphore, #tpu.memory_space<semaphore_mem>>)
    %scan3A = arith.constant 0 : i32
    %scan3A_37 = arith.constant 0 : i32
    %scan3A_38 = arith.constant 25 : i32
    %scan3A_39 = arith.addi %scan3A_37, %scan3A_38 : i32
    %scan3A_40 = arith.constant 1 : i32
    scf.for %scan3A_77 = %scan3A_37 to %scan3A_39 step %scan3A_40  : i32 {
      %mul3A_78 = arith.constant 5 : i32
      %mul3A_79 = arith.muli %scan3A_77, %mul3A_78 : i32
      %add3A_80 = arith.constant 0 : i32
      %add3A_81 = arith.addi %mul3A_79, %add3A_80 : i32
      %dma_wait3A_82 = arith.constant 0 : i32
      %dma_wait3A_83 = tpu.memref_slice %arg7[%add3A_81, %dma_wait3A_82] : memref<125x80xi32, #tpu.memory_space<vmem>> -> memref<1x80xi32, #tpu.memory_space<vmem>>
      %dma_wait3A_84 = tpu.memref_squeeze %dma_wait3A_83 : memref<1x80xi32, #tpu.memory_space<vmem>> -> memref<80xi32, #tpu.memory_space<vmem>>
      %dma_wait3A_85 = arith.constant 0 : i32
      %dma_wait3A_86 = arith.constant 0 : i32
      %dma_wait3A_87 = tpu.memref_slice %arg2[%dma_wait3A_85, %dma_wait3A_86] : memref<10240x16xf32, #tpu.memory_space<hbm>> -> memref<10240x16xf32, #tpu.memory_space<hbm>>
      tpu.wait_indirect_dma semaphore(%arg14 : memref<!tpu.dma_semaphore, #tpu.memory_space<semaphore_mem>>) src(%dma_wait3A_87 : memref<10240x16xf32, #tpu.memory_space<hbm>>) dst(%arg9 : memref<80x16xf32, #tpu.memory_space<vmem>>)
      %dma_start3A_88 = arith.constant 0 : i32
      %dma_start3A_89 = tpu.memref_slice %arg8[%add3A_81, %dma_start3A_88] : memref<125x80xi32, #tpu.memory_space<vmem>> -> memref<1x80xi32, #tpu.memory_space<vmem>>
      %dma_start3A_90 = tpu.memref_squeeze %dma_start3A_89 : memref<1x80xi32, #tpu.memory_space<vmem>> -> memref<80xi32, #tpu.memory_space<vmem>>
      %dma_start3A_91 = arith.constant 0 : i32
      %dma_start3A_92 = arith.constant 0 : i32
      %dma_start3A_93 = tpu.memref_slice %arg24[%dma_start3A_91, %dma_start3A_92] : memref<10240x16xf32, #tpu.memory_space<vmem_shared>> -> memref<10240x16xf32, #tpu.memory_space<vmem_shared>>
      tpu.enqueue_indirect_dma source(%arg9 : memref<80x16xf32, #tpu.memory_space<vmem>>) target(%dma_start3A_93 : memref<10240x16xf32, #tpu.memory_space<vmem_shared>>) offsets(%dma_start3A_90 : memref<80xi32, #tpu.memory_space<vmem>>) semaphore(%arg19 : memref<!tpu.dma_semaphore, #tpu.memory_space<semaphore_mem>>) {add = true}
      %add3A_94 = arith.constant 5 : i32
      %add3A_95 = arith.addi %add3A_81, %add3A_94 : i32
      %lt3A = arith.constant 125 : i32
      %lt3A_96 = arith.cmpi slt, %add3A_95, %lt3A : i32
      %convert_element_type3A = arith.extui %lt3A_96 : i1 to i32
      %cond3A = arith.constant 0 : i32
      %cond3A_97 = arith.cmpi ne, %convert_element_type3A, %cond3A : i32
      scf.if %cond3A_97 {
        %dma_wait3A_182 = arith.constant 0 : i32
        %dma_wait3A_183 = tpu.memref_slice %arg8[%add3A_81, %dma_wait3A_182] : memref<125x80xi32, #tpu.memory_space<vmem>> -> memref<1x80xi32, #tpu.memory_space<vmem>>
        %dma_wait3A_184 = tpu.memref_squeeze %dma_wait3A_183 : memref<1x80xi32, #tpu.memory_space<vmem>> -> memref<80xi32, #tpu.memory_space<vmem>>
        %dma_wait3A_185 = arith.constant 0 : i32
        %dma_wait3A_186 = arith.constant 0 : i32
        %dma_wait3A_187 = tpu.memref_slice %arg24[%dma_wait3A_185, %dma_wait3A_186] : memref<10240x16xf32, #tpu.memory_space<vmem_shared>> -> memref<10240x16xf32, #tpu.memory_space<vmem_shared>>
        tpu.wait_indirect_dma semaphore(%arg19 : memref<!tpu.dma_semaphore, #tpu.memory_space<semaphore_mem>>) src(%arg9 : memref<80x16xf32, #tpu.memory_space<vmem>>) dst(%dma_wait3A_187 : memref<10240x16xf32, #tpu.memory_space<vmem_shared>>)
        %dma_start3A_188 = arith.constant 0 : i32
        %dma_start3A_189 = tpu.memref_slice %arg7[%add3A_95, %dma_start3A_188] : memref<125x80xi32, #tpu.memory_space<vmem>> -> memref<1x80xi32, #tpu.memory_space<vmem>>
        %dma_start3A_190 = tpu.memref_squeeze %dma_start3A_189 : memref<1x80xi32, #tpu.memory_space<vmem>> -> memref<80xi32, #tpu.memory_space<vmem>>
        %dma_start3A_191 = arith.constant 0 : i32
        %dma_start3A_192 = arith.constant 0 : i32
        %dma_start3A_193 = tpu.memref_slice %arg2[%dma_start3A_191, %dma_start3A_192] : memref<10240x16xf32, #tpu.memory_space<hbm>> -> memref<10240x16xf32, #tpu.memory_space<hbm>>
        tpu.enqueue_indirect_dma source(%dma_start3A_193 : memref<10240x16xf32, #tpu.memory_space<hbm>>) target(%arg9 : memref<80x16xf32, #tpu.memory_space<vmem>>) offsets(%dma_start3A_190 : memref<80xi32, #tpu.memory_space<vmem>>) semaphore(%arg14 : memref<!tpu.dma_semaphore, #tpu.memory_space<semaphore_mem>>)
      } else {
      }
      %add3A_98 = arith.constant 1 : i32
      %add3A_99 = arith.addi %mul3A_79, %add3A_98 : i32
      %dma_wait3A_100 = arith.constant 0 : i32
      %dma_wait3A_101 = tpu.memref_slice %arg7[%add3A_99, %dma_wait3A_100] : memref<125x80xi32, #tpu.memory_space<vmem>> -> memref<1x80xi32, #tpu.memory_space<vmem>>
      %dma_wait3A_102 = tpu.memref_squeeze %dma_wait3A_101 : memref<1x80xi32, #tpu.memory_space<vmem>> -> memref<80xi32, #tpu.memory_space<vmem>>
      %dma_wait3A_103 = arith.constant 0 : i32
      %dma_wait3A_104 = arith.constant 0 : i32
      %dma_wait3A_105 = tpu.memref_slice %arg2[%dma_wait3A_103, %dma_wait3A_104] : memref<10240x16xf32, #tpu.memory_space<hbm>> -> memref<10240x16xf32, #tpu.memory_space<hbm>>
      tpu.wait_indirect_dma semaphore(%arg15 : memref<!tpu.dma_semaphore, #tpu.memory_space<semaphore_mem>>) src(%dma_wait3A_105 : memref<10240x16xf32, #tpu.memory_space<hbm>>) dst(%arg10 : memref<80x16xf32, #tpu.memory_space<vmem>>)
      %dma_start3A_106 = arith.constant 0 : i32
      %dma_start3A_107 = tpu.memref_slice %arg8[%add3A_99, %dma_start3A_106] : memref<125x80xi32, #tpu.memory_space<vmem>> -> memref<1x80xi32, #tpu.memory_space<vmem>>
      %dma_start3A_108 = tpu.memref_squeeze %dma_start3A_107 : memref<1x80xi32, #tpu.memory_space<vmem>> -> memref<80xi32, #tpu.memory_space<vmem>>
      %dma_start3A_109 = arith.constant 0 : i32
      %dma_start3A_110 = arith.constant 0 : i32
      %dma_start3A_111 = tpu.memref_slice %arg24[%dma_start3A_109, %dma_start3A_110] : memref<10240x16xf32, #tpu.memory_space<vmem_shared>> -> memref<10240x16xf32, #tpu.memory_space<vmem_shared>>
      tpu.enqueue_indirect_dma source(%arg10 : memref<80x16xf32, #tpu.memory_space<vmem>>) target(%dma_start3A_111 : memref<10240x16xf32, #tpu.memory_space<vmem_shared>>) offsets(%dma_start3A_108 : memref<80xi32, #tpu.memory_space<vmem>>) semaphore(%arg20 : memref<!tpu.dma_semaphore, #tpu.memory_space<semaphore_mem>>) {add = true}
      %add3A_112 = arith.constant 5 : i32
      %add3A_113 = arith.addi %add3A_99, %add3A_112 : i32
      %lt3A_114 = arith.constant 125 : i32
      %lt3A_115 = arith.cmpi slt, %add3A_113, %lt3A_114 : i32
      %convert_element_type3A_116 = arith.extui %lt3A_115 : i1 to i32
      %cond3A_117 = arith.constant 0 : i32
      %cond3A_118 = arith.cmpi ne, %convert_element_type3A_116, %cond3A_117 : i32
      scf.if %cond3A_118 {
        %dma_wait3A_182 = arith.constant 0 : i32
        %dma_wait3A_183 = tpu.memref_slice %arg8[%add3A_99, %dma_wait3A_182] : memref<125x80xi32, #tpu.memory_space<vmem>> -> memref<1x80xi32, #tpu.memory_space<vmem>>
        %dma_wait3A_184 = tpu.memref_squeeze %dma_wait3A_183 : memref<1x80xi32, #tpu.memory_space<vmem>> -> memref<80xi32, #tpu.memory_space<vmem>>
        %dma_wait3A_185 = arith.constant 0 : i32
        %dma_wait3A_186 = arith.constant 0 : i32
        %dma_wait3A_187 = tpu.memref_slice %arg24[%dma_wait3A_185, %dma_wait3A_186] : memref<10240x16xf32, #tpu.memory_space<vmem_shared>> -> memref<10240x16xf32, #tpu.memory_space<vmem_shared>>
        tpu.wait_indirect_dma semaphore(%arg20 : memref<!tpu.dma_semaphore, #tpu.memory_space<semaphore_mem>>) src(%arg10 : memref<80x16xf32, #tpu.memory_space<vmem>>) dst(%dma_wait3A_187 : memref<10240x16xf32, #tpu.memory_space<vmem_shared>>)
        %dma_start3A_188 = arith.constant 0 : i32
        %dma_start3A_189 = tpu.memref_slice %arg7[%add3A_113, %dma_start3A_188] : memref<125x80xi32, #tpu.memory_space<vmem>> -> memref<1x80xi32, #tpu.memory_space<vmem>>
        %dma_start3A_190 = tpu.memref_squeeze %dma_start3A_189 : memref<1x80xi32, #tpu.memory_space<vmem>> -> memref<80xi32, #tpu.memory_space<vmem>>
        %dma_start3A_191 = arith.constant 0 : i32
        %dma_start3A_192 = arith.constant 0 : i32
        %dma_start3A_193 = tpu.memref_slice %arg2[%dma_start3A_191, %dma_start3A_192] : memref<10240x16xf32, #tpu.memory_space<hbm>> -> memref<10240x16xf32, #tpu.memory_space<hbm>>
        tpu.enqueue_indirect_dma source(%dma_start3A_193 : memref<10240x16xf32, #tpu.memory_space<hbm>>) target(%arg10 : memref<80x16xf32, #tpu.memory_space<vmem>>) offsets(%dma_start3A_190 : memref<80xi32, #tpu.memory_space<vmem>>) semaphore(%arg15 : memref<!tpu.dma_semaphore, #tpu.memory_space<semaphore_mem>>)
      } else {
      }
      %add3A_119 = arith.constant 2 : i32
      %add3A_120 = arith.addi %mul3A_79, %add3A_119 : i32
      %dma_wait3A_121 = arith.constant 0 : i32
      %dma_wait3A_122 = tpu.memref_slice %arg7[%add3A_120, %dma_wait3A_121] : memref<125x80xi32, #tpu.memory_space<vmem>> -> memref<1x80xi32, #tpu.memory_space<vmem>>
      %dma_wait3A_123 = tpu.memref_squeeze %dma_wait3A_122 : memref<1x80xi32, #tpu.memory_space<vmem>> -> memref<80xi32, #tpu.memory_space<vmem>>
      %dma_wait3A_124 = arith.constant 0 : i32
      %dma_wait3A_125 = arith.constant 0 : i32
      %dma_wait3A_126 = tpu.memref_slice %arg2[%dma_wait3A_124, %dma_wait3A_125] : memref<10240x16xf32, #tpu.memory_space<hbm>> -> memref<10240x16xf32, #tpu.memory_space<hbm>>
      tpu.wait_indirect_dma semaphore(%arg16 : memref<!tpu.dma_semaphore, #tpu.memory_space<semaphore_mem>>) src(%dma_wait3A_126 : memref<10240x16xf32, #tpu.memory_space<hbm>>) dst(%arg11 : memref<80x16xf32, #tpu.memory_space<vmem>>)
      %dma_start3A_127 = arith.constant 0 : i32
      %dma_start3A_128 = tpu.memref_slice %arg8[%add3A_120, %dma_start3A_127] : memref<125x80xi32, #tpu.memory_space<vmem>> -> memref<1x80xi32, #tpu.memory_space<vmem>>
      %dma_start3A_129 = tpu.memref_squeeze %dma_start3A_128 : memref<1x80xi32, #tpu.memory_space<vmem>> -> memref<80xi32, #tpu.memory_space<vmem>>
      %dma_start3A_130 = arith.constant 0 : i32
      %dma_start3A_131 = arith.constant 0 : i32
      %dma_start3A_132 = tpu.memref_slice %arg24[%dma_start3A_130, %dma_start3A_131] : memref<10240x16xf32, #tpu.memory_space<vmem_shared>> -> memref<10240x16xf32, #tpu.memory_space<vmem_shared>>
      tpu.enqueue_indirect_dma source(%arg11 : memref<80x16xf32, #tpu.memory_space<vmem>>) target(%dma_start3A_132 : memref<10240x16xf32, #tpu.memory_space<vmem_shared>>) offsets(%dma_start3A_129 : memref<80xi32, #tpu.memory_space<vmem>>) semaphore(%arg21 : memref<!tpu.dma_semaphore, #tpu.memory_space<semaphore_mem>>) {add = true}
      %add3A_133 = arith.constant 5 : i32
      %add3A_134 = arith.addi %add3A_120, %add3A_133 : i32
      %lt3A_135 = arith.constant 125 : i32
      %lt3A_136 = arith.cmpi slt, %add3A_134, %lt3A_135 : i32
      %convert_element_type3A_137 = arith.extui %lt3A_136 : i1 to i32
      %cond3A_138 = arith.constant 0 : i32
      %cond3A_139 = arith.cmpi ne, %convert_element_type3A_137, %cond3A_138 : i32
      scf.if %cond3A_139 {
        %dma_wait3A_182 = arith.constant 0 : i32
        %dma_wait3A_183 = tpu.memref_slice %arg8[%add3A_120, %dma_wait3A_182] : memref<125x80xi32, #tpu.memory_space<vmem>> -> memref<1x80xi32, #tpu.memory_space<vmem>>
        %dma_wait3A_184 = tpu.memref_squeeze %dma_wait3A_183 : memref<1x80xi32, #tpu.memory_space<vmem>> -> memref<80xi32, #tpu.memory_space<vmem>>
        %dma_wait3A_185 = arith.constant 0 : i32
        %dma_wait3A_186 = arith.constant 0 : i32
        %dma_wait3A_187 = tpu.memref_slice %arg24[%dma_wait3A_185, %dma_wait3A_186] : memref<10240x16xf32, #tpu.memory_space<vmem_shared>> -> memref<10240x16xf32, #tpu.memory_space<vmem_shared>>
        tpu.wait_indirect_dma semaphore(%arg21 : memref<!tpu.dma_semaphore, #tpu.memory_space<semaphore_mem>>) src(%arg11 : memref<80x16xf32, #tpu.memory_space<vmem>>) dst(%dma_wait3A_187 : memref<10240x16xf32, #tpu.memory_space<vmem_shared>>)
        %dma_start3A_188 = arith.constant 0 : i32
        %dma_start3A_189 = tpu.memref_slice %arg7[%add3A_134, %dma_start3A_188] : memref<125x80xi32, #tpu.memory_space<vmem>> -> memref<1x80xi32, #tpu.memory_space<vmem>>
        %dma_start3A_190 = tpu.memref_squeeze %dma_start3A_189 : memref<1x80xi32, #tpu.memory_space<vmem>> -> memref<80xi32, #tpu.memory_space<vmem>>
        %dma_start3A_191 = arith.constant 0 : i32
        %dma_start3A_192 = arith.constant 0 : i32
        %dma_start3A_193 = tpu.memref_slice %arg2[%dma_start3A_191, %dma_start3A_192] : memref<10240x16xf32, #tpu.memory_space<hbm>> -> memref<10240x16xf32, #tpu.memory_space<hbm>>
        tpu.enqueue_indirect_dma source(%dma_start3A_193 : memref<10240x16xf32, #tpu.memory_space<hbm>>) target(%arg11 : memref<80x16xf32, #tpu.memory_space<vmem>>) offsets(%dma_start3A_190 : memref<80xi32, #tpu.memory_space<vmem>>) semaphore(%arg16 : memref<!tpu.dma_semaphore, #tpu.memory_space<semaphore_mem>>)
      } else {
      }
      %add3A_140 = arith.constant 3 : i32
      %add3A_141 = arith.addi %mul3A_79, %add3A_140 : i32
      %dma_wait3A_142 = arith.constant 0 : i32
      %dma_wait3A_143 = tpu.memref_slice %arg7[%add3A_141, %dma_wait3A_142] : memref<125x80xi32, #tpu.memory_space<vmem>> -> memref<1x80xi32, #tpu.memory_space<vmem>>
      %dma_wait3A_144 = tpu.memref_squeeze %dma_wait3A_143 : memref<1x80xi32, #tpu.memory_space<vmem>> -> memref<80xi32, #tpu.memory_space<vmem>>
      %dma_wait3A_145 = arith.constant 0 : i32
      %dma_wait3A_146 = arith.constant 0 : i32
      %dma_wait3A_147 = tpu.memref_slice %arg2[%dma_wait3A_145, %dma_wait3A_146] : memref<10240x16xf32, #tpu.memory_space<hbm>> -> memref<10240x16xf32, #tpu.memory_space<hbm>>
      tpu.wait_indirect_dma semaphore(%arg17 : memref<!tpu.dma_semaphore, #tpu.memory_space<semaphore_mem>>) src(%dma_wait3A_147 : memref<10240x16xf32, #tpu.memory_space<hbm>>) dst(%arg12 : memref<80x16xf32, #tpu.memory_space<vmem>>)
      %dma_start3A_148 = arith.constant 0 : i32
      %dma_start3A_149 = tpu.memref_slice %arg8[%add3A_141, %dma_start3A_148] : memref<125x80xi32, #tpu.memory_space<vmem>> -> memref<1x80xi32, #tpu.memory_space<vmem>>
      %dma_start3A_150 = tpu.memref_squeeze %dma_start3A_149 : memref<1x80xi32, #tpu.memory_space<vmem>> -> memref<80xi32, #tpu.memory_space<vmem>>
      %dma_start3A_151 = arith.constant 0 : i32
      %dma_start3A_152 = arith.constant 0 : i32
      %dma_start3A_153 = tpu.memref_slice %arg24[%dma_start3A_151, %dma_start3A_152] : memref<10240x16xf32, #tpu.memory_space<vmem_shared>> -> memref<10240x16xf32, #tpu.memory_space<vmem_shared>>
      tpu.enqueue_indirect_dma source(%arg12 : memref<80x16xf32, #tpu.memory_space<vmem>>) target(%dma_start3A_153 : memref<10240x16xf32, #tpu.memory_space<vmem_shared>>) offsets(%dma_start3A_150 : memref<80xi32, #tpu.memory_space<vmem>>) semaphore(%arg22 : memref<!tpu.dma_semaphore, #tpu.memory_space<semaphore_mem>>) {add = true}
      %add3A_154 = arith.constant 5 : i32
      %add3A_155 = arith.addi %add3A_141, %add3A_154 : i32
      %lt3A_156 = arith.constant 125 : i32
      %lt3A_157 = arith.cmpi slt, %add3A_155, %lt3A_156 : i32
      %convert_element_type3A_158 = arith.extui %lt3A_157 : i1 to i32
      %cond3A_159 = arith.constant 0 : i32
      %cond3A_160 = arith.cmpi ne, %convert_element_type3A_158, %cond3A_159 : i32
      scf.if %cond3A_160 {
        %dma_wait3A_182 = arith.constant 0 : i32
        %dma_wait3A_183 = tpu.memref_slice %arg8[%add3A_141, %dma_wait3A_182] : memref<125x80xi32, #tpu.memory_space<vmem>> -> memref<1x80xi32, #tpu.memory_space<vmem>>
        %dma_wait3A_184 = tpu.memref_squeeze %dma_wait3A_183 : memref<1x80xi32, #tpu.memory_space<vmem>> -> memref<80xi32, #tpu.memory_space<vmem>>
        %dma_wait3A_185 = arith.constant 0 : i32
        %dma_wait3A_186 = arith.constant 0 : i32
        %dma_wait3A_187 = tpu.memref_slice %arg24[%dma_wait3A_185, %dma_wait3A_186] : memref<10240x16xf32, #tpu.memory_space<vmem_shared>> -> memref<10240x16xf32, #tpu.memory_space<vmem_shared>>
        tpu.wait_indirect_dma semaphore(%arg22 : memref<!tpu.dma_semaphore, #tpu.memory_space<semaphore_mem>>) src(%arg12 : memref<80x16xf32, #tpu.memory_space<vmem>>) dst(%dma_wait3A_187 : memref<10240x16xf32, #tpu.memory_space<vmem_shared>>)
        %dma_start3A_188 = arith.constant 0 : i32
        %dma_start3A_189 = tpu.memref_slice %arg7[%add3A_155, %dma_start3A_188] : memref<125x80xi32, #tpu.memory_space<vmem>> -> memref<1x80xi32, #tpu.memory_space<vmem>>
        %dma_start3A_190 = tpu.memref_squeeze %dma_start3A_189 : memref<1x80xi32, #tpu.memory_space<vmem>> -> memref<80xi32, #tpu.memory_space<vmem>>
        %dma_start3A_191 = arith.constant 0 : i32
        %dma_start3A_192 = arith.constant 0 : i32
        %dma_start3A_193 = tpu.memref_slice %arg2[%dma_start3A_191, %dma_start3A_192] : memref<10240x16xf32, #tpu.memory_space<hbm>> -> memref<10240x16xf32, #tpu.memory_space<hbm>>
        tpu.enqueue_indirect_dma source(%dma_start3A_193 : memref<10240x16xf32, #tpu.memory_space<hbm>>) target(%arg12 : memref<80x16xf32, #tpu.memory_space<vmem>>) offsets(%dma_start3A_190 : memref<80xi32, #tpu.memory_space<vmem>>) semaphore(%arg17 : memref<!tpu.dma_semaphore, #tpu.memory_space<semaphore_mem>>)
      } else {
      }
      %add3A_161 = arith.constant 4 : i32
      %add3A_162 = arith.addi %mul3A_79, %add3A_161 : i32
      %dma_wait3A_163 = arith.constant 0 : i32
      %dma_wait3A_164 = tpu.memref_slice %arg7[%add3A_162, %dma_wait3A_163] : memref<125x80xi32, #tpu.memory_space<vmem>> -> memref<1x80xi32, #tpu.memory_space<vmem>>
      %dma_wait3A_165 = tpu.memref_squeeze %dma_wait3A_164 : memref<1x80xi32, #tpu.memory_space<vmem>> -> memref<80xi32, #tpu.memory_space<vmem>>
      %dma_wait3A_166 = arith.constant 0 : i32
      %dma_wait3A_167 = arith.constant 0 : i32
      %dma_wait3A_168 = tpu.memref_slice %arg2[%dma_wait3A_166, %dma_wait3A_167] : memref<10240x16xf32, #tpu.memory_space<hbm>> -> memref<10240x16xf32, #tpu.memory_space<hbm>>
      tpu.wait_indirect_dma semaphore(%arg18 : memref<!tpu.dma_semaphore, #tpu.memory_space<semaphore_mem>>) src(%dma_wait3A_168 : memref<10240x16xf32, #tpu.memory_space<hbm>>) dst(%arg13 : memref<80x16xf32, #tpu.memory_space<vmem>>)
      %dma_start3A_169 = arith.constant 0 : i32
      %dma_start3A_170 = tpu.memref_slice %arg8[%add3A_162, %dma_start3A_169] : memref<125x80xi32, #tpu.memory_space<vmem>> -> memref<1x80xi32, #tpu.memory_space<vmem>>
      %dma_start3A_171 = tpu.memref_squeeze %dma_start3A_170 : memref<1x80xi32, #tpu.memory_space<vmem>> -> memref<80xi32, #tpu.memory_space<vmem>>
      %dma_start3A_172 = arith.constant 0 : i32
      %dma_start3A_173 = arith.constant 0 : i32
      %dma_start3A_174 = tpu.memref_slice %arg24[%dma_start3A_172, %dma_start3A_173] : memref<10240x16xf32, #tpu.memory_space<vmem_shared>> -> memref<10240x16xf32, #tpu.memory_space<vmem_shared>>
      tpu.enqueue_indirect_dma source(%arg13 : memref<80x16xf32, #tpu.memory_space<vmem>>) target(%dma_start3A_174 : memref<10240x16xf32, #tpu.memory_space<vmem_shared>>) offsets(%dma_start3A_171 : memref<80xi32, #tpu.memory_space<vmem>>) semaphore(%arg23 : memref<!tpu.dma_semaphore, #tpu.memory_space<semaphore_mem>>) {add = true}
      %add3A_175 = arith.constant 5 : i32
      %add3A_176 = arith.addi %add3A_162, %add3A_175 : i32
      %lt3A_177 = arith.constant 125 : i32
      %lt3A_178 = arith.cmpi slt, %add3A_176, %lt3A_177 : i32
      %convert_element_type3A_179 = arith.extui %lt3A_178 : i1 to i32
      %cond3A_180 = arith.constant 0 : i32
      %cond3A_181 = arith.cmpi ne, %convert_element_type3A_179, %cond3A_180 : i32
      scf.if %cond3A_181 {
        %dma_wait3A_182 = arith.constant 0 : i32
        %dma_wait3A_183 = tpu.memref_slice %arg8[%add3A_162, %dma_wait3A_182] : memref<125x80xi32, #tpu.memory_space<vmem>> -> memref<1x80xi32, #tpu.memory_space<vmem>>
        %dma_wait3A_184 = tpu.memref_squeeze %dma_wait3A_183 : memref<1x80xi32, #tpu.memory_space<vmem>> -> memref<80xi32, #tpu.memory_space<vmem>>
        %dma_wait3A_185 = arith.constant 0 : i32
        %dma_wait3A_186 = arith.constant 0 : i32
        %dma_wait3A_187 = tpu.memref_slice %arg24[%dma_wait3A_185, %dma_wait3A_186] : memref<10240x16xf32, #tpu.memory_space<vmem_shared>> -> memref<10240x16xf32, #tpu.memory_space<vmem_shared>>
        tpu.wait_indirect_dma semaphore(%arg23 : memref<!tpu.dma_semaphore, #tpu.memory_space<semaphore_mem>>) src(%arg13 : memref<80x16xf32, #tpu.memory_space<vmem>>) dst(%dma_wait3A_187 : memref<10240x16xf32, #tpu.memory_space<vmem_shared>>)
        %dma_start3A_188 = arith.constant 0 : i32
        %dma_start3A_189 = tpu.memref_slice %arg7[%add3A_176, %dma_start3A_188] : memref<125x80xi32, #tpu.memory_space<vmem>> -> memref<1x80xi32, #tpu.memory_space<vmem>>
        %dma_start3A_190 = tpu.memref_squeeze %dma_start3A_189 : memref<1x80xi32, #tpu.memory_space<vmem>> -> memref<80xi32, #tpu.memory_space<vmem>>
        %dma_start3A_191 = arith.constant 0 : i32
        %dma_start3A_192 = arith.constant 0 : i32
        %dma_start3A_193 = tpu.memref_slice %arg2[%dma_start3A_191, %dma_start3A_192] : memref<10240x16xf32, #tpu.memory_space<hbm>> -> memref<10240x16xf32, #tpu.memory_space<hbm>>
        tpu.enqueue_indirect_dma source(%dma_start3A_193 : memref<10240x16xf32, #tpu.memory_space<hbm>>) target(%arg13 : memref<80x16xf32, #tpu.memory_space<vmem>>) offsets(%dma_start3A_190 : memref<80xi32, #tpu.memory_space<vmem>>) semaphore(%arg18 : memref<!tpu.dma_semaphore, #tpu.memory_space<semaphore_mem>>)
      } else {
      }
    }
    %scan3A_41 = arith.constant 25 : i32
    %dma_wait3A = arith.constant 0 : i32
    %dma_wait3A_42 = arith.constant 0 : i32
    %dma_wait3A_43 = tpu.memref_slice %arg8[%dma_wait3A, %dma_wait3A_42] : memref<125x80xi32, #tpu.memory_space<vmem>> -> memref<1x80xi32, #tpu.memory_space<vmem>>
    %dma_wait3A_44 = tpu.memref_squeeze %dma_wait3A_43 : memref<1x80xi32, #tpu.memory_space<vmem>> -> memref<80xi32, #tpu.memory_space<vmem>>
    %dma_wait3A_45 = arith.constant 0 : i32
    %dma_wait3A_46 = arith.constant 0 : i32
    %dma_wait3A_47 = tpu.memref_slice %arg24[%dma_wait3A_45, %dma_wait3A_46] : memref<10240x16xf32, #tpu.memory_space<vmem_shared>> -> memref<10240x16xf32, #tpu.memory_space<vmem_shared>>
    tpu.wait_indirect_dma semaphore(%arg19 : memref<!tpu.dma_semaphore, #tpu.memory_space<semaphore_mem>>) src(%arg9 : memref<80x16xf32, #tpu.memory_space<vmem>>) dst(%dma_wait3A_47 : memref<10240x16xf32, #tpu.memory_space<vmem_shared>>)
    %dma_wait3A_48 = arith.constant 0 : i32
    %dma_wait3A_49 = arith.constant 0 : i32
    %dma_wait3A_50 = tpu.memref_slice %arg8[%dma_wait3A_48, %dma_wait3A_49] : memref<125x80xi32, #tpu.memory_space<vmem>> -> memref<1x80xi32, #tpu.memory_space<vmem>>
    %dma_wait3A_51 = tpu.memref_squeeze %dma_wait3A_50 : memref<1x80xi32, #tpu.memory_space<vmem>> -> memref<80xi32, #tpu.memory_space<vmem>>
    %dma_wait3A_52 = arith.constant 0 : i32
    %dma_wait3A_53 = arith.constant 0 : i32
    %dma_wait3A_54 = tpu.memref_slice %arg24[%dma_wait3A_52, %dma_wait3A_53] : memref<10240x16xf32, #tpu.memory_space<vmem_shared>> -> memref<10240x16xf32, #tpu.memory_space<vmem_shared>>
    tpu.wait_indirect_dma semaphore(%arg20 : memref<!tpu.dma_semaphore, #tpu.memory_space<semaphore_mem>>) src(%arg10 : memref<80x16xf32, #tpu.memory_space<vmem>>) dst(%dma_wait3A_54 : memref<10240x16xf32, #tpu.memory_space<vmem_shared>>)
    %dma_wait3A_55 = arith.constant 0 : i32
    %dma_wait3A_56 = arith.constant 0 : i32
    %dma_wait3A_57 = tpu.memref_slice %arg8[%dma_wait3A_55, %dma_wait3A_56] : memref<125x80xi32, #tpu.memory_space<vmem>> -> memref<1x80xi32, #tpu.memory_space<vmem>>
    %dma_wait3A_58 = tpu.memref_squeeze %dma_wait3A_57 : memref<1x80xi32, #tpu.memory_space<vmem>> -> memref<80xi32, #tpu.memory_space<vmem>>
    %dma_wait3A_59 = arith.constant 0 : i32
    %dma_wait3A_60 = arith.constant 0 : i32
    %dma_wait3A_61 = tpu.memref_slice %arg24[%dma_wait3A_59, %dma_wait3A_60] : memref<10240x16xf32, #tpu.memory_space<vmem_shared>> -> memref<10240x16xf32, #tpu.memory_space<vmem_shared>>
    tpu.wait_indirect_dma semaphore(%arg21 : memref<!tpu.dma_semaphore, #tpu.memory_space<semaphore_mem>>) src(%arg11 : memref<80x16xf32, #tpu.memory_space<vmem>>) dst(%dma_wait3A_61 : memref<10240x16xf32, #tpu.memory_space<vmem_shared>>)
    %dma_wait3A_62 = arith.constant 0 : i32
    %dma_wait3A_63 = arith.constant 0 : i32
    %dma_wait3A_64 = tpu.memref_slice %arg8[%dma_wait3A_62, %dma_wait3A_63] : memref<125x80xi32, #tpu.memory_space<vmem>> -> memref<1x80xi32, #tpu.memory_space<vmem>>
    %dma_wait3A_65 = tpu.memref_squeeze %dma_wait3A_64 : memref<1x80xi32, #tpu.memory_space<vmem>> -> memref<80xi32, #tpu.memory_space<vmem>>
    %dma_wait3A_66 = arith.constant 0 : i32
    %dma_wait3A_67 = arith.constant 0 : i32
    %dma_wait3A_68 = tpu.memref_slice %arg24[%dma_wait3A_66, %dma_wait3A_67] : memref<10240x16xf32, #tpu.memory_space<vmem_shared>> -> memref<10240x16xf32, #tpu.memory_space<vmem_shared>>
    tpu.wait_indirect_dma semaphore(%arg22 : memref<!tpu.dma_semaphore, #tpu.memory_space<semaphore_mem>>) src(%arg12 : memref<80x16xf32, #tpu.memory_space<vmem>>) dst(%dma_wait3A_68 : memref<10240x16xf32, #tpu.memory_space<vmem_shared>>)
    %dma_wait3A_69 = arith.constant 0 : i32
    %dma_wait3A_70 = arith.constant 0 : i32
    %dma_wait3A_71 = tpu.memref_slice %arg8[%dma_wait3A_69, %dma_wait3A_70] : memref<125x80xi32, #tpu.memory_space<vmem>> -> memref<1x80xi32, #tpu.memory_space<vmem>>
    %dma_wait3A_72 = tpu.memref_squeeze %dma_wait3A_71 : memref<1x80xi32, #tpu.memory_space<vmem>> -> memref<80xi32, #tpu.memory_space<vmem>>
    %dma_wait3A_73 = arith.constant 0 : i32
    %dma_wait3A_74 = arith.constant 0 : i32
    %dma_wait3A_75 = tpu.memref_slice %arg24[%dma_wait3A_73, %dma_wait3A_74] : memref<10240x16xf32, #tpu.memory_space<vmem_shared>> -> memref<10240x16xf32, #tpu.memory_space<vmem_shared>>
    tpu.wait_indirect_dma semaphore(%arg23 : memref<!tpu.dma_semaphore, #tpu.memory_space<semaphore_mem>>) src(%arg13 : memref<80x16xf32, #tpu.memory_space<vmem>>) dst(%dma_wait3A_75 : memref<10240x16xf32, #tpu.memory_space<vmem_shared>>)
    %barrier3A_76 = arith.constant 0 : index
    tpu.barrier barrier_id(%barrier3A_76)
    "tpu.region"() ({
      %run_scoped3A = tpu.sem_alloc : memref<!tpu.dma_semaphore, #tpu.memory_space<semaphore_mem>>
      %dma_start3A_77 = arith.constant 0 : i32
      %dma_start3A_78 = tpu.memref_slice %arg6[%arg0, %mul3A_2, %dma_start3A_77] : memref<2x10240x16xf32, #tpu.memory_space<hbm>> -> memref<1x640x16xf32, #tpu.memory_space<hbm>>
      %dma_start3A_79 = tpu.memref_squeeze %dma_start3A_78 : memref<1x640x16xf32, #tpu.memory_space<hbm>> -> memref<640x16xf32, #tpu.memory_space<hbm>>
      %dma_start3A_80 = arith.constant 0 : i32
      %dma_start3A_81 = tpu.memref_slice %arg24[%mul3A_2, %dma_start3A_80] : memref<10240x16xf32, #tpu.memory_space<vmem_shared>> -> memref<640x16xf32, #tpu.memory_space<vmem_shared>>
      tpu.enqueue_dma source(%dma_start3A_81 : memref<640x16xf32, #tpu.memory_space<vmem_shared>>) target(%dma_start3A_79 : memref<640x16xf32, #tpu.memory_space<hbm>>) target_semaphore(%run_scoped3A : memref<!tpu.dma_semaphore, #tpu.memory_space<semaphore_mem>>)
      %dma_wait3A_82 = arith.constant 0 : i32
      %dma_wait3A_83 = tpu.memref_slice %arg6[%arg0, %mul3A_2, %dma_wait3A_82] : memref<2x10240x16xf32, #tpu.memory_space<hbm>> -> memref<1x640x16xf32, #tpu.memory_space<hbm>>
      %dma_wait3A_84 = tpu.memref_squeeze %dma_wait3A_83 : memref<1x640x16xf32, #tpu.memory_space<hbm>> -> memref<640x16xf32, #tpu.memory_space<hbm>>
      %dma_wait3A_85 = arith.constant 0 : i32
      %dma_wait3A_86 = tpu.memref_slice %arg24[%mul3A_2, %dma_wait3A_85] : memref<10240x16xf32, #tpu.memory_space<vmem_shared>> -> memref<640x16xf32, #tpu.memory_space<vmem_shared>>
      tpu.wait_dma2 semaphore(%run_scoped3A : memref<!tpu.dma_semaphore, #tpu.memory_space<semaphore_mem>>) src(%dma_wait3A_86 : memref<640x16xf32, #tpu.memory_space<vmem_shared>>) dst(%dma_wait3A_84 : memref<640x16xf32, #tpu.memory_space<hbm>>)
      tpu.yield
    }) : () -> ()
    return
  }
}

module attributes {stable_mosaic.version = 14 : i64} {
  func.func @_mm0_body(%arg0: i32, %arg1: memref<256x1024xf32, #tpu.memory_space<vmem>>, %arg2: memref<1024x128xf32, #tpu.memory_space<vmem>>, %arg3: memref<1024x128xf32, #tpu.memory_space<vmem>>, %arg4: memref<1x128xf32, #tpu.memory_space<vmem>>, %arg5: memref<256x128xf32, #tpu.memory_space<vmem>>, %arg6: memref<256x128xf32, #tpu.memory_space<vmem>>) attributes {dimension_semantics = [#tpu.dimension_semantics<arbitrary>], iteration_bounds = array<i64: 5>, scalar_prefetch = 0 : i64, scratch_operands = 0 : i64, tpu.core_type = #tpu.core_type<tc>, window_params = [{transform_indices = @transform_0, window_bounds = array<i64: 256, 1024>}, {pipeline_mode = #tpu.pipeline_mode<synchronous>, transform_indices = @transform_1, window_bounds = array<i64: 1024, 128>}, {pipeline_mode = #tpu.pipeline_mode<synchronous>, transform_indices = @transform_2, window_bounds = array<i64: 1024, 128>}, {pipeline_mode = #tpu.pipeline_mode<synchronous>, transform_indices = @transform_3, window_bounds = array<i64: 1, 128>}, {transform_indices = @transform_4, window_bounds = array<i64: 256, 128>}, {transform_indices = @transform_5, window_bounds = array<i64: 256, 128>}]} {
    %get3A = arith.constant 0 : index
    %get3A_0 = arith.constant 0 : index
    %get3A_1 = vector.load %arg1[%get3A, %get3A_0] : memref<256x1024xf32, #tpu.memory_space<vmem>>, vector<256x1024xf32>
    %get3A_2 = arith.constant 0 : index
    %get3A_3 = arith.constant 0 : index
    %get3A_4 = vector.load %arg2[%get3A_2, %get3A_3] : memref<1024x128xf32, #tpu.memory_space<vmem>>, vector<1024x128xf32>
    %dot_general3A = arith.constant dense<0.000000e+00> : vector<256x128xf32>
    %dot_general3A_5 = tpu.matmul %get3A_1, %get3A_4, %dot_general3A {dimension_numbers = #tpu.dot_dimension_numbers<[1], [0], [0], [1], [0, 0, 1, 1], [], []>, transpose_lhs_hint = false} : vector<256x1024xf32>, vector<1024x128xf32>, vector<256x128xf32> -> vector<256x128xf32>
    %swap3A = arith.constant 0 : index
    %swap3A_6 = arith.constant 0 : index
    %swap3A_7 = vector.load %arg5[%swap3A, %swap3A_6] : memref<256x128xf32, #tpu.memory_space<vmem>>, vector<256x128xf32>
    tpu.vector_store %arg5[%swap3A, %swap3A_6], %dot_general3A_5 {strides = array<i32>} : memref<256x128xf32, #tpu.memory_space<vmem>>, vector<256x128xf32>,
    %get3A_8 = arith.constant 0 : index
    %get3A_9 = arith.constant 0 : index
    %get3A_10 = vector.load %arg3[%get3A_8, %get3A_9] : memref<1024x128xf32, #tpu.memory_space<vmem>>, vector<1024x128xf32>
    %dot_general3A_11 = arith.constant dense<0.000000e+00> : vector<256x128xf32>
    %dot_general3A_12 = tpu.matmul %get3A_1, %get3A_10, %dot_general3A_11 {dimension_numbers = #tpu.dot_dimension_numbers<[1], [0], [0], [1], [0, 0, 1, 1], [], []>, transpose_lhs_hint = false} : vector<256x1024xf32>, vector<1024x128xf32>, vector<256x128xf32> -> vector<256x128xf32>
    %get3A_13 = arith.constant 0 : index
    %get3A_14 = arith.constant 0 : index
    %get3A_15 = vector.load %arg4[%get3A_13, %get3A_14] : memref<1x128xf32, #tpu.memory_space<vmem>>, vector<1x128xf32>
    %add3A = vector.broadcast %get3A_15 : vector<1x128xf32> to vector<256x128xf32>
    %add3A_16 = arith.addf %dot_general3A_12, %add3A : vector<256x128xf32>
    %swap3A_17 = arith.constant 0 : index
    %swap3A_18 = arith.constant 0 : index
    %swap3A_19 = vector.load %arg6[%swap3A_17, %swap3A_18] : memref<256x128xf32, #tpu.memory_space<vmem>>, vector<256x128xf32>
    tpu.vector_store %arg6[%swap3A_17, %swap3A_18], %add3A_16 {strides = array<i32>} : memref<256x128xf32, #tpu.memory_space<vmem>>, vector<256x128xf32>,
    return
  }
  func.func @transform_0(%arg0: i32) -> (i32, i32) {
    %c0_i32 = arith.constant 0 : i32
    %c0_i32_0 = arith.constant 0 : i32
    return %arg0, %c0_i32 : i32, i32
  }
  func.func @transform_1(%arg0: i32) -> (i32, i32) {
    %c0_i32 = arith.constant 0 : i32
    %c0_i32_0 = arith.constant 0 : i32
    %c0_i32_1 = arith.constant 0 : i32
    return %c0_i32, %c0_i32_0 : i32, i32
  }
  func.func @transform_2(%arg0: i32) -> (i32, i32) {
    %c0_i32 = arith.constant 0 : i32
    %c0_i32_0 = arith.constant 0 : i32
    %c0_i32_1 = arith.constant 0 : i32
    return %c0_i32, %c0_i32_0 : i32, i32
  }
  func.func @transform_3(%arg0: i32) -> (i32, i32) {
    %c0_i32 = arith.constant 0 : i32
    %c0_i32_0 = arith.constant 0 : i32
    %c0_i32_1 = arith.constant 0 : i32
    return %c0_i32, %c0_i32_0 : i32, i32
  }
  func.func @transform_4(%arg0: i32) -> (i32, i32) {
    %c0_i32 = arith.constant 0 : i32
    %c0_i32_0 = arith.constant 0 : i32
    return %arg0, %c0_i32 : i32, i32
  }
  func.func @transform_5(%arg0: i32) -> (i32, i32) {
    %c0_i32 = arith.constant 0 : i32
    %c0_i32_0 = arith.constant 0 : i32
    return %arg0, %c0_i32 : i32, i32
  }
}

module attributes {stable_mosaic.version = 14 : i64} {
  func.func @_final_body(%arg0: memref<2x1280x128xf32, #tpu.memory_space<vmem>>, %arg1: memref<2x1280x128xf32, #tpu.memory_space<vmem>>, %arg2: memref<1280x128xf32, #tpu.memory_space<vmem>>, %arg3: memref<1x128xf32, #tpu.memory_space<vmem>>, %arg4: memref<1x1xf32, #tpu.memory_space<vmem>>, %arg5: memref<1x1xf32, #tpu.memory_space<vmem>>) attributes {dimension_semantics = [], scalar_prefetch = 0 : i64, scratch_operands = 0 : i64, tpu.core_type = #tpu.core_type<tc>} {
    %get3A = arith.constant 0 : index
    %get3A_0 = arith.constant 0 : index
    %get3A_1 = arith.constant 0 : index
    %get3A_2 = vector.load %arg0[%get3A, %get3A_0, %get3A_1] : memref<2x1280x128xf32, #tpu.memory_space<vmem>>, vector<2x1280x128xf32>
    %get3A_3 = arith.constant 0 : index
    %get3A_4 = arith.constant 0 : index
    %get3A_5 = arith.constant 0 : index
    %get3A_6 = vector.load %arg1[%get3A_3, %get3A_4, %get3A_5] : memref<2x1280x128xf32, #tpu.memory_space<vmem>>, vector<2x1280x128xf32>
    %slice3A = vector.extract_strided_slice %get3A_2 {offsets = [0, 0, 0], sizes = [1, 1280, 128], strides = [1, 1, 1]} : vector<2x1280x128xf32> to vector<1x1280x128xf32>
    %squeeze3A = vector.shape_cast %slice3A : vector<1x1280x128xf32> to vector<1280x128xf32>
    %slice3A_7 = vector.extract_strided_slice %get3A_2 {offsets = [1, 0, 0], sizes = [1, 1280, 128], strides = [1, 1, 1]} : vector<2x1280x128xf32> to vector<1x1280x128xf32>
    %squeeze3A_8 = vector.shape_cast %slice3A_7 : vector<1x1280x128xf32> to vector<1280x128xf32>
    %add3A = arith.addf %squeeze3A, %squeeze3A_8 : vector<1280x128xf32>
    %slice3A_9 = vector.extract_strided_slice %get3A_6 {offsets = [0, 0, 0], sizes = [1, 1280, 128], strides = [1, 1, 1]} : vector<2x1280x128xf32> to vector<1x1280x128xf32>
    %squeeze3A_10 = vector.shape_cast %slice3A_9 : vector<1x1280x128xf32> to vector<1280x128xf32>
    %slice3A_11 = vector.extract_strided_slice %get3A_6 {offsets = [1, 0, 0], sizes = [1, 1280, 128], strides = [1, 1, 1]} : vector<2x1280x128xf32> to vector<1x1280x128xf32>
    %squeeze3A_12 = vector.shape_cast %slice3A_11 : vector<1x1280x128xf32> to vector<1280x128xf32>
    %add3A_13 = arith.addf %squeeze3A_10, %squeeze3A_12 : vector<1280x128xf32>
    %max3A = arith.constant 1.000000e+00 : f32
    %max3A_14 = vector.broadcast %max3A : f32 to vector<1280x128xf32>
    %max3A_15 = arith.maximumf %add3A_13, %max3A_14 : vector<1280x128xf32>
    %div3A = arith.divf %add3A, %max3A_15 : vector<1280x128xf32>
    %get3A_16 = arith.constant 0 : index
    %get3A_17 = arith.constant 0 : index
    %get3A_18 = vector.load %arg2[%get3A_16, %get3A_17] : memref<1280x128xf32, #tpu.memory_space<vmem>>, vector<1280x128xf32>
    %add3A_19 = arith.addf %div3A, %get3A_18 : vector<1280x128xf32>
    %iota3A = tpu.iota {dimensions = array<i32: 0>} : vector<1280x128xi32>
    %lt3A = arith.constant 1250 : i32
    %lt3A_20 = vector.broadcast %lt3A : i32 to vector<1280x128xi32>
    %lt3A_21 = arith.cmpi slt, %iota3A, %lt3A_20 : vector<1280x128xi32>
    %jit3A = arith.constant 0.000000e+00 : f32
    %broadcast_in_dim3A = vector.broadcast %jit3A : f32 to vector<1280x128xf32>
    %select_n3A = arith.select %lt3A_21, %add3A_19, %broadcast_in_dim3A : vector<1280x128xi1>, vector<1280x128xf32>
    %slice3A_22 = vector.extract_strided_slice %select_n3A {offsets = [0, 0], sizes = [256, 128], strides = [1, 1]} : vector<1280x128xf32> to vector<256x128xf32>
    %slice3A_23 = vector.extract_strided_slice %select_n3A {offsets = [256, 0], sizes = [256, 128], strides = [1, 1]} : vector<1280x128xf32> to vector<256x128xf32>
    %add3A_24 = arith.addf %slice3A_22, %slice3A_23 : vector<256x128xf32>
    %slice3A_25 = vector.extract_strided_slice %select_n3A {offsets = [512, 0], sizes = [256, 128], strides = [1, 1]} : vector<1280x128xf32> to vector<256x128xf32>
    %add3A_26 = arith.addf %add3A_24, %slice3A_25 : vector<256x128xf32>
    %slice3A_27 = vector.extract_strided_slice %select_n3A {offsets = [768, 0], sizes = [256, 128], strides = [1, 1]} : vector<1280x128xf32> to vector<256x128xf32>
    %add3A_28 = arith.addf %add3A_26, %slice3A_27 : vector<256x128xf32>
    %slice3A_29 = vector.extract_strided_slice %select_n3A {offsets = [1024, 0], sizes = [256, 128], strides = [1, 1]} : vector<1280x128xf32> to vector<256x128xf32>
    %add3A_30 = arith.addf %add3A_28, %slice3A_29 : vector<256x128xf32>
    %slice3A_31 = vector.extract_strided_slice %add3A_30 {offsets = [0, 0], sizes = [128, 128], strides = [1, 1]} : vector<256x128xf32> to vector<128x128xf32>
    %slice3A_32 = vector.extract_strided_slice %add3A_30 {offsets = [128, 0], sizes = [128, 128], strides = [1, 1]} : vector<256x128xf32> to vector<128x128xf32>
    %add3A_33 = arith.addf %slice3A_31, %slice3A_32 : vector<128x128xf32>
    %slice3A_34 = vector.extract_strided_slice %add3A_33 {offsets = [0, 0], sizes = [64, 128], strides = [1, 1]} : vector<128x128xf32> to vector<64x128xf32>
    %slice3A_35 = vector.extract_strided_slice %add3A_33 {offsets = [64, 0], sizes = [64, 128], strides = [1, 1]} : vector<128x128xf32> to vector<64x128xf32>
    %add3A_36 = arith.addf %slice3A_34, %slice3A_35 : vector<64x128xf32>
    %slice3A_37 = vector.extract_strided_slice %add3A_36 {offsets = [0, 0], sizes = [32, 128], strides = [1, 1]} : vector<64x128xf32> to vector<32x128xf32>
    %slice3A_38 = vector.extract_strided_slice %add3A_36 {offsets = [32, 0], sizes = [32, 128], strides = [1, 1]} : vector<64x128xf32> to vector<32x128xf32>
    %add3A_39 = arith.addf %slice3A_37, %slice3A_38 : vector<32x128xf32>
    %slice3A_40 = vector.extract_strided_slice %add3A_39 {offsets = [0, 0], sizes = [16, 128], strides = [1, 1]} : vector<32x128xf32> to vector<16x128xf32>
    %slice3A_41 = vector.extract_strided_slice %add3A_39 {offsets = [16, 0], sizes = [16, 128], strides = [1, 1]} : vector<32x128xf32> to vector<16x128xf32>
    %add3A_42 = arith.addf %slice3A_40, %slice3A_41 : vector<16x128xf32>
    %slice3A_43 = vector.extract_strided_slice %add3A_42 {offsets = [0, 0], sizes = [8, 128], strides = [1, 1]} : vector<16x128xf32> to vector<8x128xf32>
    %slice3A_44 = vector.extract_strided_slice %add3A_42 {offsets = [8, 0], sizes = [8, 128], strides = [1, 1]} : vector<16x128xf32> to vector<8x128xf32>
    %add3A_45 = arith.addf %slice3A_43, %slice3A_44 : vector<8x128xf32>
    %reduce_sum3A = arith.constant dense<0.000000e+00> : vector<128xf32>
    %reduce_sum3A_46 = vector.multi_reduction <add>, %add3A_45, %reduce_sum3A [0] : vector<8x128xf32> to vector<128xf32>
    %broadcast_in_dim3A_47 = vector.shape_cast %reduce_sum3A_46 : vector<128xf32> to vector<1x128xf32>
    %div3A_48 = arith.constant 1.000000e+04 : f32
    %div3A_49 = vector.broadcast %div3A_48 : f32 to vector<1x128xf32>
    %div3A_50 = arith.divf %broadcast_in_dim3A_47, %div3A_49 : vector<1x128xf32>
    %get3A_51 = arith.constant 0 : index
    %get3A_52 = arith.constant 0 : index
    %get3A_53 = vector.load %arg3[%get3A_51, %get3A_52] : memref<1x128xf32, #tpu.memory_space<vmem>>, vector<1x128xf32>
    %mul3A = arith.mulf %div3A_50, %get3A_53 : vector<1x128xf32>
    %reduce_sum3A_54 = arith.constant dense<0.000000e+00> : vector<1xf32>
    %reduce_sum3A_55 = vector.multi_reduction <add>, %mul3A, %reduce_sum3A_54 [1] : vector<1x128xf32> to vector<1xf32>
    %broadcast_in_dim3A_56 = vector.shape_cast %reduce_sum3A_55 : vector<1xf32> to vector<1x1xf32>
    %get3A_57 = arith.constant 0 : index
    %get3A_58 = arith.constant 0 : index
    %get3A_59 = vector.load %arg4[%get3A_57, %get3A_58] : memref<1x1xf32, #tpu.memory_space<vmem>>, vector<1x1xf32>
    %add3A_60 = arith.addf %broadcast_in_dim3A_56, %get3A_59 : vector<1x1xf32>
    %swap3A = arith.constant 0 : index
    %swap3A_61 = arith.constant 0 : index
    %swap3A_62 = vector.load %arg5[%swap3A, %swap3A_61] : memref<1x1xf32, #tpu.memory_space<vmem>>, vector<1x1xf32>
    tpu.vector_store %arg5[%swap3A, %swap3A_61], %add3A_60 {strides = array<i32>} : memref<1x1xf32, #tpu.memory_space<vmem>>, vector<1x1xf32>,
    return
  }
}

module attributes {stable_mosaic.version = 14 : i64} {
  func.func @_combine_body(%arg0: i32, %arg1: memref<2x256x128xf32, #tpu.memory_space<vmem>>, %arg2: memref<2x256x128xf32, #tpu.memory_space<vmem>>, %arg3: memref<256x128xf32, #tpu.memory_space<vmem>>, %arg4: memref<128x128xf32, #tpu.memory_space<vmem>>, %arg5: memref<128x128xf32, #tpu.memory_space<vmem>>, %arg6: memref<1x128xf32, #tpu.memory_space<vmem>>, %arg7: memref<256x128xf32, #tpu.memory_space<vmem>>, %arg8: memref<256x128xf32, #tpu.memory_space<vmem>>) attributes {dimension_semantics = [#tpu.dimension_semantics<arbitrary>], iteration_bounds = array<i64: 5>, scalar_prefetch = 0 : i64, scratch_operands = 0 : i64, tpu.core_type = #tpu.core_type<tc>, window_params = [{transform_indices = @transform_0, window_bounds = array<i64: 2, 256, 128>}, {transform_indices = @transform_1, window_bounds = array<i64: 2, 256, 128>}, {transform_indices = @transform_2, window_bounds = array<i64: 256, 128>}, {pipeline_mode = #tpu.pipeline_mode<synchronous>, transform_indices = @transform_3, window_bounds = array<i64: 128, 128>}, {pipeline_mode = #tpu.pipeline_mode<synchronous>, transform_indices = @transform_4, window_bounds = array<i64: 128, 128>}, {pipeline_mode = #tpu.pipeline_mode<synchronous>, transform_indices = @transform_5, window_bounds = array<i64: 1, 128>}, {transform_indices = @transform_6, window_bounds = array<i64: 256, 128>}, {transform_indices = @transform_7, window_bounds = array<i64: 256, 128>}]} {
    %get3A = arith.constant 0 : index
    %get3A_0 = arith.constant 0 : index
    %get3A_1 = arith.constant 0 : index
    %get3A_2 = vector.load %arg1[%get3A, %get3A_0, %get3A_1] : memref<2x256x128xf32, #tpu.memory_space<vmem>>, vector<2x256x128xf32>
    %get3A_3 = arith.constant 0 : index
    %get3A_4 = arith.constant 0 : index
    %get3A_5 = arith.constant 0 : index
    %get3A_6 = vector.load %arg2[%get3A_3, %get3A_4, %get3A_5] : memref<2x256x128xf32, #tpu.memory_space<vmem>>, vector<2x256x128xf32>
    %slice3A = vector.extract_strided_slice %get3A_2 {offsets = [0, 0, 0], sizes = [1, 256, 128], strides = [1, 1, 1]} : vector<2x256x128xf32> to vector<1x256x128xf32>
    %squeeze3A = vector.shape_cast %slice3A : vector<1x256x128xf32> to vector<256x128xf32>
    %slice3A_7 = vector.extract_strided_slice %get3A_2 {offsets = [1, 0, 0], sizes = [1, 256, 128], strides = [1, 1, 1]} : vector<2x256x128xf32> to vector<1x256x128xf32>
    %squeeze3A_8 = vector.shape_cast %slice3A_7 : vector<1x256x128xf32> to vector<256x128xf32>
    %add3A = arith.addf %squeeze3A, %squeeze3A_8 : vector<256x128xf32>
    %slice3A_9 = vector.extract_strided_slice %get3A_6 {offsets = [0, 0, 0], sizes = [1, 256, 128], strides = [1, 1, 1]} : vector<2x256x128xf32> to vector<1x256x128xf32>
    %squeeze3A_10 = vector.shape_cast %slice3A_9 : vector<1x256x128xf32> to vector<256x128xf32>
    %slice3A_11 = vector.extract_strided_slice %get3A_6 {offsets = [1, 0, 0], sizes = [1, 256, 128], strides = [1, 1, 1]} : vector<2x256x128xf32> to vector<1x256x128xf32>
    %squeeze3A_12 = vector.shape_cast %slice3A_11 : vector<1x256x128xf32> to vector<256x128xf32>
    %add3A_13 = arith.addf %squeeze3A_10, %squeeze3A_12 : vector<256x128xf32>
    %max3A = arith.constant 1.000000e+00 : f32
    %max3A_14 = vector.broadcast %max3A : f32 to vector<256x128xf32>
    %max3A_15 = arith.maximumf %add3A_13, %max3A_14 : vector<256x128xf32>
    %div3A = arith.divf %add3A, %max3A_15 : vector<256x128xf32>
    %get3A_16 = arith.constant 0 : index
    %get3A_17 = arith.constant 0 : index
    %get3A_18 = vector.load %arg3[%get3A_16, %get3A_17] : memref<256x128xf32, #tpu.memory_space<vmem>>, vector<256x128xf32>
    %add3A_19 = arith.addf %div3A, %get3A_18 : vector<256x128xf32>
    %get3A_20 = arith.constant 0 : index
    %get3A_21 = arith.constant 0 : index
    %get3A_22 = vector.load %arg4[%get3A_20, %get3A_21] : memref<128x128xf32, #tpu.memory_space<vmem>>, vector<128x128xf32>
    %dot_general3A = arith.constant dense<0.000000e+00> : vector<256x128xf32>
    %dot_general3A_23 = tpu.matmul %add3A_19, %get3A_22, %dot_general3A {dimension_numbers = #tpu.dot_dimension_numbers<[1], [0], [0], [1], [0, 0, 1, 1], [], []>, transpose_lhs_hint = false} : vector<256x128xf32>, vector<128x128xf32>, vector<256x128xf32> -> vector<256x128xf32>
    %swap3A = arith.constant 0 : index
    %swap3A_24 = arith.constant 0 : index
    %swap3A_25 = vector.load %arg7[%swap3A, %swap3A_24] : memref<256x128xf32, #tpu.memory_space<vmem>>, vector<256x128xf32>
    tpu.vector_store %arg7[%swap3A, %swap3A_24], %dot_general3A_23 {strides = array<i32>} : memref<256x128xf32, #tpu.memory_space<vmem>>, vector<256x128xf32>,
    %get3A_26 = arith.constant 0 : index
    %get3A_27 = arith.constant 0 : index
    %get3A_28 = vector.load %arg5[%get3A_26, %get3A_27] : memref<128x128xf32, #tpu.memory_space<vmem>>, vector<128x128xf32>
    %dot_general3A_29 = arith.constant dense<0.000000e+00> : vector<256x128xf32>
    %dot_general3A_30 = tpu.matmul %add3A_19, %get3A_28, %dot_general3A_29 {dimension_numbers = #tpu.dot_dimension_numbers<[1], [0], [0], [1], [0, 0, 1, 1], [], []>, transpose_lhs_hint = false} : vector<256x128xf32>, vector<128x128xf32>, vector<256x128xf32> -> vector<256x128xf32>
    %get3A_31 = arith.constant 0 : index
    %get3A_32 = arith.constant 0 : index
    %get3A_33 = vector.load %arg6[%get3A_31, %get3A_32] : memref<1x128xf32, #tpu.memory_space<vmem>>, vector<1x128xf32>
    %add3A_34 = vector.broadcast %get3A_33 : vector<1x128xf32> to vector<256x128xf32>
    %add3A_35 = arith.addf %dot_general3A_30, %add3A_34 : vector<256x128xf32>
    %swap3A_36 = arith.constant 0 : index
    %swap3A_37 = arith.constant 0 : index
    %swap3A_38 = vector.load %arg8[%swap3A_36, %swap3A_37] : memref<256x128xf32, #tpu.memory_space<vmem>>, vector<256x128xf32>
    tpu.vector_store %arg8[%swap3A_36, %swap3A_37], %add3A_35 {strides = array<i32>} : memref<256x128xf32, #tpu.memory_space<vmem>>, vector<256x128xf32>,
    return
  }
  func.func @transform_0(%arg0: i32) -> (i32, i32, i32) {
    %c0_i32 = arith.constant 0 : i32
    %c0_i32_0 = arith.constant 0 : i32
    %c0_i32_1 = arith.constant 0 : i32
    return %c0_i32, %arg0, %c0_i32_0 : i32, i32, i32
  }
  func.func @transform_1(%arg0: i32) -> (i32, i32, i32) {
    %c0_i32 = arith.constant 0 : i32
    %c0_i32_0 = arith.constant 0 : i32
    %c0_i32_1 = arith.constant 0 : i32
    return %c0_i32, %arg0, %c0_i32_0 : i32, i32, i32
  }
  func.func @transform_2(%arg0: i32) -> (i32, i32) {
    %c0_i32 = arith.constant 0 : i32
    %c0_i32_0 = arith.constant 0 : i32
    return %arg0, %c0_i32 : i32, i32
  }
  func.func @transform_3(%arg0: i32) -> (i32, i32) {
    %c0_i32 = arith.constant 0 : i32
    %c0_i32_0 = arith.constant 0 : i32
    %c0_i32_1 = arith.constant 0 : i32
    return %c0_i32, %c0_i32_0 : i32, i32
  }
  func.func @transform_4(%arg0: i32) -> (i32, i32) {
    %c0_i32 = arith.constant 0 : i32
    %c0_i32_0 = arith.constant 0 : i32
    %c0_i32_1 = arith.constant 0 : i32
    return %c0_i32, %c0_i32_0 : i32, i32
  }
  func.func @transform_5(%arg0: i32) -> (i32, i32) {
    %c0_i32 = arith.constant 0 : i32
    %c0_i32_0 = arith.constant 0 : i32
    %c0_i32_1 = arith.constant 0 : i32
    return %c0_i32, %c0_i32_0 : i32, i32
  }
  func.func @transform_6(%arg0: i32) -> (i32, i32) {
    %c0_i32 = arith.constant 0 : i32
    %c0_i32_0 = arith.constant 0 : i32
    return %arg0, %c0_i32 : i32, i32
  }
  func.func @transform_7(%arg0: i32) -> (i32, i32) {
    %c0_i32 = arith.constant 0 : i32
    %c0_i32_0 = arith.constant 0 : i32
    return %arg0, %c0_i32 : i32, i32
  }
}

</mosaic_0001>

<sc_bundles>
// kernel: kernel.12.cloned.1.call-start
scs
__scs_entry_jumppad:
0x0: {  	(pc) =	sbr.rel $0x88, $3  }
0x1: {  	(tag) =	ssettag $0x0;
	lr =	simm.s32 $0x1  }
0x2: {  	[smem:$0x3F94] =	sst lr;
	_ =	strace $0xD0000000  }
0x3: {  	_ = 	snop  }
0x4: {  	_ = 	snop  }
0x5: {  	_ = 	snop  }
0x6: {  	_ = 	snop  }
0x7: {  	_ = 	snop  }
__scs_overlays_trampoline_lowered:
0x8: {  	[smem:$0x3FA3] =	sst s0  }
0x9: {  	[smem:$0x3FA4] =	sst s1  }
0xa: {  	[smem:$0x3FA5] =	sst s2  }
0xb: {  	[smem:$0x3FA6] =	sst s3  }
0xc: {  	[smem:$0x3FA7] =	sst s4  }
0xd: {  	[smem:$0x3FA8] =	sst s5  }
0xe: {  	[smem:$0x3FA9] =	sst s6  }
0xf: {  	[smem:$0x3FAA] =	sst s7  }
0x10: {  	[smem:$0x3FAB] =	sst s8  }
0x11: {  	[smem:$0x3FAC] =	sst s9;
	s0 =	simm.s32 @!p0 $0x0  }
0x12: {  	s1 =	sld [smem:$0x3F92];
	s0 =	simm.s32 @p0 $0x1  }
0x13: {  	[smem:$0x3FAD] =	sst s0;
	s0 =	simm.s32 @!p1 $0x0  }
0x14: {  	s2 =	sld [smem:$0x3F91];
	s0 =	simm.s32 @p1 $0x1  }
0x15: {  	[smem:$0x3FAE] =	sst s0;
	s0 =	simm.s32 @!p2 $0x0  }
0x16: {  	s3 =	sld [smem:$0x3FDB];
	s0 =	simm.s32 @p2 $0x1  }
0x17: {  	s4 =	simm.s32 $0x1BF5;
	[smem:$0x3FB0] =	sst s0  }
0x18: {  	s0 =	sld [smem:$0x3F93];
	_ =	swait.ge [sflag:s4], $0x0  }
0x19: {  	s7 =	sld [smem:$0x3F94]  }
0x1a: {  	s8 =	sadd.s32 $0xFFFFE003, lr  }
0x1b: {  	s9 =	sadd.s32 $0xFFFFFEF7, lr;
	s5 =	simm.s32 $0xFFFFFFFF;
	p2 =	slt.u32 s8, $0xFFFFF086  }
0x1c: {  	p1 =	slt.u32 s9, $0xF7A;
	s5 =	simm.s32 @!p2 $0x0  }
0x1d: {  	s5 =	simm.s32 @p1 $0x1;
	p0 =	seq.s32 s7, s2  }
0x1e: {  	s7 =	smul.u32 @!p0 $0xF7A, s2;
	p2 =	seq.s32 @!p0 s5, $0x0  }
0x1f: {  	s9 =	smul.u32 $0xF7A, s1;
	s8 =	simm.s32 @!p0 $0x1BF5;
	p2 =	por !p2, p0  }
0x20: {  	[sflag:s8] =	ssyncset.s32 @!p0 $0xFFFFF086;
	s6 =	sadd.s32 @!p0 s3, s7;
	s7 =	simm.s32 @!p0 $0x108  }
0x21: {  	s3 =	sadd.s32 s3, s9;
	s6 =	sadd.s32 @!p0 $0x88, s6;
	s7 =	simm.s32 @p2 $0x1082  }
0x22: {  	[simem:s7], [sflag:s8] =	dma.local @!p0 [hbm:s6], $0xF7A  }
0x23: {  	s9 =	sor.u32 $0xD0000000, s2;
	s6 =	simm.s32 $0x108;
	_ =	swait.ge @!p0 [sflag:s8], $0x0  }
0x24: {  	s3 =	sadd.s32 $0x88, s3;
	s6 =	simm.s32 @!p1 $0x1082;
	[sflag:s4] =	ssyncset.s32 $0xFFFFF086  }
0x25: {  	[simem:s6], [sflag:s4] =	dma.local [hbm:s3], $0xF7A  }
0x26: {  	[smem:$0x3F94] =	sst s1;
	(tag) =	ssettag s2;
	_ =	strace s9  }
0x27: {  	s1 =	sld [smem:$0x3FA4]  }
0x28: {  	s2 =	sld [smem:$0x3FA5]  }
0x29: {  	s4 =	sld [smem:$0x3FA7]  }
0x2a: {  	p0 =	seq.s32 s5, $0x0;
	s5 =	sld [smem:$0x3FA8]  }
0x2b: {  	s6 =	sld [smem:$0x3FA9]  }
0x2c: {  	s7 =	sld [smem:$0x3FAA]  }
0x2d: {  	s3 =	simm.s32 $0x108;
	s8 =	sld [smem:$0x3FAB]  }
0x2e: {  	s3 =	simm.s32 @!p0 $0x1082;
	s9 =	sld [smem:$0x3FAC]  }
0x2f: {  	lr =	sadd.s32 s0, s3;
	s0 =	sld [smem:$0x3FA3]  }
0x30: {  	s3 =	sld [smem:$0x3FA6]  }
0x31: {  	[smem:$0x3FAF] =	sst s10  }
0x32: {  	s10 =	sld [smem:$0x3FAD];
	_ =	sdelay $0x3  }
0x33: {  	p0 =	seq.s32 s10, $0x1;
	s10 =	sld [smem:$0x3FAF];
	_ =	sdelay $0x3  }
0x34: {  	[smem:$0x3FAF] =	sst s10  }
0x35: {  	s10 =	sld [smem:$0x3FAE];
	_ =	sdelay $0x3  }
0x36: {  	p1 =	seq.s32 s10, $0x1;
	s10 =	sld [smem:$0x3FAF];
	_ =	sdelay $0x3  }
0x37: {  	[smem:$0x3FAF] =	sst s10  }
0x38: {  	s10 =	sld [smem:$0x3FB0]  }
0x39: {  	_ = 	snop;
	(pc) =	sbr.ind lr, $3  }
0x3a: {  	_ = 	snop  }
0x3b: {  	_ = 	snop  }
0x3c: {  	p2 =	seq.s32 s10, $0x1;
	s10 =	sld [smem:$0x3FAF]  }
0x3d: {  	_ =	shalt  }
0x3e: {  	_ =	shalt  }
0x3f: {  	_ =	shalt  }
0x40: {  	_ =	shalt  }
0x41: {  	_ =	shalt  }
0x42: {  	_ =	shalt  }
0x43: {  	_ =	shalt  }
0x44: {  	_ =	shalt  }
0x45: {  	_ =	shalt  }
0x46: {  	_ =	shalt  }
0x47: {  	_ =	shalt  }
0x48: {  	_ =	shalt  }
0x49: {  	_ =	shalt  }
0x4a: {  	_ =	shalt  }
0x4b: {  	_ =	shalt  }
0x4c: {  	_ =	shalt  }
0x4d: {  	_ =	shalt  }
0x4e: {  	_ =	shalt  }
0x4f: {  	_ =	shalt  }
0x50: {  	_ =	shalt  }
0x51: {  	_ =	shalt  }
0x52: {  	_ =	shalt  }
0x53: {  	_ =	shalt  }
0x54: {  	_ =	shalt  }
0x55: {  	_ =	shalt  }
0x56: {  	_ =	shalt  }
0x57: {  	_ =	shalt  }
0x58: {  	_ =	shalt  }
0x59: {  	_ =	shalt  }
0x5a: {  	_ =	shalt  }
0x5b: {  	_ =	shalt  }
0x5c: {  	_ =	shalt  }
0x5d: {  	_ =	shalt  }
0x5e: {  	_ =	shalt  }
0x5f: {  	_ =	shalt  }
0x60: {  	_ =	shalt  }
0x61: {  	_ =	shalt  }
0x62: {  	_ =	shalt  }
0x63: {  	_ =	shalt  }
0x64: {  	_ =	shalt  }
0x65: {  	_ =	shalt  }
0x66: {  	_ =	shalt  }
0x67: {  	_ =	shalt  }
0x68: {  	_ =	shalt  }
0x69: {  	_ =	shalt  }
0x6a: {  	_ =	shalt  }
0x6b: {  	_ =	shalt  }
0x6c: {  	_ =	shalt  }
0x6d: {  	_ =	shalt  }
0x6e: {  	_ =	shalt  }
0x6f: {  	_ =	shalt  }
0x70: {  	_ =	shalt  }
0x71: {  	_ =	shalt  }
0x72: {  	_ =	shalt  }
0x73: {  	_ =	shalt  }
0x74: {  	_ =	shalt  }
0x75: {  	_ =	shalt  }
0x76: {  	_ =	shalt  }
0x77: {  	_ =	shalt  }
0x78: {  	_ =	shalt  }
0x79: {  	_ =	shalt  }
0x7a: {  	_ =	shalt  }
0x7b: {  	_ =	shalt  }
0x7c: {  	_ =	shalt  }
0x7d: {  	_ =	shalt  }
0x7e: {  	_ =	shalt  }
0x7f: {  	_ =	shalt  }
0x80: {  	_ =	shalt  }
0x81: {  	_ =	shalt  }
0x82: {  	_ =	shalt  }
0x83: {  	_ =	shalt  }
0x84: {  	_ =	shalt  }
0x85: {  	_ =	shalt  }
0x86: {  	_ =	shalt  }
0x87: {  	_ =	shalt  }
.Lfunc_end0:
.L_simem_size_0:
called_computation.1_lowered:
.L_overlay_start_0:
0x88: {  	s2 =	sld [smem:$0x3FD9]  }
0x89: {  	s3 =	sld [smem:$0x3FFE];
	_ =	sdelay $0x1  }
0x8a: {  	s1 =	srdreg.scid  }
0x8b: {  	s0 =	sand.u32 $0x1, s1  }
0x8c: {  	s16 =	sshll.u32 s0, $0xA;
	s2 =	sadd.s32 s3, s2  }
0x8d: {  	s2 =	sadd.s32 s2, s16  }
0x8e: {  	[smem:$0x3FBB] =	sst s2  }
0x8f: {  	_ = 	snop  }
0x90: {  	(tm) =	ssettm $0x1  }
0x91: {  	s17 =	sld [smem:$0x3FFB];
	_ =	sdelay $0x3  }
0x92: {  	_ =	strace s17  }
0x93: {  	s2 =	sld [smem:$0x3FFC];
	_ =	sdelay $0x3  }
0x94: {  	_ =	strace s2  }
0x95: {  	s2 =	sld [smem:$0x3FFD];
	_ =	sdelay $0x3  }
0x96: {  	_ =	strace s2  }
0x97: {  	_ =	strace $0x8FFFFFFF  }
0x98: {  	s18 =	sld [smem:$0x3FDB];
	_ =	sdelay $0x1  }
0x99: {  	s19 =	simm.s32 $_scs_section_size  }
0x9a: {  	s4 =	simm.s32 $_size__tile_overlayer_lowered;
	s5 =	simm.s32 $_tile_overlayer_lowered  }
0x9b: {  	s22 =	simm.s32 $0x1BFF;
	s21 =	sshll.u32 s5, $0x1;
	s2 =	sadd.s32 s19, s18  }
0x9c: {  	s6 =	simm.s32 $0x0;
	s20 =	sshll.u32 s4, $0x1;
	s4 =	sadd.s32 s21, s2  }
0x9d: {  	[timem:s6], [sflag:s22] =	dma.local [hbm:s4], s20  }
0x9e: {  	_ =	swait.ge [sflag:s22], s20  }
0x9f: {  	s3 =	ssub.s32 $0x0, s20;
	[sflag:s22] =	ssyncset.done $0x0  }
0xa0: {  	[sflag:s22] =	ssyncadd.s32 s3;
	_ =	sdelay $0x1  }
0xa1: {  	s23 =	simm.s32 $0x1B8B  }
0xa2: {  	_ =	swait.ge [sflag:s23], $0x1  }
0xa3: {  	[sflag:s23] =	ssyncset.done $0x0  }
0xa4: {  	s25 =	simm.s32 $0x1B8E;
	s24 =	sld [smem:$0x3FFE];
	[sflag:s23] =	ssyncadd.s32 $0xFFFFFFFF  }
0xa5: {  	s26 =	simm.s32 $execute0_lowered;
	[smem:$0x3FD2] =	sst s25  }
0xa6: {  	s4 =	sshll.u32 s26, $0x1;
	_ =	strace $0x80000049;
	[dreg:$0x1] =	wrdreg $0xFFFFFFFF  }
0xa7: {  	s28 =	simm.s32 $_size_execute0_lowered;
	s2 =	sadd.s32 s2, s4;
	[dreg:$0x0] =	wrdreg $0x0  }
0xa8: {  	s4 =	sshll.u32 s28, $0x1;
	[dreg:$0x2] =	wrdreg s2  }
0xa9: {  	[dreg:$0x3] =	wrdreg s4  }
0xaa: {  	[dreg:$0x4] =	wrdreg $0xC0  }
0xab: {  	_ =	task [dreg:s6], $0x5FFFF  }
0xac: {  	[dreg:$0x1] =	wrdreg $0xFFFFFFFF  }
0xad: {  	[dreg:$0x0] =	wrdreg $0x60  }
0xae: {  	[dreg:$0x2] =	wrdreg s24  }
0xaf: {  	[dreg:$0x3] =	wrdreg $0x67200  }
0xb0: {  	[dreg:$0x4] =	wrdreg $0x9  }
0xb1: {  	_ =	task.clear_ibuf [dreg:s6], $0x5FFFF;
	_ =	strace $0x90000049  }
0xb2: {  	s29 =	simm.s32 $0x9;
	_ =	strace $0x8000004B  }
0xb3: {  	_ =	swait.ge [sflag:s29], $0x1  }
0xb4: {  	[sflag:s29] =	ssyncadd.s32 $0xFFFFFFFF  }
0xb5: {  	_ =	strace $0x9000004B  }
0xb6: {  	_ =	sfence  }
0xb7: {  	s30 =	sld [smem:$0x0];
	_ =	sdelay $0x2  }
0xb8: {  	s31 =	sshll.u32 s1, $0xD;
	s1 =	sshrl.u32 s1, $0x2  }
0xb9: {  	s3 =	sand.u32 $0x4000, s31;
	s1 =	sadd.s32 s1, s30  }
0xba: {  	s0 =	sor.u32 s3, s0;
	s1 =	sshll.u32 s1, $0x11  }
0xbb: {  	s0 =	sor.u32 s1, s0  }
0xbc: {  	s0 =	sadd.s32 $0x8F2B, s0  }
0xbd: {  	[sflag:s0] =	ssyncadd.remote.s32 $0x1  }
0xbe: {  	_ =	sfence.sel $0xFFFF  }
0xbf: {  	[dreg:$0x0] =	wrdreg $0xFFFFFFFF;
	(pc) =	sbr.abs _section_cstart, $3  }
0xc0: {  	[dreg:$0x1] =	wrdreg $0xFFFFFFFF  }
0xc1: {  	_ =	task.clear_ibuf [dreg:s6], $0x2FFFF;
	_ =	strace $0x9FFFFFFF  }
0xc2: {  	(tm) =	ssettm $0x7FFFFFFF  }
0xc3: {  	_ =	shalt  }
tec
execute0_lowered:
.L_overlay_start_1:
0x0: {  	(tag) =	ssettag $0x1  }
0x1: {  	s0 =	rddreg [dreg:$0x0]  }
0x2: {  	s1 =	srdreg.scid;
	s2 =	rddreg [dreg:$0x1]  }
0x3: {  	s9 =	stileid.u32;
	s3 =	simm.s32 $0x0;
	s12 =	simm.s32 $0xB  }
0x4: {  	s14 =	simm.s32 $0x50;
	s15 =	simm.s32 $0x4E20;
	s16 =	simm.s32 $0x5320  }
0x5: {  	s18 =	simm.s32 $0x5820;
	s20 =	simm.s32 $0x5D20;
	s22 =	simm.s32 $0x6220  }
0x6: {  	s23 =	simm.s32 $0x1;
	s28 =	simm.s32 $0x3;
	s29 =	simm.s32 $0x8  }
0x7: {  	s30 =	simm.s32 $0x4;
	s31 =	simm.s32 $0x9;
	s17 =	simm.s32 $0x0  }
0x8: {  	s1 =	sand.u32 $0x1, s1;
	s6 =	smul.u32 $0x2800, s9;
	[smem:$0x7FF] =	sst s3  }
0x9: {  	s26 =	sshll.u32 s9, $0x6;
	s4 =	sshll.u32 s1, $0x4;
	s5 =	smul.u32 $0x28000, s1  }
0xa: {  	_ =	strace $0x8000004A;
	s1 =	ssub.s32 $0x2, s1;
	s4 =	sor.u32 s9, s4  }
0xb: {  	s25 =	sshrl.u32 s1, $0x1;
	s11 =	sadd.s32 s6, s2;
	s7 =	smul.u32 $0x4E2, s4  }
0xc: {  	s4 =	sadd.s32 $0x17400, s0;
	s5 =	sadd.s32 s6, s5;
	s1 =	ssub.s32 s1, s25  }
0xd: {  	s6 =	sor.u32 $0x1C0B, s26;
	s11 =	sshrl.u32 s11, $0x3;
	s25 =	simm.s32 $0x2  }
0xe: {  	s26 =	simm.s32 $0x7;
	s24 =	sshrl.u32 s5, $0x3;
	s5 =	sadd.s32 $0x1C400, s0  }
0xf: {  	s10 =	smax.u32 s1, $0x1;
	s1 =	simm.s32 $0xA;
	s8 =	sadd.s32 s7, s0  }
0x10: {  	s0 =	sadd.s32 s24, s0;
	s24 =	simm.s32 $0x6;
	s7 =	sadd.s32 $0xD600, s8  }
0x11: {  	s8 =	sadd.s32 $0x3800, s8;
	s9 =	sadd.s32 $0x1CA00, s0;
	s0 =	simm.s32 $0x5  }
.LBB2_1:
0x12: {  	[spmem:s11], [sflag:s6] =	dma.local [hbm:s5], $0x500  }
0x13: {  	_ =	swait.ge [sflag:s12], $0x500  }
0x14: {  	[sflag:s12] =	ssyncset.done $0x0  }
0x15: {  	[sflag:s12] =	ssyncadd.s32 $0xFFFFFB00  }
0x16: {  	[tilespmem:s3], [sflag:$0xB] =	stream.linear.gather [hbm4b:s7+s3], $0x2710, $0x38;
	[tilespmem:$0x8F20] =	vst v63  }
0x17: {  	_ =	swait.ge [sflag:s12], $0x2710  }
0x18: {  	[sflag:s12] =	ssyncset.done $0x0  }
0x19: {  	s13 =	simm.s32 $0x2710;
	[sflag:s12] =	ssyncadd.s32 $0xFFFFD8F0  }
0x1a: {  	[tilespmem:s13], [sflag:$0xB] =	stream.linear.gather [hbm4b:s8+s3], $0x2710, $0x38;
	[tilespmem:$0x8F20] =	vst v63  }
0x1b: {  	_ =	swait.ge [sflag:s12], $0x2710  }
0x1c: {  	[sflag:s12] =	ssyncset.done $0x0  }
0x1d: {  	[sflag:s12] =	ssyncadd.s32 $0xFFFFD8F0  }
0x1e: {  	[bflag:$0x0] =	sbarrier.arrive $0xFFFF  }
0x1f: {  	[tilespmem:s15], [sflag:$0x1] =	stream.indirect.gather [hbm4b:s4+s14], $0x10, s3, s14, $0xb8;
	[tilespmem:$0x8F20] =	vst v63  }
0x20: {  	_ = 	snop  }
0x21: {  	[tilespmem:s16], [sflag:$0x2] =	stream.indirect.gather [hbm4b:s4+s14], $0x10, s14, s14, $0xb8;
	[tilespmem:$0x8F20] =	vst v63  }
0x22: {  	s21 =	simm.s32 $0xA0  }
0x23: {  	[tilespmem:s18], [sflag:$0x3] =	stream.indirect.gather [hbm4b:s4+s14], $0x10, s21, s14, $0xb8;
	[tilespmem:$0x8F20] =	vst v63  }
0x24: {  	s19 =	simm.s32 $0xF0  }
0x25: {  	[tilespmem:s20], [sflag:$0x4] =	stream.indirect.gather [hbm4b:s4+s14], $0x10, s19, s14, $0xb8;
	[tilespmem:$0x8F20] =	vst v63  }
0x26: {  	s21 =	simm.s32 $0x140  }
0x27: {  	[tilespmem:s22], [sflag:$0x5] =	stream.indirect.gather [hbm4b:s4+s14], $0x10, s21, s14, $0xb8;
	[tilespmem:$0x8F20] =	vst v63  }
0x28: {  	_ =	swait.ge [sflag:s23], $0x500  }
0x29: {  	[sflag:s23] =	ssyncset.done $0x0  }
0x2a: {  	s19 =	simm.s32 $0x2710;
	[sflag:s23] =	ssyncadd.s32 $0xFFFFFB00  }
0x2b: {  	[spmem:s2] =	stream.indirect.scatter.add.f32 [tilespmem:s15], [sflag:$0x6], $0x10, s19, s14, $0xb8;
	[tilespmem:$0x8F20] =	vst v63  }
0x2c: {  	_ =	swait.ge [sflag:s24], $0x500  }
0x2d: {  	[sflag:s24] =	ssyncset.done $0x0  }
0x2e: {  	s13 =	simm.s32 $0x190;
	[sflag:s24] =	ssyncadd.s32 $0xFFFFFB00  }
0x2f: {  	[tilespmem:s15], [sflag:$0x1] =	stream.indirect.gather [hbm4b:s4+s14], $0x10, s13, s14, $0xb8;
	[tilespmem:$0x8F20] =	vst v63  }
0x30: {  	_ =	swait.ge [sflag:s25], $0x500  }
0x31: {  	[sflag:s25] =	ssyncset.done $0x0  }
0x32: {  	s21 =	simm.s32 $0x2760;
	[sflag:s25] =	ssyncadd.s32 $0xFFFFFB00  }
0x33: {  	[spmem:s2] =	stream.indirect.scatter.add.f32 [tilespmem:s16], [sflag:$0x7], $0x10, s21, s14, $0xb8;
	[tilespmem:$0x8F20] =	vst v63  }
0x34: {  	_ =	swait.ge [sflag:s26], $0x500  }
0x35: {  	[sflag:s26] =	ssyncset.done $0x0  }
0x36: {  	s13 =	simm.s32 $0x1E0;
	[sflag:s26] =	ssyncadd.s32 $0xFFFFFB00  }
0x37: {  	[tilespmem:s16], [sflag:$0x2] =	stream.indirect.gather [hbm4b:s4+s14], $0x10, s13, s14, $0xb8;
	[tilespmem:$0x8F20] =	vst v63  }
0x38: {  	_ =	swait.ge [sflag:s28], $0x500  }
0x39: {  	[sflag:s28] =	ssyncset.done $0x0  }
0x3a: {  	s21 =	simm.s32 $0x27B0;
	[sflag:s28] =	ssyncadd.s32 $0xFFFFFB00  }
0x3b: {  	[spmem:s2] =	stream.indirect.scatter.add.f32 [tilespmem:s18], [sflag:$0x8], $0x10, s21, s14, $0xb8;
	[tilespmem:$0x8F20] =	vst v63  }
0x3c: {  	_ =	swait.ge [sflag:s29], $0x500  }
0x3d: {  	[sflag:s29] =	ssyncset.done $0x0  }
0x3e: {  	s13 =	simm.s32 $0x230;
	[sflag:s29] =	ssyncadd.s32 $0xFFFFFB00  }
0x3f: {  	[tilespmem:s18], [sflag:$0x3] =	stream.indirect.gather [hbm4b:s4+s14], $0x10, s13, s14, $0xb8;
	[tilespmem:$0x8F20] =	vst v63  }
0x40: {  	_ =	swait.ge [sflag:s30], $0x500  }
0x41: {  	[sflag:s30] =	ssyncset.done $0x0  }
0x42: {  	s21 =	simm.s32 $0x2800;
	[sflag:s30] =	ssyncadd.s32 $0xFFFFFB00  }
0x43: {  	[spmem:s2] =	stream.indirect.scatter.add.f32 [tilespmem:s20], [sflag:$0x9], $0x10, s21, s14, $0xb8;
	[tilespmem:$0x8F20] =	vst v63  }
0x44: {  	_ =	swait.ge [sflag:s31], $0x500  }
0x45: {  	[sflag:s31] =	ssyncset.done $0x0  }
0x46: {  	s13 =	simm.s32 $0x280;
	[sflag:s31] =	ssyncadd.s32 $0xFFFFFB00  }
0x47: {  	[tilespmem:s20], [sflag:$0x4] =	stream.indirect.gather [hbm4b:s4+s14], $0x10, s13, s14, $0xb8;
	[tilespmem:$0x8F20] =	vst v63  }
0x48: {  	_ =	swait.ge [sflag:s0], $0x500  }
0x49: {  	[sflag:s0] =	ssyncset.done $0x0  }
0x4a: {  	s21 =	simm.s32 $0x2850;
	[sflag:s0] =	ssyncadd.s32 $0xFFFFFB00  }
0x4b: {  	[spmem:s2] =	stream.indirect.scatter.add.f32 [tilespmem:s22], [sflag:$0xA], $0x10, s21, s14, $0xb8;
	[tilespmem:$0x8F20] =	vst v63  }
0x4c: {  	_ =	swait.ge [sflag:s1], $0x500  }
0x4d: {  	[sflag:s1] =	ssyncset.done $0x0  }
0x4e: {  	s19 =	simm.s32 $0x640;
	s21 =	simm.s32 $0x2D0;
	[sflag:s1] =	ssyncadd.s32 $0xFFFFFB00  }
.LBB2_2:
0x4f: {  	[tilespmem:s22], [sflag:$0x5] =	stream.indirect.gather [hbm4b:s4+s14], $0x10, s21, s14, $0xb8;
	[tilespmem:$0x8F20] =	vst v63  }
0x50: {  	s21 =	smov.u32 s19  }
0x51: {  	p0 =	sne.s32 s19, $0x8FC0;
	s19 =	sadd.s32 $0x640, s19;
	_ =	swait.ge [sflag:s23], $0x500  }
0x52: {  	s21 =	sshra.s32 s21, $0x2;
	[sflag:s23] =	ssyncset.done $0x0  }
0x53: {  	s13 =	sadd.s32 $0x2710, s21;
	[sflag:s23] =	ssyncadd.s32 $0xFFFFFB00  }
0x54: {  	[spmem:s2] =	stream.indirect.scatter.add.f32 [tilespmem:s15], [sflag:$0x6], $0x10, s13, s14, $0xb8;
	[tilespmem:$0x8F20] =	vst v63  }
0x55: {  	_ =	swait.ge [sflag:s24], $0x500  }
0x56: {  	[sflag:s24] =	ssyncset.done $0x0  }
0x57: {  	s13 =	sadd.s32 $0x190, s21;
	[sflag:s24] =	ssyncadd.s32 $0xFFFFFB00  }
0x58: {  	[tilespmem:s15], [sflag:$0x1] =	stream.indirect.gather [hbm4b:s4+s14], $0x10, s13, s14, $0xb8;
	[tilespmem:$0x8F20] =	vst v63  }
0x59: {  	_ =	swait.ge [sflag:s25], $0x500  }
0x5a: {  	[sflag:s25] =	ssyncset.done $0x0  }
0x5b: {  	s13 =	sadd.s32 $0x2760, s21;
	[sflag:s25] =	ssyncadd.s32 $0xFFFFFB00  }
0x5c: {  	[spmem:s2] =	stream.indirect.scatter.add.f32 [tilespmem:s16], [sflag:$0x7], $0x10, s13, s14, $0xb8;
	[tilespmem:$0x8F20] =	vst v63  }
0x5d: {  	_ =	swait.ge [sflag:s26], $0x500  }
0x5e: {  	[sflag:s26] =	ssyncset.done $0x0  }
0x5f: {  	s13 =	sadd.s32 $0x1E0, s21;
	[sflag:s26] =	ssyncadd.s32 $0xFFFFFB00  }
0x60: {  	[tilespmem:s16], [sflag:$0x2] =	stream.indirect.gather [hbm4b:s4+s14], $0x10, s13, s14, $0xb8;
	[tilespmem:$0x8F20] =	vst v63  }
0x61: {  	_ =	swait.ge [sflag:s28], $0x500  }
0x62: {  	[sflag:s28] =	ssyncset.done $0x0  }
0x63: {  	s13 =	sadd.s32 $0x27B0, s21;
	[sflag:s28] =	ssyncadd.s32 $0xFFFFFB00  }
0x64: {  	[spmem:s2] =	stream.indirect.scatter.add.f32 [tilespmem:s18], [sflag:$0x8], $0x10, s13, s14, $0xb8;
	[tilespmem:$0x8F20] =	vst v63  }
0x65: {  	_ =	swait.ge [sflag:s29], $0x500  }
0x66: {  	[sflag:s29] =	ssyncset.done $0x0  }
0x67: {  	s13 =	sadd.s32 $0x230, s21;
	[sflag:s29] =	ssyncadd.s32 $0xFFFFFB00  }
0x68: {  	[tilespmem:s18], [sflag:$0x3] =	stream.indirect.gather [hbm4b:s4+s14], $0x10, s13, s14, $0xb8;
	[tilespmem:$0x8F20] =	vst v63  }
0x69: {  	_ =	swait.ge [sflag:s30], $0x500  }
0x6a: {  	[sflag:s30] =	ssyncset.done $0x0  }
0x6b: {  	s13 =	sadd.s32 $0x2800, s21;
	[sflag:s30] =	ssyncadd.s32 $0xFFFFFB00  }
0x6c: {  	[spmem:s2] =	stream.indirect.scatter.add.f32 [tilespmem:s20], [sflag:$0x9], $0x10, s13, s14, $0xb8;
	[tilespmem:$0x8F20] =	vst v63  }
0x6d: {  	_ =	swait.ge [sflag:s31], $0x500  }
0x6e: {  	[sflag:s31] =	ssyncset.done $0x0  }
0x6f: {  	s13 =	sadd.s32 $0x280, s21;
	[sflag:s31] =	ssyncadd.s32 $0xFFFFFB00  }
0x70: {  	[tilespmem:s20], [sflag:$0x4] =	stream.indirect.gather [hbm4b:s4+s14], $0x10, s13, s14, $0xb8;
	[tilespmem:$0x8F20] =	vst v63  }
0x71: {  	_ =	swait.ge [sflag:s0], $0x500  }
0x72: {  	[sflag:s0] =	ssyncset.done $0x0  }
.Ltmp0:
0x73: {  	s13 =	sadd.s32 $0x2850, s21;
	[sflag:s0] =	ssyncadd.s32 $0xFFFFFB00;
	(pc) =	sbr.rel @p0 .LBB2_2-.Ltmp0, $4  }
0x74: {  	[spmem:s2] =	stream.indirect.scatter.add.f32 [tilespmem:s22], [sflag:$0xA], $0x10, s13, s14, $0xb8;
	[tilespmem:$0x8F20] =	vst v63  }
0x75: {  	_ =	swait.ge [sflag:s1], $0x500  }
0x76: {  	[sflag:s1] =	ssyncset.done $0x0  }
0x77: {  	s21 =	sadd.s32 $0x2D0, s21;
	[sflag:s1] =	ssyncadd.s32 $0xFFFFFB00  }
0x78: {  	[tilespmem:s22], [sflag:$0x5] =	stream.indirect.gather [hbm4b:s4+s14], $0x10, s21, s14, $0xb8;
	[tilespmem:$0x8F20] =	vst v63  }
0x79: {  	_ =	swait.ge [sflag:s23], $0x500  }
0x7a: {  	[sflag:s23] =	ssyncset.done $0x0  }
0x7b: {  	s13 =	simm.s32 $0x4C90;
	[sflag:s23] =	ssyncadd.s32 $0xFFFFFB00  }
0x7c: {  	[spmem:s2] =	stream.indirect.scatter.add.f32 [tilespmem:s15], [sflag:$0x6], $0x10, s13, s14, $0xb8;
	[tilespmem:$0x8F20] =	vst v63  }
0x7d: {  	_ =	swait.ge [sflag:s25], $0x500  }
0x7e: {  	[sflag:s25] =	ssyncset.done $0x0  }
0x7f: {  	s19 =	simm.s32 $0x4CE0;
	[sflag:s25] =	ssyncadd.s32 $0xFFFFFB00  }
0x80: {  	[spmem:s2] =	stream.indirect.scatter.add.f32 [tilespmem:s16], [sflag:$0x7], $0x10, s19, s14, $0xb8;
	[tilespmem:$0x8F20] =	vst v63  }
0x81: {  	_ =	swait.ge [sflag:s28], $0x500  }
0x82: {  	[sflag:s28] =	ssyncset.done $0x0  }
0x83: {  	s21 =	simm.s32 $0x4D30;
	[sflag:s28] =	ssyncadd.s32 $0xFFFFFB00  }
0x84: {  	[spmem:s2] =	stream.indirect.scatter.add.f32 [tilespmem:s18], [sflag:$0x8], $0x10, s21, s14, $0xb8;
	[tilespmem:$0x8F20] =	vst v63  }
0x85: {  	_ =	swait.ge [sflag:s30], $0x500  }
0x86: {  	[sflag:s30] =	ssyncset.done $0x0  }
0x87: {  	s19 =	simm.s32 $0x4D80;
	[sflag:s30] =	ssyncadd.s32 $0xFFFFFB00  }
0x88: {  	[spmem:s2] =	stream.indirect.scatter.add.f32 [tilespmem:s20], [sflag:$0x9], $0x10, s19, s14, $0xb8;
	[tilespmem:$0x8F20] =	vst v63  }
0x89: {  	_ =	swait.ge [sflag:s0], $0x500  }
0x8a: {  	[sflag:s0] =	ssyncset.done $0x0  }
0x8b: {  	s21 =	simm.s32 $0x4DD0;
	[sflag:s0] =	ssyncadd.s32 $0xFFFFFB00  }
0x8c: {  	[spmem:s2] =	stream.indirect.scatter.add.f32 [tilespmem:s22], [sflag:$0xA], $0x10, s21, s14, $0xb8;
	[tilespmem:$0x8F20] =	vst v63  }
0x8d: {  	_ =	swait.ge [sflag:s24], $0x500  }
0x8e: {  	[sflag:s24] =	ssyncset.done $0x0  }
0x8f: {  	[sflag:s24] =	ssyncadd.s32 $0xFFFFFB00  }
0x90: {  	_ =	swait.ge [sflag:s26], $0x500  }
0x91: {  	[sflag:s26] =	ssyncset.done $0x0  }
0x92: {  	[sflag:s26] =	ssyncadd.s32 $0xFFFFFB00  }
0x93: {  	_ =	swait.ge [sflag:s29], $0x500  }
0x94: {  	[sflag:s29] =	ssyncset.done $0x0  }
0x95: {  	[sflag:s29] =	ssyncadd.s32 $0xFFFFFB00  }
0x96: {  	_ =	swait.ge [sflag:s31], $0x500  }
0x97: {  	[sflag:s31] =	ssyncset.done $0x0  }
0x98: {  	[sflag:s31] =	ssyncadd.s32 $0xFFFFFB00  }
0x99: {  	_ =	swait.ge [sflag:s1], $0x500  }
0x9a: {  	s17 =	sadd.s32 $0x1, s17;
	[sflag:s1] =	ssyncset.done $0x0  }
0x9b: {  	p0 =	sne.s32 s17, s10;
	[sflag:s1] =	ssyncadd.s32 $0xFFFFFB00  }
.Ltmp1:
0x9c: {  	[bflag:$0x0] =	sbarrier.arrive $0xFFFF;
	(pc) =	sbr.rel @p0 .LBB2_1-.Ltmp1, $4  }
0x9d: {  	[hbm:s9], [sflag:s6] =	dma.local [spmem:s11], $0x500  }
0x9e: {  	_ =	swait.ge [sflag:s12], $0x500  }
0x9f: {  	[sflag:s12] =	ssyncset.done $0x0  }
0xa0: {  	[sflag:s12] =	ssyncadd.s32 $0xFFFFFB00  }
0xa1: {  	_ =	sfence.sel $0x180000  }
0xa2: {  	[bflag:$0x0] =	sbarrier.arrive $0xFFFF  }
0xa3: {  	_ =	strace $0x9000004A  }
0xa4: {  	s0 =	stileid.u32;
	[bflag:$0x2] =	sbarrier.arrive $0xFFFF  }
0xa5: {  	p0 =	sne.s32 s0, $0x0;
	s0 =	rddreg [dreg:$0x2]  }
0xa6: {  	s0 =	sadd.s32 @!p0 $0x100000, s0  }
0xa7: {  	[sflag:s0] =	ssyncadd.tile.s32 @!p0 $0x1;
	_ =	shalt  }
.Lfunc_end2:
_tile_overlayer_lowered:
.L_overlay_start_2:
0xa8: {  	(tag) =	ssettag $0x2  }
0xa9: {  	s0 =	rddreg [dreg:$0x0];
	s2 =	stileid.u32  }
0xaa: {  	s1 =	rddreg [dreg:$0x1];
	p0 =	sne.s32 s2, $0x0  }
0xab: {  	s3 =	rddreg [dreg:$0x2];
	[bflag:$0x3] =	sbarrier.arrive $0xFFFF;
	s2 =	simm.s32 @!p0 $0x1C0B  }
0xac: {  	[timem:s3], [sflag:s2] =	dma.local @!p0 [hbm:s0], s1  }
0xad: {  	s0 =	simm.s32 @!p0 $0xB  }
0xae: {  	_ =	swait.ge @!p0 [sflag:s0], s1  }
0xaf: {  	s1 =	ssub.s32 @!p0 $0x0, s1;
	[sflag:s0] =	ssyncset.done @!p0 $0x0  }
0xb0: {  	[sflag:s0] =	ssyncadd.s32 @!p0 s1  }
0xb1: {  	[bflag:$0x3] =	sbarrier.arrive $0xFFFF  }
0xb2: {  	_ =	shalt  }

// kernel: kernel.15.cloned.1.call-start
scs
__scs_entry_jumppad:
0x0: {  	(pc) =	sbr.rel $0x88, $3  }
0x1: {  	(tag) =	ssettag $0x0;
	lr =	simm.s32 $0x1  }
0x2: {  	[smem:$0x3F94] =	sst lr;
	_ =	strace $0xD0000000  }
0x3: {  	_ = 	snop  }
0x4: {  	_ = 	snop  }
0x5: {  	_ = 	snop  }
0x6: {  	_ = 	snop  }
0x7: {  	_ = 	snop  }
__scs_overlays_trampoline_lowered:
0x8: {  	[smem:$0x3FA3] =	sst s0  }
0x9: {  	[smem:$0x3FA4] =	sst s1  }
0xa: {  	[smem:$0x3FA5] =	sst s2  }
0xb: {  	[smem:$0x3FA6] =	sst s3  }
0xc: {  	[smem:$0x3FA7] =	sst s4  }
0xd: {  	[smem:$0x3FA8] =	sst s5  }
0xe: {  	[smem:$0x3FA9] =	sst s6  }
0xf: {  	[smem:$0x3FAA] =	sst s7  }
0x10: {  	[smem:$0x3FAB] =	sst s8  }
0x11: {  	[smem:$0x3FAC] =	sst s9;
	s0 =	simm.s32 @!p0 $0x0  }
0x12: {  	s1 =	sld [smem:$0x3F92];
	s0 =	simm.s32 @p0 $0x1  }
0x13: {  	[smem:$0x3FAD] =	sst s0;
	s0 =	simm.s32 @!p1 $0x0  }
0x14: {  	s2 =	sld [smem:$0x3F91];
	s0 =	simm.s32 @p1 $0x1  }
0x15: {  	[smem:$0x3FAE] =	sst s0;
	s0 =	simm.s32 @!p2 $0x0  }
0x16: {  	s3 =	sld [smem:$0x3FDB];
	s0 =	simm.s32 @p2 $0x1  }
0x17: {  	s4 =	simm.s32 $0x1BF5;
	[smem:$0x3FB0] =	sst s0  }
0x18: {  	s0 =	sld [smem:$0x3F93];
	_ =	swait.ge [sflag:s4], $0x0  }
0x19: {  	s7 =	sld [smem:$0x3F94]  }
0x1a: {  	s8 =	sadd.s32 $0xFFFFE003, lr  }
0x1b: {  	s9 =	sadd.s32 $0xFFFFFEF7, lr;
	s5 =	simm.s32 $0xFFFFFFFF;
	p2 =	slt.u32 s8, $0xFFFFF086  }
0x1c: {  	p1 =	slt.u32 s9, $0xF7A;
	s5 =	simm.s32 @!p2 $0x0  }
0x1d: {  	s5 =	simm.s32 @p1 $0x1;
	p0 =	seq.s32 s7, s2  }
0x1e: {  	s7 =	smul.u32 @!p0 $0xF7A, s2;
	p2 =	seq.s32 @!p0 s5, $0x0  }
0x1f: {  	s9 =	smul.u32 $0xF7A, s1;
	s8 =	simm.s32 @!p0 $0x1BF5;
	p2 =	por !p2, p0  }
0x20: {  	[sflag:s8] =	ssyncset.s32 @!p0 $0xFFFFF086;
	s6 =	sadd.s32 @!p0 s3, s7;
	s7 =	simm.s32 @!p0 $0x108  }
0x21: {  	s3 =	sadd.s32 s3, s9;
	s6 =	sadd.s32 @!p0 $0x88, s6;
	s7 =	simm.s32 @p2 $0x1082  }
0x22: {  	[simem:s7], [sflag:s8] =	dma.local @!p0 [hbm:s6], $0xF7A  }
0x23: {  	s9 =	sor.u32 $0xD0000000, s2;
	s6 =	simm.s32 $0x108;
	_ =	swait.ge @!p0 [sflag:s8], $0x0  }
0x24: {  	s3 =	sadd.s32 $0x88, s3;
	s6 =	simm.s32 @!p1 $0x1082;
	[sflag:s4] =	ssyncset.s32 $0xFFFFF086  }
0x25: {  	[simem:s6], [sflag:s4] =	dma.local [hbm:s3], $0xF7A  }
0x26: {  	[smem:$0x3F94] =	sst s1;
	(tag) =	ssettag s2;
	_ =	strace s9  }
0x27: {  	s1 =	sld [smem:$0x3FA4]  }
0x28: {  	s2 =	sld [smem:$0x3FA5]  }
0x29: {  	s4 =	sld [smem:$0x3FA7]  }
0x2a: {  	p0 =	seq.s32 s5, $0x0;
	s5 =	sld [smem:$0x3FA8]  }
0x2b: {  	s6 =	sld [smem:$0x3FA9]  }
0x2c: {  	s7 =	sld [smem:$0x3FAA]  }
0x2d: {  	s3 =	simm.s32 $0x108;
	s8 =	sld [smem:$0x3FAB]  }
0x2e: {  	s3 =	simm.s32 @!p0 $0x1082;
	s9 =	sld [smem:$0x3FAC]  }
0x2f: {  	lr =	sadd.s32 s0, s3;
	s0 =	sld [smem:$0x3FA3]  }
0x30: {  	s3 =	sld [smem:$0x3FA6]  }
0x31: {  	[smem:$0x3FAF] =	sst s10  }
0x32: {  	s10 =	sld [smem:$0x3FAD];
	_ =	sdelay $0x3  }
0x33: {  	p0 =	seq.s32 s10, $0x1;
	s10 =	sld [smem:$0x3FAF];
	_ =	sdelay $0x3  }
0x34: {  	[smem:$0x3FAF] =	sst s10  }
0x35: {  	s10 =	sld [smem:$0x3FAE];
	_ =	sdelay $0x3  }
0x36: {  	p1 =	seq.s32 s10, $0x1;
	s10 =	sld [smem:$0x3FAF];
	_ =	sdelay $0x3  }
0x37: {  	[smem:$0x3FAF] =	sst s10  }
0x38: {  	s10 =	sld [smem:$0x3FB0]  }
0x39: {  	_ = 	snop;
	(pc) =	sbr.ind lr, $3  }
0x3a: {  	_ = 	snop  }
0x3b: {  	_ = 	snop  }
0x3c: {  	p2 =	seq.s32 s10, $0x1;
	s10 =	sld [smem:$0x3FAF]  }
0x3d: {  	_ =	shalt  }
0x3e: {  	_ =	shalt  }
0x3f: {  	_ =	shalt  }
0x40: {  	_ =	shalt  }
0x41: {  	_ =	shalt  }
0x42: {  	_ =	shalt  }
0x43: {  	_ =	shalt  }
0x44: {  	_ =	shalt  }
0x45: {  	_ =	shalt  }
0x46: {  	_ =	shalt  }
0x47: {  	_ =	shalt  }
0x48: {  	_ =	shalt  }
0x49: {  	_ =	shalt  }
0x4a: {  	_ =	shalt  }
0x4b: {  	_ =	shalt  }
0x4c: {  	_ =	shalt  }
0x4d: {  	_ =	shalt  }
0x4e: {  	_ =	shalt  }
0x4f: {  	_ =	shalt  }
0x50: {  	_ =	shalt  }
0x51: {  	_ =	shalt  }
0x52: {  	_ =	shalt  }
0x53: {  	_ =	shalt  }
0x54: {  	_ =	shalt  }
0x55: {  	_ =	shalt  }
0x56: {  	_ =	shalt  }
0x57: {  	_ =	shalt  }
0x58: {  	_ =	shalt  }
0x59: {  	_ =	shalt  }
0x5a: {  	_ =	shalt  }
0x5b: {  	_ =	shalt  }
0x5c: {  	_ =	shalt  }
0x5d: {  	_ =	shalt  }
0x5e: {  	_ =	shalt  }
0x5f: {  	_ =	shalt  }
0x60: {  	_ =	shalt  }
0x61: {  	_ =	shalt  }
0x62: {  	_ =	shalt  }
0x63: {  	_ =	shalt  }
0x64: {  	_ =	shalt  }
0x65: {  	_ =	shalt  }
0x66: {  	_ =	shalt  }
0x67: {  	_ =	shalt  }
0x68: {  	_ =	shalt  }
0x69: {  	_ =	shalt  }
0x6a: {  	_ =	shalt  }
0x6b: {  	_ =	shalt  }
0x6c: {  	_ =	shalt  }
0x6d: {  	_ =	shalt  }
0x6e: {  	_ =	shalt  }
0x6f: {  	_ =	shalt  }
0x70: {  	_ =	shalt  }
0x71: {  	_ =	shalt  }
0x72: {  	_ =	shalt  }
0x73: {  	_ =	shalt  }
0x74: {  	_ =	shalt  }
0x75: {  	_ =	shalt  }
0x76: {  	_ =	shalt  }
0x77: {  	_ =	shalt  }
0x78: {  	_ =	shalt  }
0x79: {  	_ =	shalt  }
0x7a: {  	_ =	shalt  }
0x7b: {  	_ =	shalt  }
0x7c: {  	_ =	shalt  }
0x7d: {  	_ =	shalt  }
0x7e: {  	_ =	shalt  }
0x7f: {  	_ =	shalt  }
0x80: {  	_ =	shalt  }
0x81: {  	_ =	shalt  }
0x82: {  	_ =	shalt  }
0x83: {  	_ =	shalt  }
0x84: {  	_ =	shalt  }
0x85: {  	_ =	shalt  }
0x86: {  	_ =	shalt  }
0x87: {  	_ =	shalt  }
.Lfunc_end0:
.L_simem_size_0:
called_computation.2_lowered:
.L_overlay_start_0:
0x88: {  	s2 =	sld [smem:$0x3FD9]  }
0x89: {  	s3 =	sld [smem:$0x3FFE];
	_ =	sdelay $0x1  }
0x8a: {  	s1 =	srdreg.scid  }
0x8b: {  	s0 =	sand.u32 $0x1, s1  }
0x8c: {  	s16 =	sshll.u32 s0, $0xA;
	s2 =	sadd.s32 s3, s2  }
0x8d: {  	s2 =	sadd.s32 s2, s16  }
0x8e: {  	[smem:$0x3FBB] =	sst s2  }
0x8f: {  	_ = 	snop  }
0x90: {  	(tm) =	ssettm $0x1  }
0x91: {  	s17 =	sld [smem:$0x3FFB];
	_ =	sdelay $0x3  }
0x92: {  	_ =	strace s17  }
0x93: {  	s2 =	sld [smem:$0x3FFC];
	_ =	sdelay $0x3  }
0x94: {  	_ =	strace s2  }
0x95: {  	s2 =	sld [smem:$0x3FFD];
	_ =	sdelay $0x3  }
0x96: {  	_ =	strace s2  }
0x97: {  	_ =	strace $0x8FFFFFFF  }
0x98: {  	s18 =	sld [smem:$0x3FDB];
	_ =	sdelay $0x1  }
0x99: {  	s19 =	simm.s32 $_scs_section_size  }
0x9a: {  	s4 =	simm.s32 $_size__tile_overlayer_lowered;
	s5 =	simm.s32 $_tile_overlayer_lowered  }
0x9b: {  	s22 =	simm.s32 $0x1BFF;
	s21 =	sshll.u32 s5, $0x1;
	s2 =	sadd.s32 s19, s18  }
0x9c: {  	s6 =	simm.s32 $0x0;
	s20 =	sshll.u32 s4, $0x1;
	s4 =	sadd.s32 s21, s2  }
0x9d: {  	[timem:s6], [sflag:s22] =	dma.local [hbm:s4], s20  }
0x9e: {  	_ =	swait.ge [sflag:s22], s20  }
0x9f: {  	s3 =	ssub.s32 $0x0, s20;
	[sflag:s22] =	ssyncset.done $0x0  }
0xa0: {  	[sflag:s22] =	ssyncadd.s32 s3;
	_ =	sdelay $0x1  }
0xa1: {  	s23 =	simm.s32 $0x1B8B  }
0xa2: {  	_ =	swait.ge [sflag:s23], $0x1  }
0xa3: {  	[sflag:s23] =	ssyncset.done $0x0  }
0xa4: {  	s25 =	simm.s32 $0x1B8E;
	s24 =	sld [smem:$0x3FFE];
	[sflag:s23] =	ssyncadd.s32 $0xFFFFFFFF  }
0xa5: {  	s26 =	simm.s32 $execute0_lowered;
	[smem:$0x3FD2] =	sst s25  }
0xa6: {  	s4 =	sshll.u32 s26, $0x1;
	_ =	strace $0x8000004C;
	[dreg:$0x1] =	wrdreg $0xFFFFFFFF  }
0xa7: {  	s28 =	simm.s32 $_size_execute0_lowered;
	s2 =	sadd.s32 s2, s4;
	[dreg:$0x0] =	wrdreg $0x0  }
0xa8: {  	s4 =	sshll.u32 s28, $0x1;
	[dreg:$0x2] =	wrdreg s2  }
0xa9: {  	[dreg:$0x3] =	wrdreg s4  }
0xaa: {  	[dreg:$0x4] =	wrdreg $0xC0  }
0xab: {  	_ =	task [dreg:s6], $0x5FFFF  }
0xac: {  	[dreg:$0x1] =	wrdreg $0xFFFFFFFF  }
0xad: {  	[dreg:$0x0] =	wrdreg $0x60  }
0xae: {  	[dreg:$0x2] =	wrdreg s24  }
0xaf: {  	[dreg:$0x3] =	wrdreg $0x67200  }
0xb0: {  	[dreg:$0x4] =	wrdreg $0x9  }
0xb1: {  	_ =	task.clear_ibuf [dreg:s6], $0x5FFFF;
	_ =	strace $0x9000004C  }
0xb2: {  	s29 =	simm.s32 $0x9;
	_ =	strace $0x8000004E  }
0xb3: {  	_ =	swait.ge [sflag:s29], $0x1  }
0xb4: {  	[sflag:s29] =	ssyncadd.s32 $0xFFFFFFFF  }
0xb5: {  	_ =	strace $0x9000004E  }
0xb6: {  	_ =	sfence  }
0xb7: {  	s30 =	sld [smem:$0x0];
	_ =	sdelay $0x2  }
0xb8: {  	s31 =	sshll.u32 s1, $0xD;
	s1 =	sshrl.u32 s1, $0x2  }
0xb9: {  	s3 =	sand.u32 $0x4000, s31;
	s1 =	sadd.s32 s1, s30  }
0xba: {  	s0 =	sor.u32 s3, s0;
	s1 =	sshll.u32 s1, $0x11  }
0xbb: {  	s0 =	sor.u32 s1, s0  }
0xbc: {  	s0 =	sadd.s32 $0x8F2B, s0  }
0xbd: {  	[sflag:s0] =	ssyncadd.remote.s32 $0x1  }
0xbe: {  	_ =	sfence.sel $0xFFFF  }
0xbf: {  	[dreg:$0x0] =	wrdreg $0xFFFFFFFF;
	(pc) =	sbr.abs _section_cstart, $3  }
0xc0: {  	[dreg:$0x1] =	wrdreg $0xFFFFFFFF  }
0xc1: {  	_ =	task.clear_ibuf [dreg:s6], $0x2FFFF;
	_ =	strace $0x9FFFFFFF  }
0xc2: {  	(tm) =	ssettm $0x7FFFFFFF  }
0xc3: {  	_ =	shalt  }
tec
execute0_lowered:
.L_overlay_start_1:
0x0: {  	(tag) =	ssettag $0x1  }
0x1: {  	s0 =	rddreg [dreg:$0x0]  }
0x2: {  	s1 =	srdreg.scid;
	s2 =	rddreg [dreg:$0x1]  }
0x3: {  	s9 =	stileid.u32;
	s3 =	simm.s32 $0x0;
	s12 =	simm.s32 $0xB  }
0x4: {  	s14 =	simm.s32 $0x50;
	s15 =	simm.s32 $0x4E20;
	s16 =	simm.s32 $0x5320  }
0x5: {  	s18 =	simm.s32 $0x5820;
	s20 =	simm.s32 $0x5D20;
	s22 =	simm.s32 $0x6220  }
0x6: {  	s23 =	simm.s32 $0x1;
	s28 =	simm.s32 $0x3;
	s29 =	simm.s32 $0x8  }
0x7: {  	s30 =	simm.s32 $0x4;
	s31 =	simm.s32 $0x9;
	s17 =	simm.s32 $0x0  }
0x8: {  	s1 =	sand.u32 $0x1, s1;
	s6 =	smul.u32 $0x2800, s9;
	[smem:$0x7FF] =	sst s3  }
0x9: {  	s26 =	sshll.u32 s9, $0x6;
	s4 =	sshll.u32 s1, $0x4;
	s5 =	smul.u32 $0x28000, s1  }
0xa: {  	_ =	strace $0x8000004D;
	s1 =	ssub.s32 $0x2, s1;
	s4 =	sor.u32 s9, s4  }
0xb: {  	s25 =	sshrl.u32 s1, $0x1;
	s11 =	sadd.s32 s6, s2;
	s7 =	smul.u32 $0x4E2, s4  }
0xc: {  	s4 =	sadd.s32 $0x17400, s0;
	s5 =	sadd.s32 s6, s5;
	s1 =	ssub.s32 s1, s25  }
0xd: {  	s6 =	sor.u32 $0x1C0B, s26;
	s11 =	sshrl.u32 s11, $0x3;
	s25 =	simm.s32 $0x2  }
0xe: {  	s26 =	simm.s32 $0x7;
	s24 =	sshrl.u32 s5, $0x3;
	s5 =	sadd.s32 $0x1C400, s0  }
0xf: {  	s10 =	smax.u32 s1, $0x1;
	s1 =	simm.s32 $0xA;
	s8 =	sadd.s32 s7, s0  }
0x10: {  	s0 =	sadd.s32 s24, s0;
	s24 =	simm.s32 $0x6;
	s7 =	sadd.s32 $0xD600, s8  }
0x11: {  	s8 =	sadd.s32 $0x3800, s8;
	s9 =	sadd.s32 $0x1CA00, s0;
	s0 =	simm.s32 $0x5  }
.LBB2_1:
0x12: {  	[spmem:s11], [sflag:s6] =	dma.local [hbm:s5], $0x500  }
0x13: {  	_ =	swait.ge [sflag:s12], $0x500  }
0x14: {  	[sflag:s12] =	ssyncset.done $0x0  }
0x15: {  	[sflag:s12] =	ssyncadd.s32 $0xFFFFFB00  }
0x16: {  	[tilespmem:s3], [sflag:$0xB] =	stream.linear.gather [hbm4b:s7+s3], $0x2710, $0x38;
	[tilespmem:$0x8F20] =	vst v63  }
0x17: {  	_ =	swait.ge [sflag:s12], $0x2710  }
0x18: {  	[sflag:s12] =	ssyncset.done $0x0  }
0x19: {  	s13 =	simm.s32 $0x2710;
	[sflag:s12] =	ssyncadd.s32 $0xFFFFD8F0  }
0x1a: {  	[tilespmem:s13], [sflag:$0xB] =	stream.linear.gather [hbm4b:s8+s3], $0x2710, $0x38;
	[tilespmem:$0x8F20] =	vst v63  }
0x1b: {  	_ =	swait.ge [sflag:s12], $0x2710  }
0x1c: {  	[sflag:s12] =	ssyncset.done $0x0  }
0x1d: {  	[sflag:s12] =	ssyncadd.s32 $0xFFFFD8F0  }
0x1e: {  	[bflag:$0x0] =	sbarrier.arrive $0xFFFF  }
0x1f: {  	[tilespmem:s15], [sflag:$0x1] =	stream.indirect.gather [hbm4b:s4+s14], $0x10, s3, s14, $0xb8;
	[tilespmem:$0x8F20] =	vst v63  }
0x20: {  	_ = 	snop  }
0x21: {  	[tilespmem:s16], [sflag:$0x2] =	stream.indirect.gather [hbm4b:s4+s14], $0x10, s14, s14, $0xb8;
	[tilespmem:$0x8F20] =	vst v63  }
0x22: {  	s21 =	simm.s32 $0xA0  }
0x23: {  	[tilespmem:s18], [sflag:$0x3] =	stream.indirect.gather [hbm4b:s4+s14], $0x10, s21, s14, $0xb8;
	[tilespmem:$0x8F20] =	vst v63  }
0x24: {  	s19 =	simm.s32 $0xF0  }
0x25: {  	[tilespmem:s20], [sflag:$0x4] =	stream.indirect.gather [hbm4b:s4+s14], $0x10, s19, s14, $0xb8;
	[tilespmem:$0x8F20] =	vst v63  }
0x26: {  	s21 =	simm.s32 $0x140  }
0x27: {  	[tilespmem:s22], [sflag:$0x5] =	stream.indirect.gather [hbm4b:s4+s14], $0x10, s21, s14, $0xb8;
	[tilespmem:$0x8F20] =	vst v63  }
0x28: {  	_ =	swait.ge [sflag:s23], $0x500  }
0x29: {  	[sflag:s23] =	ssyncset.done $0x0  }
0x2a: {  	s19 =	simm.s32 $0x2710;
	[sflag:s23] =	ssyncadd.s32 $0xFFFFFB00  }
0x2b: {  	[spmem:s2] =	stream.indirect.scatter.add.f32 [tilespmem:s15], [sflag:$0x6], $0x10, s19, s14, $0xb8;
	[tilespmem:$0x8F20] =	vst v63  }
0x2c: {  	_ =	swait.ge [sflag:s24], $0x500  }
0x2d: {  	[sflag:s24] =	ssyncset.done $0x0  }
0x2e: {  	s13 =	simm.s32 $0x190;
	[sflag:s24] =	ssyncadd.s32 $0xFFFFFB00  }
0x2f: {  	[tilespmem:s15], [sflag:$0x1] =	stream.indirect.gather [hbm4b:s4+s14], $0x10, s13, s14, $0xb8;
	[tilespmem:$0x8F20] =	vst v63  }
0x30: {  	_ =	swait.ge [sflag:s25], $0x500  }
0x31: {  	[sflag:s25] =	ssyncset.done $0x0  }
0x32: {  	s21 =	simm.s32 $0x2760;
	[sflag:s25] =	ssyncadd.s32 $0xFFFFFB00  }
0x33: {  	[spmem:s2] =	stream.indirect.scatter.add.f32 [tilespmem:s16], [sflag:$0x7], $0x10, s21, s14, $0xb8;
	[tilespmem:$0x8F20] =	vst v63  }
0x34: {  	_ =	swait.ge [sflag:s26], $0x500  }
0x35: {  	[sflag:s26] =	ssyncset.done $0x0  }
0x36: {  	s13 =	simm.s32 $0x1E0;
	[sflag:s26] =	ssyncadd.s32 $0xFFFFFB00  }
0x37: {  	[tilespmem:s16], [sflag:$0x2] =	stream.indirect.gather [hbm4b:s4+s14], $0x10, s13, s14, $0xb8;
	[tilespmem:$0x8F20] =	vst v63  }
0x38: {  	_ =	swait.ge [sflag:s28], $0x500  }
0x39: {  	[sflag:s28] =	ssyncset.done $0x0  }
0x3a: {  	s21 =	simm.s32 $0x27B0;
	[sflag:s28] =	ssyncadd.s32 $0xFFFFFB00  }
0x3b: {  	[spmem:s2] =	stream.indirect.scatter.add.f32 [tilespmem:s18], [sflag:$0x8], $0x10, s21, s14, $0xb8;
	[tilespmem:$0x8F20] =	vst v63  }
0x3c: {  	_ =	swait.ge [sflag:s29], $0x500  }
0x3d: {  	[sflag:s29] =	ssyncset.done $0x0  }
0x3e: {  	s13 =	simm.s32 $0x230;
	[sflag:s29] =	ssyncadd.s32 $0xFFFFFB00  }
0x3f: {  	[tilespmem:s18], [sflag:$0x3] =	stream.indirect.gather [hbm4b:s4+s14], $0x10, s13, s14, $0xb8;
	[tilespmem:$0x8F20] =	vst v63  }
0x40: {  	_ =	swait.ge [sflag:s30], $0x500  }
0x41: {  	[sflag:s30] =	ssyncset.done $0x0  }
0x42: {  	s21 =	simm.s32 $0x2800;
	[sflag:s30] =	ssyncadd.s32 $0xFFFFFB00  }
0x43: {  	[spmem:s2] =	stream.indirect.scatter.add.f32 [tilespmem:s20], [sflag:$0x9], $0x10, s21, s14, $0xb8;
	[tilespmem:$0x8F20] =	vst v63  }
0x44: {  	_ =	swait.ge [sflag:s31], $0x500  }
0x45: {  	[sflag:s31] =	ssyncset.done $0x0  }
0x46: {  	s13 =	simm.s32 $0x280;
	[sflag:s31] =	ssyncadd.s32 $0xFFFFFB00  }
0x47: {  	[tilespmem:s20], [sflag:$0x4] =	stream.indirect.gather [hbm4b:s4+s14], $0x10, s13, s14, $0xb8;
	[tilespmem:$0x8F20] =	vst v63  }
0x48: {  	_ =	swait.ge [sflag:s0], $0x500  }
0x49: {  	[sflag:s0] =	ssyncset.done $0x0  }
0x4a: {  	s21 =	simm.s32 $0x2850;
	[sflag:s0] =	ssyncadd.s32 $0xFFFFFB00  }
0x4b: {  	[spmem:s2] =	stream.indirect.scatter.add.f32 [tilespmem:s22], [sflag:$0xA], $0x10, s21, s14, $0xb8;
	[tilespmem:$0x8F20] =	vst v63  }
0x4c: {  	_ =	swait.ge [sflag:s1], $0x500  }
0x4d: {  	[sflag:s1] =	ssyncset.done $0x0  }
0x4e: {  	s19 =	simm.s32 $0x640;
	s21 =	simm.s32 $0x2D0;
	[sflag:s1] =	ssyncadd.s32 $0xFFFFFB00  }
.LBB2_2:
0x4f: {  	[tilespmem:s22], [sflag:$0x5] =	stream.indirect.gather [hbm4b:s4+s14], $0x10, s21, s14, $0xb8;
	[tilespmem:$0x8F20] =	vst v63  }
0x50: {  	s21 =	smov.u32 s19  }
0x51: {  	p0 =	sne.s32 s19, $0x8FC0;
	s19 =	sadd.s32 $0x640, s19;
	_ =	swait.ge [sflag:s23], $0x500  }
0x52: {  	s21 =	sshra.s32 s21, $0x2;
	[sflag:s23] =	ssyncset.done $0x0  }
0x53: {  	s13 =	sadd.s32 $0x2710, s21;
	[sflag:s23] =	ssyncadd.s32 $0xFFFFFB00  }
0x54: {  	[spmem:s2] =	stream.indirect.scatter.add.f32 [tilespmem:s15], [sflag:$0x6], $0x10, s13, s14, $0xb8;
	[tilespmem:$0x8F20] =	vst v63  }
0x55: {  	_ =	swait.ge [sflag:s24], $0x500  }
0x56: {  	[sflag:s24] =	ssyncset.done $0x0  }
0x57: {  	s13 =	sadd.s32 $0x190, s21;
	[sflag:s24] =	ssyncadd.s32 $0xFFFFFB00  }
0x58: {  	[tilespmem:s15], [sflag:$0x1] =	stream.indirect.gather [hbm4b:s4+s14], $0x10, s13, s14, $0xb8;
	[tilespmem:$0x8F20] =	vst v63  }
0x59: {  	_ =	swait.ge [sflag:s25], $0x500  }
0x5a: {  	[sflag:s25] =	ssyncset.done $0x0  }
0x5b: {  	s13 =	sadd.s32 $0x2760, s21;
	[sflag:s25] =	ssyncadd.s32 $0xFFFFFB00  }
0x5c: {  	[spmem:s2] =	stream.indirect.scatter.add.f32 [tilespmem:s16], [sflag:$0x7], $0x10, s13, s14, $0xb8;
	[tilespmem:$0x8F20] =	vst v63  }
0x5d: {  	_ =	swait.ge [sflag:s26], $0x500  }
0x5e: {  	[sflag:s26] =	ssyncset.done $0x0  }
0x5f: {  	s13 =	sadd.s32 $0x1E0, s21;
	[sflag:s26] =	ssyncadd.s32 $0xFFFFFB00  }
0x60: {  	[tilespmem:s16], [sflag:$0x2] =	stream.indirect.gather [hbm4b:s4+s14], $0x10, s13, s14, $0xb8;
	[tilespmem:$0x8F20] =	vst v63  }
0x61: {  	_ =	swait.ge [sflag:s28], $0x500  }
0x62: {  	[sflag:s28] =	ssyncset.done $0x0  }
0x63: {  	s13 =	sadd.s32 $0x27B0, s21;
	[sflag:s28] =	ssyncadd.s32 $0xFFFFFB00  }
0x64: {  	[spmem:s2] =	stream.indirect.scatter.add.f32 [tilespmem:s18], [sflag:$0x8], $0x10, s13, s14, $0xb8;
	[tilespmem:$0x8F20] =	vst v63  }
0x65: {  	_ =	swait.ge [sflag:s29], $0x500  }
0x66: {  	[sflag:s29] =	ssyncset.done $0x0  }
0x67: {  	s13 =	sadd.s32 $0x230, s21;
	[sflag:s29] =	ssyncadd.s32 $0xFFFFFB00  }
0x68: {  	[tilespmem:s18], [sflag:$0x3] =	stream.indirect.gather [hbm4b:s4+s14], $0x10, s13, s14, $0xb8;
	[tilespmem:$0x8F20] =	vst v63  }
0x69: {  	_ =	swait.ge [sflag:s30], $0x500  }
0x6a: {  	[sflag:s30] =	ssyncset.done $0x0  }
0x6b: {  	s13 =	sadd.s32 $0x2800, s21;
	[sflag:s30] =	ssyncadd.s32 $0xFFFFFB00  }
0x6c: {  	[spmem:s2] =	stream.indirect.scatter.add.f32 [tilespmem:s20], [sflag:$0x9], $0x10, s13, s14, $0xb8;
	[tilespmem:$0x8F20] =	vst v63  }
0x6d: {  	_ =	swait.ge [sflag:s31], $0x500  }
0x6e: {  	[sflag:s31] =	ssyncset.done $0x0  }
0x6f: {  	s13 =	sadd.s32 $0x280, s21;
	[sflag:s31] =	ssyncadd.s32 $0xFFFFFB00  }
0x70: {  	[tilespmem:s20], [sflag:$0x4] =	stream.indirect.gather [hbm4b:s4+s14], $0x10, s13, s14, $0xb8;
	[tilespmem:$0x8F20] =	vst v63  }
0x71: {  	_ =	swait.ge [sflag:s0], $0x500  }
0x72: {  	[sflag:s0] =	ssyncset.done $0x0  }
.Ltmp0:
0x73: {  	s13 =	sadd.s32 $0x2850, s21;
	[sflag:s0] =	ssyncadd.s32 $0xFFFFFB00;
	(pc) =	sbr.rel @p0 .LBB2_2-.Ltmp0, $4  }
0x74: {  	[spmem:s2] =	stream.indirect.scatter.add.f32 [tilespmem:s22], [sflag:$0xA], $0x10, s13, s14, $0xb8;
	[tilespmem:$0x8F20] =	vst v63  }
0x75: {  	_ =	swait.ge [sflag:s1], $0x500  }
0x76: {  	[sflag:s1] =	ssyncset.done $0x0  }
0x77: {  	s21 =	sadd.s32 $0x2D0, s21;
	[sflag:s1] =	ssyncadd.s32 $0xFFFFFB00  }
0x78: {  	[tilespmem:s22], [sflag:$0x5] =	stream.indirect.gather [hbm4b:s4+s14], $0x10, s21, s14, $0xb8;
	[tilespmem:$0x8F20] =	vst v63  }
0x79: {  	_ =	swait.ge [sflag:s23], $0x500  }
0x7a: {  	[sflag:s23] =	ssyncset.done $0x0  }
0x7b: {  	s13 =	simm.s32 $0x4C90;
	[sflag:s23] =	ssyncadd.s32 $0xFFFFFB00  }
0x7c: {  	[spmem:s2] =	stream.indirect.scatter.add.f32 [tilespmem:s15], [sflag:$0x6], $0x10, s13, s14, $0xb8;
	[tilespmem:$0x8F20] =	vst v63  }
0x7d: {  	_ =	swait.ge [sflag:s25], $0x500  }
0x7e: {  	[sflag:s25] =	ssyncset.done $0x0  }
0x7f: {  	s19 =	simm.s32 $0x4CE0;
	[sflag:s25] =	ssyncadd.s32 $0xFFFFFB00  }
0x80: {  	[spmem:s2] =	stream.indirect.scatter.add.f32 [tilespmem:s16], [sflag:$0x7], $0x10, s19, s14, $0xb8;
	[tilespmem:$0x8F20] =	vst v63  }
0x81: {  	_ =	swait.ge [sflag:s28], $0x500  }
0x82: {  	[sflag:s28] =	ssyncset.done $0x0  }
0x83: {  	s21 =	simm.s32 $0x4D30;
	[sflag:s28] =	ssyncadd.s32 $0xFFFFFB00  }
0x84: {  	[spmem:s2] =	stream.indirect.scatter.add.f32 [tilespmem:s18], [sflag:$0x8], $0x10, s21, s14, $0xb8;
	[tilespmem:$0x8F20] =	vst v63  }
0x85: {  	_ =	swait.ge [sflag:s30], $0x500  }
0x86: {  	[sflag:s30] =	ssyncset.done $0x0  }
0x87: {  	s19 =	simm.s32 $0x4D80;
	[sflag:s30] =	ssyncadd.s32 $0xFFFFFB00  }
0x88: {  	[spmem:s2] =	stream.indirect.scatter.add.f32 [tilespmem:s20], [sflag:$0x9], $0x10, s19, s14, $0xb8;
	[tilespmem:$0x8F20] =	vst v63  }
0x89: {  	_ =	swait.ge [sflag:s0], $0x500  }
0x8a: {  	[sflag:s0] =	ssyncset.done $0x0  }
0x8b: {  	s21 =	simm.s32 $0x4DD0;
	[sflag:s0] =	ssyncadd.s32 $0xFFFFFB00  }
0x8c: {  	[spmem:s2] =	stream.indirect.scatter.add.f32 [tilespmem:s22], [sflag:$0xA], $0x10, s21, s14, $0xb8;
	[tilespmem:$0x8F20] =	vst v63  }
0x8d: {  	_ =	swait.ge [sflag:s24], $0x500  }
0x8e: {  	[sflag:s24] =	ssyncset.done $0x0  }
0x8f: {  	[sflag:s24] =	ssyncadd.s32 $0xFFFFFB00  }
0x90: {  	_ =	swait.ge [sflag:s26], $0x500  }
0x91: {  	[sflag:s26] =	ssyncset.done $0x0  }
0x92: {  	[sflag:s26] =	ssyncadd.s32 $0xFFFFFB00  }
0x93: {  	_ =	swait.ge [sflag:s29], $0x500  }
0x94: {  	[sflag:s29] =	ssyncset.done $0x0  }
0x95: {  	[sflag:s29] =	ssyncadd.s32 $0xFFFFFB00  }
0x96: {  	_ =	swait.ge [sflag:s31], $0x500  }
0x97: {  	[sflag:s31] =	ssyncset.done $0x0  }
0x98: {  	[sflag:s31] =	ssyncadd.s32 $0xFFFFFB00  }
0x99: {  	_ =	swait.ge [sflag:s1], $0x500  }
0x9a: {  	s17 =	sadd.s32 $0x1, s17;
	[sflag:s1] =	ssyncset.done $0x0  }
0x9b: {  	p0 =	sne.s32 s17, s10;
	[sflag:s1] =	ssyncadd.s32 $0xFFFFFB00  }
.Ltmp1:
0x9c: {  	[bflag:$0x0] =	sbarrier.arrive $0xFFFF;
	(pc) =	sbr.rel @p0 .LBB2_1-.Ltmp1, $4  }
0x9d: {  	[hbm:s9], [sflag:s6] =	dma.local [spmem:s11], $0x500  }
0x9e: {  	_ =	swait.ge [sflag:s12], $0x500  }
0x9f: {  	[sflag:s12] =	ssyncset.done $0x0  }
0xa0: {  	[sflag:s12] =	ssyncadd.s32 $0xFFFFFB00  }
0xa1: {  	_ =	sfence.sel $0x180000  }
0xa2: {  	[bflag:$0x0] =	sbarrier.arrive $0xFFFF  }
0xa3: {  	_ =	strace $0x9000004D  }
0xa4: {  	s0 =	stileid.u32;
	[bflag:$0x2] =	sbarrier.arrive $0xFFFF  }
0xa5: {  	p0 =	sne.s32 s0, $0x0;
	s0 =	rddreg [dreg:$0x2]  }
0xa6: {  	s0 =	sadd.s32 @!p0 $0x100000, s0  }
0xa7: {  	[sflag:s0] =	ssyncadd.tile.s32 @!p0 $0x1;
	_ =	shalt  }
.Lfunc_end2:
_tile_overlayer_lowered:
.L_overlay_start_2:
0xa8: {  	(tag) =	ssettag $0x2  }
0xa9: {  	s0 =	rddreg [dreg:$0x0];
	s2 =	stileid.u32  }
0xaa: {  	s1 =	rddreg [dreg:$0x1];
	p0 =	sne.s32 s2, $0x0  }
0xab: {  	s3 =	rddreg [dreg:$0x2];
	[bflag:$0x3] =	sbarrier.arrive $0xFFFF;
	s2 =	simm.s32 @!p0 $0x1C0B  }
0xac: {  	[timem:s3], [sflag:s2] =	dma.local @!p0 [hbm:s0], s1  }
0xad: {  	s0 =	simm.s32 @!p0 $0xB  }
0xae: {  	_ =	swait.ge @!p0 [sflag:s0], s1  }
0xaf: {  	s1 =	ssub.s32 @!p0 $0x0, s1;
	[sflag:s0] =	ssyncset.done @!p0 $0x0  }
0xb0: {  	[sflag:s0] =	ssyncadd.s32 @!p0 s1  }
0xb1: {  	[bflag:$0x3] =	sbarrier.arrive $0xFFFF  }
0xb2: {  	_ =	shalt  }

// kernel: kernel.9.cloned.1.call-start
scs
__scs_entry_jumppad:
0x0: {  	(pc) =	sbr.rel $0x88, $3  }
0x1: {  	(tag) =	ssettag $0x0;
	lr =	simm.s32 $0x1  }
0x2: {  	[smem:$0x3F94] =	sst lr;
	_ =	strace $0xD0000000  }
0x3: {  	_ = 	snop  }
0x4: {  	_ = 	snop  }
0x5: {  	_ = 	snop  }
0x6: {  	_ = 	snop  }
0x7: {  	_ = 	snop  }
__scs_overlays_trampoline_lowered:
0x8: {  	[smem:$0x3FA3] =	sst s0  }
0x9: {  	[smem:$0x3FA4] =	sst s1  }
0xa: {  	[smem:$0x3FA5] =	sst s2  }
0xb: {  	[smem:$0x3FA6] =	sst s3  }
0xc: {  	[smem:$0x3FA7] =	sst s4  }
0xd: {  	[smem:$0x3FA8] =	sst s5  }
0xe: {  	[smem:$0x3FA9] =	sst s6  }
0xf: {  	[smem:$0x3FAA] =	sst s7  }
0x10: {  	[smem:$0x3FAB] =	sst s8  }
0x11: {  	[smem:$0x3FAC] =	sst s9;
	s0 =	simm.s32 @!p0 $0x0  }
0x12: {  	s1 =	sld [smem:$0x3F92];
	s0 =	simm.s32 @p0 $0x1  }
0x13: {  	[smem:$0x3FAD] =	sst s0;
	s0 =	simm.s32 @!p1 $0x0  }
0x14: {  	s2 =	sld [smem:$0x3F91];
	s0 =	simm.s32 @p1 $0x1  }
0x15: {  	[smem:$0x3FAE] =	sst s0;
	s0 =	simm.s32 @!p2 $0x0  }
0x16: {  	s3 =	sld [smem:$0x3FDB];
	s0 =	simm.s32 @p2 $0x1  }
0x17: {  	s4 =	simm.s32 $0x1BF5;
	[smem:$0x3FB0] =	sst s0  }
0x18: {  	s0 =	sld [smem:$0x3F93];
	_ =	swait.ge [sflag:s4], $0x0  }
0x19: {  	s7 =	sld [smem:$0x3F94]  }
0x1a: {  	s8 =	sadd.s32 $0xFFFFE003, lr  }
0x1b: {  	s9 =	sadd.s32 $0xFFFFFEF7, lr;
	s5 =	simm.s32 $0xFFFFFFFF;
	p2 =	slt.u32 s8, $0xFFFFF086  }
0x1c: {  	p1 =	slt.u32 s9, $0xF7A;
	s5 =	simm.s32 @!p2 $0x0  }
0x1d: {  	s5 =	simm.s32 @p1 $0x1;
	p0 =	seq.s32 s7, s2  }
0x1e: {  	s7 =	smul.u32 @!p0 $0xF7A, s2;
	p2 =	seq.s32 @!p0 s5, $0x0  }
0x1f: {  	s9 =	smul.u32 $0xF7A, s1;
	s8 =	simm.s32 @!p0 $0x1BF5;
	p2 =	por !p2, p0  }
0x20: {  	[sflag:s8] =	ssyncset.s32 @!p0 $0xFFFFF086;
	s6 =	sadd.s32 @!p0 s3, s7;
	s7 =	simm.s32 @!p0 $0x108  }
0x21: {  	s3 =	sadd.s32 s3, s9;
	s6 =	sadd.s32 @!p0 $0x88, s6;
	s7 =	simm.s32 @p2 $0x1082  }
0x22: {  	[simem:s7], [sflag:s8] =	dma.local @!p0 [hbm:s6], $0xF7A  }
0x23: {  	s9 =	sor.u32 $0xD0000000, s2;
	s6 =	simm.s32 $0x108;
	_ =	swait.ge @!p0 [sflag:s8], $0x0  }
0x24: {  	s3 =	sadd.s32 $0x88, s3;
	s6 =	simm.s32 @!p1 $0x1082;
	[sflag:s4] =	ssyncset.s32 $0xFFFFF086  }
0x25: {  	[simem:s6], [sflag:s4] =	dma.local [hbm:s3], $0xF7A  }
0x26: {  	[smem:$0x3F94] =	sst s1;
	(tag) =	ssettag s2;
	_ =	strace s9  }
0x27: {  	s1 =	sld [smem:$0x3FA4]  }
0x28: {  	s2 =	sld [smem:$0x3FA5]  }
0x29: {  	s4 =	sld [smem:$0x3FA7]  }
0x2a: {  	p0 =	seq.s32 s5, $0x0;
	s5 =	sld [smem:$0x3FA8]  }
0x2b: {  	s6 =	sld [smem:$0x3FA9]  }
0x2c: {  	s7 =	sld [smem:$0x3FAA]  }
0x2d: {  	s3 =	simm.s32 $0x108;
	s8 =	sld [smem:$0x3FAB]  }
0x2e: {  	s3 =	simm.s32 @!p0 $0x1082;
	s9 =	sld [smem:$0x3FAC]  }
0x2f: {  	lr =	sadd.s32 s0, s3;
	s0 =	sld [smem:$0x3FA3]  }
0x30: {  	s3 =	sld [smem:$0x3FA6]  }
0x31: {  	[smem:$0x3FAF] =	sst s10  }
0x32: {  	s10 =	sld [smem:$0x3FAD];
	_ =	sdelay $0x3  }
0x33: {  	p0 =	seq.s32 s10, $0x1;
	s10 =	sld [smem:$0x3FAF];
	_ =	sdelay $0x3  }
0x34: {  	[smem:$0x3FAF] =	sst s10  }
0x35: {  	s10 =	sld [smem:$0x3FAE];
	_ =	sdelay $0x3  }
0x36: {  	p1 =	seq.s32 s10, $0x1;
	s10 =	sld [smem:$0x3FAF];
	_ =	sdelay $0x3  }
0x37: {  	[smem:$0x3FAF] =	sst s10  }
0x38: {  	s10 =	sld [smem:$0x3FB0]  }
0x39: {  	_ = 	snop;
	(pc) =	sbr.ind lr, $3  }
0x3a: {  	_ = 	snop  }
0x3b: {  	_ = 	snop  }
0x3c: {  	p2 =	seq.s32 s10, $0x1;
	s10 =	sld [smem:$0x3FAF]  }
0x3d: {  	_ =	shalt  }
0x3e: {  	_ =	shalt  }
0x3f: {  	_ =	shalt  }
0x40: {  	_ =	shalt  }
0x41: {  	_ =	shalt  }
0x42: {  	_ =	shalt  }
0x43: {  	_ =	shalt  }
0x44: {  	_ =	shalt  }
0x45: {  	_ =	shalt  }
0x46: {  	_ =	shalt  }
0x47: {  	_ =	shalt  }
0x48: {  	_ =	shalt  }
0x49: {  	_ =	shalt  }
0x4a: {  	_ =	shalt  }
0x4b: {  	_ =	shalt  }
0x4c: {  	_ =	shalt  }
0x4d: {  	_ =	shalt  }
0x4e: {  	_ =	shalt  }
0x4f: {  	_ =	shalt  }
0x50: {  	_ =	shalt  }
0x51: {  	_ =	shalt  }
0x52: {  	_ =	shalt  }
0x53: {  	_ =	shalt  }
0x54: {  	_ =	shalt  }
0x55: {  	_ =	shalt  }
0x56: {  	_ =	shalt  }
0x57: {  	_ =	shalt  }
0x58: {  	_ =	shalt  }
0x59: {  	_ =	shalt  }
0x5a: {  	_ =	shalt  }
0x5b: {  	_ =	shalt  }
0x5c: {  	_ =	shalt  }
0x5d: {  	_ =	shalt  }
0x5e: {  	_ =	shalt  }
0x5f: {  	_ =	shalt  }
0x60: {  	_ =	shalt  }
0x61: {  	_ =	shalt  }
0x62: {  	_ =	shalt  }
0x63: {  	_ =	shalt  }
0x64: {  	_ =	shalt  }
0x65: {  	_ =	shalt  }
0x66: {  	_ =	shalt  }
0x67: {  	_ =	shalt  }
0x68: {  	_ =	shalt  }
0x69: {  	_ =	shalt  }
0x6a: {  	_ =	shalt  }
0x6b: {  	_ =	shalt  }
0x6c: {  	_ =	shalt  }
0x6d: {  	_ =	shalt  }
0x6e: {  	_ =	shalt  }
0x6f: {  	_ =	shalt  }
0x70: {  	_ =	shalt  }
0x71: {  	_ =	shalt  }
0x72: {  	_ =	shalt  }
0x73: {  	_ =	shalt  }
0x74: {  	_ =	shalt  }
0x75: {  	_ =	shalt  }
0x76: {  	_ =	shalt  }
0x77: {  	_ =	shalt  }
0x78: {  	_ =	shalt  }
0x79: {  	_ =	shalt  }
0x7a: {  	_ =	shalt  }
0x7b: {  	_ =	shalt  }
0x7c: {  	_ =	shalt  }
0x7d: {  	_ =	shalt  }
0x7e: {  	_ =	shalt  }
0x7f: {  	_ =	shalt  }
0x80: {  	_ =	shalt  }
0x81: {  	_ =	shalt  }
0x82: {  	_ =	shalt  }
0x83: {  	_ =	shalt  }
0x84: {  	_ =	shalt  }
0x85: {  	_ =	shalt  }
0x86: {  	_ =	shalt  }
0x87: {  	_ =	shalt  }
.Lfunc_end0:
.L_simem_size_0:
called_computation_lowered:
.L_overlay_start_0:
0x88: {  	s2 =	sld [smem:$0x3FD9]  }
0x89: {  	s3 =	sld [smem:$0x3FFE];
	_ =	sdelay $0x1  }
0x8a: {  	s1 =	srdreg.scid  }
0x8b: {  	s0 =	sand.u32 $0x1, s1  }
0x8c: {  	s16 =	sshll.u32 s0, $0xA;
	s2 =	sadd.s32 s3, s2  }
0x8d: {  	s2 =	sadd.s32 s2, s16  }
0x8e: {  	[smem:$0x3FBB] =	sst s2  }
0x8f: {  	_ = 	snop  }
0x90: {  	(tm) =	ssettm $0x1  }
0x91: {  	s17 =	sld [smem:$0x3FFB];
	_ =	sdelay $0x3  }
0x92: {  	_ =	strace s17  }
0x93: {  	s2 =	sld [smem:$0x3FFC];
	_ =	sdelay $0x3  }
0x94: {  	_ =	strace s2  }
0x95: {  	s2 =	sld [smem:$0x3FFD];
	_ =	sdelay $0x3  }
0x96: {  	_ =	strace s2  }
0x97: {  	_ =	strace $0x8FFFFFFF  }
0x98: {  	s18 =	sld [smem:$0x3FDB];
	_ =	sdelay $0x1  }
0x99: {  	s19 =	simm.s32 $_scs_section_size  }
0x9a: {  	s4 =	simm.s32 $_size__tile_overlayer_lowered;
	s5 =	simm.s32 $_tile_overlayer_lowered  }
0x9b: {  	s22 =	simm.s32 $0x1BFF;
	s21 =	sshll.u32 s5, $0x1;
	s2 =	sadd.s32 s19, s18  }
0x9c: {  	s6 =	simm.s32 $0x0;
	s20 =	sshll.u32 s4, $0x1;
	s4 =	sadd.s32 s21, s2  }
0x9d: {  	[timem:s6], [sflag:s22] =	dma.local [hbm:s4], s20  }
0x9e: {  	_ =	swait.ge [sflag:s22], s20  }
0x9f: {  	s3 =	ssub.s32 $0x0, s20;
	[sflag:s22] =	ssyncset.done $0x0  }
0xa0: {  	[sflag:s22] =	ssyncadd.s32 s3;
	_ =	sdelay $0x1  }
0xa1: {  	s23 =	simm.s32 $0x1B8B  }
0xa2: {  	_ =	swait.ge [sflag:s23], $0x1  }
0xa3: {  	[sflag:s23] =	ssyncset.done $0x0  }
0xa4: {  	s25 =	simm.s32 $0x1B8E;
	s24 =	sld [smem:$0x3FFE];
	[sflag:s23] =	ssyncadd.s32 $0xFFFFFFFF  }
0xa5: {  	s26 =	simm.s32 $execute0_lowered;
	[smem:$0x3FD2] =	sst s25  }
0xa6: {  	s4 =	sshll.u32 s26, $0x1;
	_ =	strace $0x80000046;
	[dreg:$0x1] =	wrdreg $0xFFFFFFFF  }
0xa7: {  	s28 =	simm.s32 $_size_execute0_lowered;
	s2 =	sadd.s32 s2, s4;
	[dreg:$0x0] =	wrdreg $0x0  }
0xa8: {  	s4 =	sshll.u32 s28, $0x1;
	[dreg:$0x2] =	wrdreg s2  }
0xa9: {  	[dreg:$0x3] =	wrdreg s4  }
0xaa: {  	[dreg:$0x4] =	wrdreg $0xC0  }
0xab: {  	_ =	task [dreg:s6], $0x5FFFF  }
0xac: {  	[dreg:$0x1] =	wrdreg $0xFFFFFFFF  }
0xad: {  	[dreg:$0x0] =	wrdreg $0x60  }
0xae: {  	[dreg:$0x2] =	wrdreg s24  }
0xaf: {  	[dreg:$0x3] =	wrdreg $0x67200  }
0xb0: {  	[dreg:$0x4] =	wrdreg $0x94200  }
0xb1: {  	[dreg:$0x5] =	wrdreg $0x9  }
0xb2: {  	_ =	task.clear_ibuf [dreg:s6], $0x6FFFF;
	_ =	strace $0x90000046  }
0xb3: {  	s29 =	simm.s32 $0x9;
	_ =	strace $0x80000048  }
0xb4: {  	_ =	swait.ge [sflag:s29], $0x1  }
0xb5: {  	[sflag:s29] =	ssyncadd.s32 $0xFFFFFFFF  }
0xb6: {  	_ =	strace $0x90000048  }
0xb7: {  	_ =	sfence  }
0xb8: {  	s30 =	sld [smem:$0x0];
	_ =	sdelay $0x2  }
0xb9: {  	s31 =	sshll.u32 s1, $0xD;
	s1 =	sshrl.u32 s1, $0x2  }
0xba: {  	s3 =	sand.u32 $0x4000, s31;
	s1 =	sadd.s32 s1, s30  }
0xbb: {  	s0 =	sor.u32 s3, s0;
	s1 =	sshll.u32 s1, $0x11  }
0xbc: {  	s0 =	sor.u32 s1, s0  }
0xbd: {  	s0 =	sadd.s32 $0x8F2B, s0  }
0xbe: {  	[sflag:s0] =	ssyncadd.remote.s32 $0x1  }
0xbf: {  	_ =	sfence.sel $0xFFFF  }
0xc0: {  	[dreg:$0x0] =	wrdreg $0xFFFFFFFF;
	(pc) =	sbr.abs _section_cstart, $3  }
0xc1: {  	[dreg:$0x1] =	wrdreg $0xFFFFFFFF  }
0xc2: {  	_ =	task.clear_ibuf [dreg:s6], $0x2FFFF;
	_ =	strace $0x9FFFFFFF  }
0xc3: {  	(tm) =	ssettm $0x7FFFFFFF  }
tec
execute0_lowered:
.L_overlay_start_1:
0x0: {  	(tag) =	ssettag $0x1  }
0x1: {  	s0 =	srdreg.scid;
	s1 =	rddreg [dreg:$0x0]  }
0x2: {  	s11 =	stileid.u32;
	s2 =	rddreg [dreg:$0x1]  }
0x3: {  	s19 =	simm.s32 $0x0;
	s15 =	simm.s32 $0xB;
	s17 =	simm.s32 $0x8F20  }
0x4: {  	s28 =	simm.s32 $0x6220;
	s29 =	simm.s32 $0x1;
	s30 =	simm.s32 $0x3  }
0x5: {  	s31 =	simm.s32 $0x5;
	s18 =	simm.s32 $0x8;
	s0 =	sand.u32 $0x1, s0  }
0x6: {  	s9 =	smul.u32 $0x2800, s11;
	[smem:$0x7FF] =	sst s19;
	s5 =	sadd.s32 $0x17400, s1  }
0x7: {  	s20 =	sadd.s32 $0x1C400, s1;
	s21 =	sadd.s32 $0x1CA00, s1;
	s3 =	sshll.u32 s0, $0x4  }
0x8: {  	s23 =	sshll.u32 s11, $0x6;
	s4 =	sor.u32 s11, s3;
	s3 =	rddreg [dreg:$0x2]  }
0x9: {  	s19 =	simm.s32 $0x50;
	_ =	strace $0x80000047;
	[dreg:$0x4] =	wrdreg s20  }
0xa: {  	s7 =	smul.u32 $0x28000, s0;
	s0 =	ssub.s32 $0x2, s0;
	[dreg:$0x5] =	wrdreg s21  }
0xb: {  	s22 =	sshrl.u32 s0, $0x1;
	s14 =	sadd.s32 s9, s2;
	s20 =	simm.s32 $0x4E20  }
0xc: {  	s21 =	simm.s32 $0x9;
	s6 =	smul.u32 $0x4E2, s4;
	s7 =	sadd.s32 s9, s7  }
0xd: {  	s0 =	ssub.s32 s0, s22;
	s16 =	sadd.s32 s9, s3;
	s14 =	sshrl.u32 s14, $0x3  }
0xe: {  	s22 =	simm.s32 $0xA;
	s8 =	sshrl.u32 s7, $0x3;
	s0 =	smax.u32 s0, $0x1  }
0xf: {  	s16 =	sshrl.u32 s16, $0x3;
	s10 =	sadd.s32 s6, s1;
	s1 =	sadd.s32 s8, s1  }
.Ltmp0:
0x10: {  	[dreg:$0xa] =	wrdreg s0;
	s24 =	sadd.s32 $0xD600, s10;
	(pc) =	sbr.rel .LBB2_1-.Ltmp0, $4  }
0x11: {  	s8 =	sor.u32 $0x1C0B, s23;
	s25 =	sadd.s32 $0x3800, s10;
	[dreg:$0x6] =	wrdreg s24  }
0x12: {  	s23 =	simm.s32 $0x5820;
	s26 =	sadd.s32 $0x1CC00, s1;
	[dreg:$0x7] =	wrdreg s25  }
0x13: {  	s0 =	simm.s32 $0x7;
	s1 =	sadd.s32 $0x26C00, s1;
	[dreg:$0x8] =	wrdreg s26  }
0x14: {  	[dreg:$0x9] =	wrdreg s1;
	s1 =	simm.s32 $0x6;
	s24 =	simm.s32 $0x0  }
.LBB2_4:
0x15: {  	_ =	swait.ge [sflag:s1], $0x500  }
0x16: {  	[sflag:s1] =	ssyncset.done $0x0  }
0x17: {  	[sflag:s1] =	ssyncadd.s32 $0xFFFFFB00  }
0x18: {  	_ =	swait.ge [sflag:s1], $0x500  }
0x19: {  	[sflag:s1] =	ssyncset.done $0x0  }
0x1a: {  	[sflag:s1] =	ssyncadd.s32 $0xFFFFFB00  }
0x1b: {  	_ =	swait.ge [sflag:s0], $0x500  }
0x1c: {  	[sflag:s0] =	ssyncset.done $0x0  }
0x1d: {  	[sflag:s0] =	ssyncadd.s32 $0xFFFFFB00  }
0x1e: {  	_ =	swait.ge [sflag:s0], $0x500  }
0x1f: {  	[sflag:s0] =	ssyncset.done $0x0  }
0x20: {  	[sflag:s0] =	ssyncadd.s32 $0xFFFFFB00  }
0x21: {  	_ =	swait.ge [sflag:s18], $0x500  }
0x22: {  	[sflag:s18] =	ssyncset.done $0x0  }
0x23: {  	[sflag:s18] =	ssyncadd.s32 $0xFFFFFB00  }
0x24: {  	_ =	swait.ge [sflag:s18], $0x500  }
0x25: {  	[sflag:s18] =	ssyncset.done $0x0  }
0x26: {  	[sflag:s18] =	ssyncadd.s32 $0xFFFFFB00  }
0x27: {  	_ =	swait.ge [sflag:s21], $0x500  }
0x28: {  	[sflag:s21] =	ssyncset.done $0x0  }
0x29: {  	[sflag:s21] =	ssyncadd.s32 $0xFFFFFB00  }
0x2a: {  	_ =	swait.ge [sflag:s21], $0x500  }
0x2b: {  	[sflag:s21] =	ssyncset.done $0x0  }
0x2c: {  	[sflag:s21] =	ssyncadd.s32 $0xFFFFFB00  }
0x2d: {  	_ =	swait.ge [sflag:s22], $0x500  }
0x2e: {  	[sflag:s22] =	ssyncset.done $0x0  }
0x2f: {  	[sflag:s22] =	ssyncadd.s32 $0xFFFFFB00  }
0x30: {  	_ =	swait.ge [sflag:s22], $0x500  }
0x31: {  	[sflag:s22] =	ssyncset.done $0x0  }
0x32: {  	[sflag:s22] =	ssyncadd.s32 $0xFFFFFB00  }
0x33: {  	[bflag:$0x0] =	sbarrier.arrive $0xFFFF  }
0x34: {  	s4 =	rddreg [dreg:$0x8]  }
0x35: {  	[hbm:s4], [sflag:s8] =	dma.local [spmem:s14], $0x500  }
0x36: {  	_ =	swait.ge [sflag:s15], $0x500  }
0x37: {  	[sflag:s15] =	ssyncset.done $0x0  }
0x38: {  	s25 =	rddreg [dreg:$0x9];
	[sflag:s15] =	ssyncadd.s32 $0xFFFFFB00  }
0x39: {  	[hbm:s25], [sflag:s8] =	dma.local [spmem:s16], $0x500  }
0x3a: {  	_ =	swait.ge [sflag:s15], $0x500  }
0x3b: {  	s24 =	sadd.s32 $0x1, s24;
	s26 =	rddreg [dreg:$0xa]  }
0x3c: {  	p0 =	sne.s32 s24, s26  }
.Ltmp1:
0x3d: {  	_ = 	snop;
	(pc) =	sbr.rel @!p0 .LBB2_5-.Ltmp1, $3  }
0x3e: {  	_ =	sdelay $0x1  }
0x3f: {  	[sflag:s15] =	ssyncset.done $0x0  }
0x40: {  	[sflag:s15] =	ssyncadd.s32 $0xFFFFFB00  }
.LBB2_1:
0x41: {  	s4 =	rddreg [dreg:$0x4]  }
0x42: {  	[spmem:s14], [sflag:s8] =	dma.local [hbm:s4], $0x500  }
0x43: {  	_ =	swait.ge [sflag:s15], $0x500  }
0x44: {  	[sflag:s15] =	ssyncset.done $0x0  }
0x45: {  	[sflag:s15] =	ssyncadd.s32 $0xFFFFFB00  }
0x46: {  	[spmem:s16], [sflag:s8] =	dma.local [hbm:s4], $0x500  }
0x47: {  	_ =	swait.ge [sflag:s15], $0x500  }
0x48: {  	[sflag:s15] =	ssyncset.done $0x0  }
0x49: {  	s26 =	simm.s32 $0x0;
	s6 =	rddreg [dreg:$0x5];
	[sflag:s15] =	ssyncadd.s32 $0xFFFFFB00  }
0x4a: {  	[tilespmem:s17], [sflag:$0xB] =	stream.linear.gather [hbm4b:s6+s26], $0x500, $0x38;
	[tilespmem:$0xBC20] =	vst v63  }
0x4b: {  	_ =	swait.ge [sflag:s15], $0x500  }
0x4c: {  	[sflag:s15] =	ssyncset.done $0x0  }
0x4d: {  	s9 =	rddreg [dreg:$0x6];
	[sflag:s15] =	ssyncadd.s32 $0xFFFFFB00  }
0x4e: {  	[tilespmem:s26], [sflag:$0xB] =	stream.linear.gather [hbm4b:s9+s26], $0x2710, $0x38;
	[tilespmem:$0xBC20] =	vst v63  }
0x4f: {  	_ =	swait.ge [sflag:s15], $0x2710  }
0x50: {  	[sflag:s15] =	ssyncset.done $0x0  }
0x51: {  	s7 =	simm.s32 $0x2710;
	s10 =	rddreg [dreg:$0x7];
	[sflag:s15] =	ssyncadd.s32 $0xFFFFD8F0  }
0x52: {  	[tilespmem:s7], [sflag:$0xB] =	stream.linear.gather [hbm4b:s10+s26], $0x2710, $0x38;
	[tilespmem:$0xBC20] =	vst v63  }
0x53: {  	_ =	swait.ge [sflag:s15], $0x2710  }
0x54: {  	[sflag:s15] =	ssyncset.done $0x0  }
0x55: {  	[sflag:s15] =	ssyncadd.s32 $0xFFFFD8F0  }
0x56: {  	[bflag:$0x0] =	sbarrier.arrive $0xFFFF  }
0x57: {  	[tilespmem:s20], [sflag:$0x1] =	stream.indirect.gather [hbm4b:s5+s19], $0x10, s26, s19, $0xb8;
	[tilespmem:$0xBC20] =	vst v63  }
0x58: {  	s11 =	simm.s32 $0x5320  }
0x59: {  	[tilespmem:s11], [sflag:$0x2] =	stream.indirect.gather [hbm4b:s5+s19], $0x10, s19, s19, $0xb8;
	[tilespmem:$0xBC20] =	vst v63  }
0x5a: {  	s12 =	simm.s32 $0xA0  }
0x5b: {  	[tilespmem:s23], [sflag:$0x3] =	stream.indirect.gather [hbm4b:s5+s19], $0x10, s12, s19, $0xb8;
	[tilespmem:$0xBC20] =	vst v63  }
0x5c: {  	s13 =	simm.s32 $0xF0;
	s25 =	simm.s32 $0x5D20  }
0x5d: {  	[tilespmem:s25], [sflag:$0x4] =	stream.indirect.gather [hbm4b:s5+s19], $0x10, s13, s19, $0xb8;
	[tilespmem:$0xBC20] =	vst v63  }
0x5e: {  	s26 =	simm.s32 $0x140;
	s25 =	simm.s32 $0x0  }
0x5f: {  	[tilespmem:s28], [sflag:$0x5] =	stream.indirect.gather [hbm4b:s5+s19], $0x10, s26, s19, $0xb8;
	[tilespmem:$0xBC20] =	vst v63  }
.LBB2_2:
0x60: {  	_ =	swait.ge [sflag:s29], $0x500  }
0x61: {  	s26 =	sshra.s32 s25, $0x2;
	[sflag:s29] =	ssyncset.done $0x0  }
0x62: {  	s7 =	sadd.s32 $0x2710, s26;
	[sflag:s29] =	ssyncadd.s32 $0xFFFFFB00  }
0x63: {  	[spmem:s2] =	stream.indirect.scatter.add.f32 [tilespmem:s20], [sflag:$0x6], $0x10, s7, s19, $0xb8;
	[tilespmem:$0xBC20] =	vst v63  }
0x64: {  	p0 =	seq.s32 s25, $0x9600  }
0x65: {  	[spmem:s3] =	stream.indirect.scatter.add.f32 [tilespmem:s17], [sflag:$0x6], $0x10, s7, s19, $0xb8;
	[tilespmem:$0xBC20] =	vst v63  }
0x66: {  	s7 =	simm.s32 @p0 $0x2  }
0x67: {  	_ =	swait.ge @p0 [sflag:s7], $0x500  }
0x68: {  	[sflag:s7] =	ssyncset.done @p0 $0x0  }
0x69: {  	[sflag:s7] =	ssyncadd.s32 @p0 $0xFFFFFB00;
	s7 =	sshra.s32 @p0 s25, $0x2  }
0x6a: {  	s10 =	simm.s32 @p0 $0x50;
	s11 =	simm.s32 @p0 $0x5320;
	s9 =	sadd.s32 @p0 $0x2760, s7  }
0x6b: {  	[spmem:s2] =	stream.indirect.scatter.add.f32 @p0 [tilespmem:s11], [sflag:$0x7], $0x10, s9, s10, $0xb8;
	[tilespmem:$0xBC20] =	vst v63  }
0x6c: {  	s11 =	simm.s32 @p0 $0x8F20  }
0x6d: {  	[spmem:s3] =	stream.indirect.scatter.add.f32 @p0 [tilespmem:s11], [sflag:$0x7], $0x10, s9, s10, $0xb8;
	[tilespmem:$0xBC20] =	vst v63  }
0x6e: {  	s9 =	simm.s32 @!p0 $0x6  }
0x6f: {  	_ =	swait.ge @!p0 [sflag:s9], $0x500  }
0x70: {  	[sflag:s9] =	ssyncset.done @!p0 $0x0  }
0x71: {  	[sflag:s9] =	ssyncadd.s32 @!p0 $0xFFFFFB00  }
0x72: {  	_ =	swait.ge @!p0 [sflag:s9], $0x500  }
0x73: {  	[sflag:s9] =	ssyncset.done @!p0 $0x0  }
0x74: {  	[sflag:s9] =	ssyncadd.s32 @!p0 $0xFFFFFB00;
	s9 =	sshra.s32 @!p0 s25, $0x2  }
0x75: {  	s13 =	simm.s32 @!p0 $0x50;
	s4 =	simm.s32 @!p0 $0x4E20;
	s12 =	sadd.s32 @!p0 $0x190, s9  }
0x76: {  	[tilespmem:s4], [sflag:$0x1] =	stream.indirect.gather @!p0 [hbm4b:s5+s13], $0x10, s12, s13, $0xb8;
	[tilespmem:$0xBC20] =	vst v63  }
0x77: {  	s4 =	simm.s32 @!p0 $0x2  }
0x78: {  	_ =	swait.ge @!p0 [sflag:s4], $0x500  }
0x79: {  	[sflag:s4] =	ssyncset.done @!p0 $0x0  }
0x7a: {  	s12 =	simm.s32 @!p0 $0x5320;
	[sflag:s4] =	ssyncadd.s32 @!p0 $0xFFFFFB00;
	s4 =	sadd.s32 @!p0 $0x2760, s9  }
0x7b: {  	[spmem:s2] =	stream.indirect.scatter.add.f32 @!p0 [tilespmem:s12], [sflag:$0x7], $0x10, s4, s13, $0xb8;
	[tilespmem:$0xBC20] =	vst v63  }
0x7c: {  	s6 =	simm.s32 @!p0 $0x8F20  }
0x7d: {  	[spmem:s3] =	stream.indirect.scatter.add.f32 @!p0 [tilespmem:s6], [sflag:$0x7], $0x10, s4, s13, $0xb8;
	[tilespmem:$0xBC20] =	vst v63  }
0x7e: {  	s4 =	simm.s32 @!p0 $0x7  }
0x7f: {  	_ =	swait.ge @!p0 [sflag:s4], $0x500  }
0x80: {  	[sflag:s4] =	ssyncset.done @!p0 $0x0  }
0x81: {  	[sflag:s4] =	ssyncadd.s32 @!p0 $0xFFFFFB00  }
0x82: {  	_ =	swait.ge @!p0 [sflag:s4], $0x500  }
0x83: {  	[sflag:s4] =	ssyncset.done @!p0 $0x0  }
0x84: {  	[sflag:s4] =	ssyncadd.s32 @!p0 $0xFFFFFB00;
	s4 =	sadd.s32 @!p0 $0x1E0, s9  }
0x85: {  	[tilespmem:s12], [sflag:$0x2] =	stream.indirect.gather @!p0 [hbm4b:s5+s13], $0x10, s4, s13, $0xb8;
	[tilespmem:$0xBC20] =	vst v63  }
0x86: {  	_ =	swait.ge [sflag:s30], $0x500  }
0x87: {  	[sflag:s30] =	ssyncset.done $0x0  }
0x88: {  	s12 =	sadd.s32 $0x27B0, s26;
	[sflag:s30] =	ssyncadd.s32 $0xFFFFFB00  }
0x89: {  	[spmem:s2] =	stream.indirect.scatter.add.f32 [tilespmem:s23], [sflag:$0x8], $0x10, s12, s19, $0xb8;
	[tilespmem:$0xBC20] =	vst v63  }
0x8a: {  	s4 =	simm.s32 @p0 $0x4  }
0x8b: {  	[spmem:s3] =	stream.indirect.scatter.add.f32 [tilespmem:s17], [sflag:$0x8], $0x10, s12, s19, $0xb8;
	[tilespmem:$0xBC20] =	vst v63  }
0x8c: {  	_ =	swait.ge @p0 [sflag:s4], $0x500  }
0x8d: {  	[sflag:s4] =	ssyncset.done @p0 $0x0  }
0x8e: {  	[sflag:s4] =	ssyncadd.s32 @p0 $0xFFFFFB00;
	s4 =	sadd.s32 @p0 $0x2800, s7;
	s7 =	simm.s32 @p0 $0x5D20  }
0x8f: {  	[spmem:s2] =	stream.indirect.scatter.add.f32 @p0 [tilespmem:s7], [sflag:$0x9], $0x10, s4, s10, $0xb8;
	[tilespmem:$0xBC20] =	vst v63  }
0x90: {  	_ = 	snop  }
0x91: {  	[spmem:s3] =	stream.indirect.scatter.add.f32 @p0 [tilespmem:s11], [sflag:$0x9], $0x10, s4, s10, $0xb8;
	[tilespmem:$0xBC20] =	vst v63  }
0x92: {  	s4 =	simm.s32 @!p0 $0x8  }
0x93: {  	_ =	swait.ge @!p0 [sflag:s4], $0x500  }
0x94: {  	[sflag:s4] =	ssyncset.done @!p0 $0x0  }
0x95: {  	[sflag:s4] =	ssyncadd.s32 @!p0 $0xFFFFFB00  }
0x96: {  	_ =	swait.ge @!p0 [sflag:s4], $0x500  }
0x97: {  	[sflag:s4] =	ssyncset.done @!p0 $0x0  }
0x98: {  	s7 =	simm.s32 @!p0 $0x5820;
	[sflag:s4] =	ssyncadd.s32 @!p0 $0xFFFFFB00;
	s4 =	sadd.s32 @!p0 $0x230, s9  }
0x99: {  	[tilespmem:s7], [sflag:$0x3] =	stream.indirect.gather @!p0 [hbm4b:s5+s13], $0x10, s4, s13, $0xb8;
	[tilespmem:$0xBC20] =	vst v63  }
0x9a: {  	s4 =	simm.s32 @!p0 $0x4  }
0x9b: {  	_ =	swait.ge @!p0 [sflag:s4], $0x500  }
0x9c: {  	[sflag:s4] =	ssyncset.done @!p0 $0x0  }
0x9d: {  	s7 =	simm.s32 @!p0 $0x5D20;
	[sflag:s4] =	ssyncadd.s32 @!p0 $0xFFFFFB00;
	s4 =	sadd.s32 @!p0 $0x2800, s9  }
0x9e: {  	[spmem:s2] =	stream.indirect.scatter.add.f32 @!p0 [tilespmem:s7], [sflag:$0x9], $0x10, s4, s13, $0xb8;
	[tilespmem:$0xBC20] =	vst v63  }
0x9f: {  	_ = 	snop  }
0xa0: {  	[spmem:s3] =	stream.indirect.scatter.add.f32 @!p0 [tilespmem:s6], [sflag:$0x9], $0x10, s4, s13, $0xb8;
	[tilespmem:$0xBC20] =	vst v63  }
0xa1: {  	s4 =	simm.s32 @!p0 $0x9  }
0xa2: {  	_ =	swait.ge @!p0 [sflag:s4], $0x500  }
0xa3: {  	[sflag:s4] =	ssyncset.done @!p0 $0x0  }
0xa4: {  	[sflag:s4] =	ssyncadd.s32 @!p0 $0xFFFFFB00  }
0xa5: {  	_ =	swait.ge @!p0 [sflag:s4], $0x500  }
0xa6: {  	[sflag:s4] =	ssyncset.done @!p0 $0x0  }
0xa7: {  	[sflag:s4] =	ssyncadd.s32 @!p0 $0xFFFFFB00;
	s4 =	sadd.s32 @!p0 $0x280, s9  }
0xa8: {  	[tilespmem:s7], [sflag:$0x4] =	stream.indirect.gather @!p0 [hbm4b:s5+s13], $0x10, s4, s13, $0xb8;
	[tilespmem:$0xBC20] =	vst v63  }
0xa9: {  	_ =	swait.ge [sflag:s31], $0x500  }
.Ltmp2:
0xaa: {  	[sflag:s31] =	ssyncset.done $0x0;
	(pc) =	sbr.rel @p0 .LBB2_4-.Ltmp2, $4  }
0xab: {  	s13 =	sadd.s32 $0x2850, s26;
	[sflag:s31] =	ssyncadd.s32 $0xFFFFFB00  }
0xac: {  	[spmem:s2] =	stream.indirect.scatter.add.f32 [tilespmem:s28], [sflag:$0xA], $0x10, s13, s19, $0xb8;
	[tilespmem:$0xBC20] =	vst v63  }
0xad: {  	_ = 	snop  }
0xae: {  	[spmem:s3] =	stream.indirect.scatter.add.f32 [tilespmem:s17], [sflag:$0xA], $0x10, s13, s19, $0xb8;
	[tilespmem:$0xBC20] =	vst v63  }
0xaf: {  	_ =	swait.ge [sflag:s22], $0x500  }
0xb0: {  	[sflag:s22] =	ssyncset.done $0x0  }
.Ltmp3:
0xb1: {  	[sflag:s22] =	ssyncadd.s32 $0xFFFFFB00;
	(pc) =	sbr.rel .LBB2_2-.Ltmp3, $4  }
0xb2: {  	_ =	swait.ge [sflag:s22], $0x500  }
0xb3: {  	[sflag:s22] =	ssyncset.done $0x0  }
0xb4: {  	s4 =	sadd.s32 $0x2D0, s26;
	s25 =	sadd.s32 $0x640, s25;
	[sflag:s22] =	ssyncadd.s32 $0xFFFFFB00  }
0xb5: {  	[tilespmem:s28], [sflag:$0x5] =	stream.indirect.gather [hbm4b:s5+s19], $0x10, s4, s19, $0xb8;
	[tilespmem:$0xBC20] =	vst v63  }
.LBB2_5:
0xb6: {  	_ =	sfence.sel $0x180000  }
0xb7: {  	[bflag:$0x0] =	sbarrier.arrive $0xFFFF  }
0xb8: {  	_ =	strace $0x90000047  }
0xb9: {  	s0 =	stileid.u32;
	[bflag:$0x2] =	sbarrier.arrive $0xFFFF  }
0xba: {  	p0 =	sne.s32 s0, $0x0;
	s0 =	rddreg [dreg:$0x3]  }
0xbb: {  	s0 =	sadd.s32 @!p0 $0x100000, s0  }
0xbc: {  	[sflag:s0] =	ssyncadd.tile.s32 @!p0 $0x1;
	_ =	shalt  }
.Lfunc_end2:
_tile_overlayer_lowered:
.L_overlay_start_2:
0xbd: {  	(tag) =	ssettag $0x2  }
0xbe: {  	s0 =	rddreg [dreg:$0x0];
	s2 =	stileid.u32  }
0xbf: {  	s1 =	rddreg [dreg:$0x1];
	p0 =	sne.s32 s2, $0x0  }
0xc0: {  	s3 =	rddreg [dreg:$0x2];
	[bflag:$0x3] =	sbarrier.arrive $0xFFFF;
	s2 =	simm.s32 @!p0 $0x1C0B  }
0xc1: {  	[timem:s3], [sflag:s2] =	dma.local @!p0 [hbm:s0], s1  }
0xc2: {  	s0 =	simm.s32 @!p0 $0xB  }
0xc3: {  	_ =	swait.ge @!p0 [sflag:s0], s1  }
0xc4: {  	s1 =	ssub.s32 @!p0 $0x0, s1;
	[sflag:s0] =	ssyncset.done @!p0 $0x0  }
0xc5: {  	[sflag:s0] =	ssyncadd.s32 @!p0 s1  }
0xc6: {  	[bflag:$0x3] =	sbarrier.arrive $0xFFFF  }
0xc7: {  	_ =	shalt  }

</sc_bundles>
